<compile_context>
chip_gen: v7x
topology: tpu7x:2x2x1
jax: 0.10.2.dev20260603
libtpu: 0.0.44.dev20260713+nightly
codegen_flags: <defaults>
</compile_context>

<pallas_src>
import functools

import jax
import jax.numpy as jnp
from jax import lax
from jax.experimental import pallas as pl
from jax.experimental.pallas import tpu as pltpu
from jax.experimental.pallas import tpu_sc as plsc

_SC_PARAMS = pltpu.CompilerParams(
    use_tc_tiling_on_sc=False, needs_layout_passes=False)


def _perm_kernel(ov_ref, w_ref, op_ref, wn_ref, *, T, CW, CPS, OVC, C):
    cls = lax.broadcasted_iota(jnp.int32, (CW, C), 1)

    def perm_chunk(s0):
        opj = op_ref[pl.ds(s0, CW), :]
        p = (opj == cls).astype(jnp.float32)
        ws = lax.dot_general(
            p, w_ref[...], (((1,), (0,)), ((), ())),
            precision=lax.Precision.HIGHEST,
            preferred_element_type=jnp.float32,
        )
        wn = jnp.sqrt(jnp.sum(ws * ws, axis=1, keepdims=True))
        wn_ref[pl.ds(s0, CW), :] = ws * (1.0 / jnp.maximum(wn, 1e-12))

    for j in range(T):
        perm_chunk(j * CW)

    def ov_perm(m, carry):
        perm_chunk(pl.multiple_of(CPS + m * CW, CW))
        return carry

    lax.fori_loop(0, ov_ref[OVC], ov_perm, 0)


def _sim_sorted_kernel(ov_ref, x_ref, wn_ref, out_ref, *, T, CW, CPS, OVC):
    invs = []
    for t in range(T):
        xt = x_ref[t]
        ss = jnp.sqrt(jnp.sum(xt * xt, axis=1, keepdims=True))
        invs.append(1.0 / jnp.maximum(ss, 1e-12))

    for t in range(T):
        mt = lax.dot_general(
            x_ref[t], wn_ref[pl.ds(t * CW, CW), :], (((1,), (1,)), ((), ())),
            precision=lax.Precision.HIGHEST,
            preferred_element_type=jnp.float32,
        )
        out_ref[:, t * CW:(t + 1) * CW] = mt * invs[t]

    inv_all = jnp.concatenate(invs, axis=1)
    BN = inv_all.shape[0]
    tlane = lax.broadcasted_iota(jnp.int32, (BN, T), 1)

    def ov_body(m, carry):
        tm = ov_ref[m]
        s0 = pl.multiple_of(CPS + m * CW, CW)
        mt = lax.dot_general(
            x_ref[tm], wn_ref[pl.ds(s0, CW), :], (((1,), (1,)), ((), ())),
            precision=lax.Precision.HIGHEST,
            preferred_element_type=jnp.float32,
        )
        inv_t = jnp.sum(jnp.where(tlane == tm, inv_all, 0.0), axis=1,
                        keepdims=True)
        out_ref[:, pl.ds(s0, CW)] = mt * inv_t
        return carry

    lax.fori_loop(0, ov_ref[OVC], ov_body, 0)


def _make_select_kernel(N, CP, CPAD, K, NW):
    spw = N // NW
    nv = (K * spw) // 16
    n_groups = spw // 16
    GC = 128
    mesh = plsc.VectorSubcoreMesh(core_axis_name="c", subcore_axis_name="s")

    @functools.partial(
        pl.kernel, mesh=mesh,
        out_type=jax.ShapeDtypeStruct((N,), jnp.int32),
        compiler_params=_SC_PARAMS,
        scratch_types=[
            pltpu.VMEM((K * spw,), jnp.int32),
            pltpu.VMEM((K * spw,), jnp.int32),
            pltpu.VMEM((CPAD,), jnp.int32),
            pltpu.VMEM((K * spw,), jnp.int32),
            pltpu.VMEM((K * spw,), jnp.float32),
            pltpu.VMEM((spw,), jnp.int32),
            pltpu.SemaphoreType.DMA,
        ],
    )
    def sel(a_hbm, topk_hbm, pos_hbm, out_hbm, topkn_v, topkw_v, pos_v, idx_v,
            vals_v, lbl_v, sem):
        wid = lax.axis_index("s") * 2 + lax.axis_index("c")
        base = wid * spw
        pltpu.sync_copy(topk_hbm.at[pl.ds(base * K, spw * K)], topkn_v)
        pltpu.sync_copy(pos_hbm, pos_v)
        lane = lax.iota(jnp.int32, 16)
        vps = spw // 16

        def idx_body(v, carry):
            k = v // vps
            nl = (v % vps) * 16 + lane
            c_vec = plsc.load_gather(topkn_v, [nl * K + k])
            topkw_v[pl.ds(v * 16, 16)] = c_vec
            p_vec = plsc.load_gather(pos_v, [c_vec])
            idx_v[pl.ds(v * 16, 16)] = (base + nl) * CP + p_vec
            return carry

        lax.fori_loop(0, nv, idx_body, 0)

        copies = []
        for b in range((K * spw) // GC):
            copies.append(pltpu.make_async_copy(
                a_hbm.at[idx_v.at[pl.ds(b * GC, GC)]],
                vals_v.at[pl.ds(b * GC, GC)], sem))
        for cp in copies:
            cp.start()
        for cp in copies:
            cp.wait()

        def group_body(g, carry):
            best_val = jnp.full((16,), -jnp.inf, jnp.float32)
            best_lbl = jnp.zeros((16,), jnp.int32)
            for k in range(K):
                off = k * spw + g * 16
                c_vec = topkw_v[pl.ds(off, 16)]
                vals = vals_v[pl.ds(off, 16)]
                better = vals > best_val
                best_val = jnp.where(better, vals, best_val)
                best_lbl = jnp.where(better, c_vec, best_lbl)
            lbl_v[pl.ds(g * 16, 16)] = best_lbl
            return carry

        lax.fori_loop(0, n_groups, group_body, 0)
        pltpu.sync_copy(lbl_v, out_hbm.at[pl.ds(base, spw)])

    return sel


def _schedule(class_to_task, T, C, CW, CPS, OVC, CPAD):
    ctt = class_to_task.astype(jnp.int32)
    onehot = (ctt[:, None] == jnp.arange(T, dtype=jnp.int32)[None, :])
    cum = jnp.cumsum(onehot.astype(jnp.int32), axis=0)
    counts = cum[-1]
    r = jnp.take_along_axis(cum, ctt[:, None], axis=1)[:, 0] - 1

    ov_cnt = jnp.maximum(counts - CW, 0)
    ovch = (ov_cnt + CW - 1) // CW
    ovcum = jnp.cumsum(ovch)
    ov_first = ovcum - ovch
    total_ov = ovcum[-1]
    m_idx = jnp.arange(OVC, dtype=jnp.int32)
    ov_task = jnp.searchsorted(ovcum, m_idx, side="right").astype(jnp.int32)
    ov_task = jnp.where(m_idx < total_ov, ov_task, -1)
    ov_task = jnp.concatenate([ov_task, total_ov[None].astype(jnp.int32)])

    slot_static = ctt * CW + r
    slot_ov = CPS + (ov_first[ctt] + (r - CW) // CW) * CW + (r - CW) % CW
    pos = jnp.where(r < CW, slot_static, slot_ov).astype(jnp.int32)
    pos_pad = jnp.concatenate([pos, jnp.zeros((CPAD - C,), jnp.int32)])

    CP = CPS + OVC * CW
    order_pad = (jnp.zeros((CP,), jnp.int32)
                 .at[pos].set(jnp.arange(C, dtype=jnp.int32)))
    return ov_task, pos_pad, order_pad


def kernel(X, topk_indices, class_to_task, weight, sigma):
    del sigma
    T, N, D = X.shape
    C = weight.shape[0]
    K = topk_indices.shape[1]
    BN = 256
    CW = 128
    CPS = T * CW
    OVC = 8
    CP = CPS + OVC * CW
    CPAD = 1024
    NW = 32

    ov_task, pos_pad, order_pad = _schedule(
        class_to_task, T, C, CW, CPS, OVC, CPAD)

    wn = pl.pallas_call(
        functools.partial(_perm_kernel, T=T, CW=CW, CPS=CPS, OVC=OVC, C=C),
        grid=(1,),
        in_specs=[
            pl.BlockSpec(memory_space=pltpu.SMEM),
            pl.BlockSpec((C, D), lambda i: (0, 0)),
            pl.BlockSpec((CP, 1), lambda i: (0, 0)),
        ],
        out_specs=pl.BlockSpec((CP, D), lambda i: (0, 0)),
        out_shape=jax.ShapeDtypeStruct((CP, D), jnp.float32),
    )(ov_task, weight, order_pad.reshape(CP, 1))

    a = pl.pallas_call(
        functools.partial(_sim_sorted_kernel, T=T, CW=CW, CPS=CPS, OVC=OVC),
        grid=(N // BN,),
        in_specs=[
            pl.BlockSpec(memory_space=pltpu.SMEM),
            pl.BlockSpec((T, BN, D), lambda i: (0, i, 0)),
            pl.BlockSpec((CP, D), lambda i: (0, 0)),
        ],
        out_specs=pl.BlockSpec((BN, CP), lambda i: (i, 0)),
        out_shape=jax.ShapeDtypeStruct((N, CP), jnp.float32),
    )(ov_task, X, wn)

    return _make_select_kernel(N, CP, CPAD, K, NW)(
        a.reshape(-1), topk_indices.astype(jnp.int32).reshape(-1), pos_pad)

# --- scband reference (transcript-rebuilt; emitter-appended) ---
"""Pipeline reference for scband-top-kcosine-linear-9552007266746 (READ-ONLY COPY).

The authoritative reference and input builder live on the scoring server;
editing this copy changes nothing except your own understanding.
"""

import jax, jax.numpy as jnp
import numpy as np

T, N, D = 10, 4096, 768
C, K = 1000, 32

def setup_inputs(seed: int = 0) -> dict:
    key = jax.random.key(seed)
    k1, k2, k3, k4 = jax.random.split(key, 4)
    X = jax.random.normal(k1, (T, N, D), dtype=jnp.float32)
    topk_indices = jax.random.randint(k2, (N, K), 0, C)
    class_to_task = jax.random.randint(k3, (C,), 0, T)
    stdv = 1.0 / np.sqrt(D)
    weight = jax.random.uniform(k4, (C, D), minval=-stdv, maxval=stdv, dtype=jnp.float32)
    sigma = jnp.ones((1,), dtype=jnp.float32)
    return {"X": X, "topk_indices": topk_indices, "class_to_task": class_to_task, "weight": weight, "sigma": sigma}

def _l2norm(x, axis=-1, eps=1e-12):
    n = jnp.linalg.norm(x, axis=axis, keepdims=True)
    return x / jnp.clip(n, eps, None)

def reference(X, topk_indices, class_to_task, weight, sigma):
    Tn, Nn, Dn = X.shape
    Kn = topk_indices.shape[1]
    # class_task_query(topk_indices) modeled as a lookup table (no grad in torch: torch.no_grad)
    task_indices = jnp.take(class_to_task, topk_indices, axis=0)  # [N, K]
    norm_weight = _l2norm(weight, axis=-1)  # [C, D]
    sample_idx = jnp.broadcast_to(jnp.arange(Nn)[:, None], (Nn, Kn))  # [N, K]
    task_features = X[task_indices, sample_idx, :]  # gather -> [N, K, D]
    tf_norm = _l2norm(task_features, axis=-1)
    selected_weights = jnp.take(norm_weight, topk_indices, axis=0)  # [N, K, D]
    similarities = jnp.einsum('nkd,nkd->nk', tf_norm, selected_weights)  # [N, K]
    index = jnp.argmax(similarities, axis=1)  # [N]
    label = jnp.take_along_axis(topk_indices, index[:, None], axis=1).squeeze(1)  # [N]
    return label

if __name__ == "__main__":
    import jax
    _d = setup_inputs()
    print(jax.jit(kernel)(*tuple(_d.values())))

</pallas_src>

<mosaic_0001>
#map = affine_map<(d0, d1) -> (0)>
module attributes {stable_mosaic.version = 14 : i64} {
  func.func @sel(%arg0: i32, %arg1: i32, %arg2: memref<9437184xf32, #tpu.memory_space<hbm>>, %arg3: memref<131072xi32, #tpu.memory_space<hbm>>, %arg4: memref<1024xi32, #tpu.memory_space<hbm>>, %arg5: memref<4096xi32, #tpu.memory_space<hbm>>, %arg6: memref<4096xi32, #tpu.memory_space<vmem>>, %arg7: memref<4096xi32, #tpu.memory_space<vmem>>, %arg8: memref<1024xi32, #tpu.memory_space<vmem>>, %arg9: memref<4096xi32, #tpu.memory_space<vmem>>, %arg10: memref<4096xf32, #tpu.memory_space<vmem>>, %arg11: memref<128xi32, #tpu.memory_space<vmem>>, %arg12: memref<!tpu.dma_semaphore, #tpu.memory_space<semaphore_mem>>) attributes {dimension_semantics = [#tpu.dimension_semantics<core_parallel>, #tpu.dimension_semantics<subcore_parallel>], iteration_bounds = array<i64: 2, 16>, scalar_prefetch = 0 : i64, scratch_operands = 7 : i64, tpu.core_type = #tpu.core_type<sc_vector_subcore>, window_params = [{transform_indices = #map}, {transform_indices = #map}, {transform_indices = #map}, {transform_indices = #map}]} {
    %mul3A = arith.constant 2 : i32
    %mul3A_0 = arith.muli %arg1, %mul3A : i32
    %add3A = arith.addi %mul3A_0, %arg0 : i32
    %mul3A_1 = arith.constant 128 : i32
    %mul3A_2 = arith.muli %add3A, %mul3A_1 : i32
    %mul3A_3 = arith.constant 32 : i32
    %mul3A_4 = arith.muli %mul3A_2, %mul3A_3 : i32
    "tpu.region"() ({
      %run_scoped3A = tpu.sem_alloc : memref<!tpu.dma_semaphore, #tpu.memory_space<semaphore_mem>>
      %dma_start3A_398 = tpu.memref_slice %arg3[%mul3A_4] : memref<131072xi32, #tpu.memory_space<hbm>> -> memref<4096xi32, #tpu.memory_space<hbm>>
      %dma_start3A_399 = tpu.memref_slice %arg3[%mul3A_4] : memref<131072xi32, #tpu.memory_space<hbm>> -> memref<4096xi32, #tpu.memory_space<hbm>>
      tpu.enqueue_dma source(%dma_start3A_399 : memref<4096xi32, #tpu.memory_space<hbm>>) target(%arg6 : memref<4096xi32, #tpu.memory_space<vmem>>) target_semaphore(%run_scoped3A : memref<!tpu.dma_semaphore, #tpu.memory_space<semaphore_mem>>)
      %dma_wait3A_400 = tpu.memref_slice %arg3[%mul3A_4] : memref<131072xi32, #tpu.memory_space<hbm>> -> memref<4096xi32, #tpu.memory_space<hbm>>
      %dma_wait3A_401 = tpu.memref_slice %arg3[%mul3A_4] : memref<131072xi32, #tpu.memory_space<hbm>> -> memref<4096xi32, #tpu.memory_space<hbm>>
      tpu.wait_dma2 semaphore(%run_scoped3A : memref<!tpu.dma_semaphore, #tpu.memory_space<semaphore_mem>>) src(%dma_wait3A_401 : memref<4096xi32, #tpu.memory_space<hbm>>) dst(%arg6 : memref<4096xi32, #tpu.memory_space<vmem>>)
      tpu.yield
    }) : () -> ()
    "tpu.region"() ({
      %run_scoped3A = tpu.sem_alloc : memref<!tpu.dma_semaphore, #tpu.memory_space<semaphore_mem>>
      tpu.enqueue_dma source(%arg4 : memref<1024xi32, #tpu.memory_space<hbm>>) target(%arg8 : memref<1024xi32, #tpu.memory_space<vmem>>) target_semaphore(%run_scoped3A : memref<!tpu.dma_semaphore, #tpu.memory_space<semaphore_mem>>)
      tpu.wait_dma2 semaphore(%run_scoped3A : memref<!tpu.dma_semaphore, #tpu.memory_space<semaphore_mem>>) src(%arg4 : memref<1024xi32, #tpu.memory_space<hbm>>) dst(%arg8 : memref<1024xi32, #tpu.memory_space<vmem>>)
      tpu.yield
    }) : () -> ()
    %iota3A = tpu.iota {dimensions = array<i32: 0>} : vector<16xi32>
    %scan3A = arith.constant 0 : i32
    %scan3A_5 = arith.constant 0 : i32
    %scan3A_6 = arith.constant 256 : i32
    %scan3A_7 = arith.addi %scan3A_5, %scan3A_6 : i32
    %scan3A_8 = arith.constant 1 : i32
    scf.for %scan3A_398 = %scan3A_5 to %scan3A_7 step %scan3A_8  : i32 {
      %jit3A = arith.constant 8 : i32
      %div3A = arith.divsi %scan3A_398, %jit3A : i32
      %sign3A = arith.constant 0 : i32
      %sign3A_399 = arith.cmpi sgt, %scan3A_398, %sign3A : i32
      %sign3A_400 = arith.extui %sign3A_399 : i1 to i32
      %sign3A_401 = arith.constant 0 : i32
      %sign3A_402 = arith.cmpi slt, %scan3A_398, %sign3A_401 : i32
      %sign3A_403 = arith.extui %sign3A_402 : i1 to i32
      %sign3A_404 = arith.subi %sign3A_400, %sign3A_403 : i32
      %sign3A_405 = arith.constant 0 : i32
      %sign3A_406 = arith.cmpi sgt, %jit3A, %sign3A_405 : i32
      %sign3A_407 = arith.extui %sign3A_406 : i1 to i32
      %sign3A_408 = arith.constant 0 : i32
      %sign3A_409 = arith.cmpi slt, %jit3A, %sign3A_408 : i32
      %sign3A_410 = arith.extui %sign3A_409 : i1 to i32
      %sign3A_411 = arith.subi %sign3A_407, %sign3A_410 : i32
      %ne3A = arith.cmpi ne, %sign3A_404, %sign3A_411 : i32
      %rem3A = arith.remsi %scan3A_398, %jit3A : i32
      %ne3A_412 = arith.constant 0 : i32
      %ne3A_413 = arith.cmpi ne, %rem3A, %ne3A_412 : i32
      %and3A = arith.andi %ne3A, %ne3A_413 : i1
      %sub3A = arith.constant 1 : i32
      %sub3A_414 = arith.subi %div3A, %sub3A : i32
      %select_n3A = arith.select %and3A, %sub3A_414, %div3A : i32
      %jit3A_415 = arith.constant 8 : i32
      %eq3A = arith.constant 0 : i32
      %eq3A_416 = arith.cmpi eq, %jit3A_415, %eq3A : i32
      %jit3A_417 = arith.constant 1 : i32
      %select_n3A_418 = arith.select %eq3A_416, %jit3A_417, %jit3A_415 : i32
      %rem3A_419 = arith.remsi %scan3A_398, %select_n3A_418 : i32
      %ne3A_420 = arith.constant 0 : i32
      %ne3A_421 = arith.cmpi ne, %rem3A_419, %ne3A_420 : i32
      %lt3A = arith.constant 0 : i32
      %lt3A_422 = arith.cmpi slt, %rem3A_419, %lt3A : i32
      %lt3A_423 = arith.constant 0 : i32
      %lt3A_424 = arith.cmpi slt, %select_n3A_418, %lt3A_423 : i32
      %ne3A_425 = arith.xori %lt3A_422, %lt3A_424 : i1
      %and3A_426 = arith.andi %ne3A_425, %ne3A_421 : i1
      %add3A_427 = arith.addi %rem3A_419, %select_n3A_418 : i32
      %select_n3A_428 = arith.select %and3A_426, %add3A_427, %rem3A_419 : i32
      %mul3A_429 = arith.constant 16 : i32
      %mul3A_430 = arith.muli %select_n3A_428, %mul3A_429 : i32
      %add3A_431 = vector.broadcast %mul3A_430 : i32 to vector<16xi32>
      %add3A_432 = arith.addi %add3A_431, %iota3A : vector<16xi32>
      %mul3A_433 = arith.constant 32 : i32
      %mul3A_434 = vector.broadcast %mul3A_433 : i32 to vector<16xi32>
      %mul3A_435 = arith.muli %add3A_432, %mul3A_434 : vector<16xi32>
      %add3A_436 = vector.broadcast %select_n3A : i32 to vector<16xi32>
      %add3A_437 = arith.addi %mul3A_435, %add3A_436 : vector<16xi32>
      %gather3A = tpu.vector_load_idx %arg6[%add3A_437] : memref<4096xi32, #tpu.memory_space<vmem>>[vector<16xi32>], vector<16xi32>,
      %mul3A_438 = arith.constant 16 : i32
      %mul3A_439 = arith.muli %scan3A_398, %mul3A_438 : i32
      %swap3A = arith.index_cast %mul3A_439 : i32 to index
      %swap3A_440 = tpu.vector_load %arg7[%swap3A] {strides = array<i32>} : memref<4096xi32, #tpu.memory_space<vmem>>, vector<16xi32>,
      tpu.vector_store %arg7[%swap3A], %gather3A {strides = array<i32>} : memref<4096xi32, #tpu.memory_space<vmem>>, vector<16xi32>,
      %gather3A_441 = tpu.vector_load_idx %arg8[%gather3A] : memref<1024xi32, #tpu.memory_space<vmem>>[vector<16xi32>], vector<16xi32>,
      %add3A_442 = vector.broadcast %mul3A_2 : i32 to vector<16xi32>
      %add3A_443 = arith.addi %add3A_442, %add3A_432 : vector<16xi32>
      %mul3A_444 = arith.constant 2304 : i32
      %mul3A_445 = vector.broadcast %mul3A_444 : i32 to vector<16xi32>
      %mul3A_446 = arith.muli %add3A_443, %mul3A_445 : vector<16xi32>
      %add3A_447 = arith.addi %mul3A_446, %gather3A_441 : vector<16xi32>
      %mul3A_448 = arith.constant 16 : i32
      %mul3A_449 = arith.muli %scan3A_398, %mul3A_448 : i32
      %swap3A_450 = arith.index_cast %mul3A_449 : i32 to index
      %swap3A_451 = tpu.vector_load %arg9[%swap3A_450] {strides = array<i32>} : memref<4096xi32, #tpu.memory_space<vmem>>, vector<16xi32>,
      tpu.vector_store %arg9[%swap3A_450], %add3A_447 {strides = array<i32>} : memref<4096xi32, #tpu.memory_space<vmem>>, vector<16xi32>,
    }
    %scan3A_9 = arith.constant 256 : i32
    %dma_start3A = arith.constant 0 : i32
    %dma_start3A_10 = tpu.memref_slice %arg10[%dma_start3A] : memref<4096xf32, #tpu.memory_space<vmem>> -> memref<128xf32, #tpu.memory_space<vmem>>
    %dma_start3A_11 = arith.constant 0 : i32
    %dma_start3A_12 = tpu.memref_slice %arg9[%dma_start3A_11] : memref<4096xi32, #tpu.memory_space<vmem>> -> memref<128xi32, #tpu.memory_space<vmem>>
    %dma_start3A_13 = arith.constant 0 : i32
    %dma_start3A_14 = tpu.memref_slice %arg2[%dma_start3A_13] : memref<9437184xf32, #tpu.memory_space<hbm>> -> memref<9437184xf32, #tpu.memory_space<hbm>>
    tpu.enqueue_indirect_dma source(%dma_start3A_14 : memref<9437184xf32, #tpu.memory_space<hbm>>) target(%dma_start3A_10 : memref<128xf32, #tpu.memory_space<vmem>>) offsets(%dma_start3A_12 : memref<128xi32, #tpu.memory_space<vmem>>) semaphore(%arg12 : memref<!tpu.dma_semaphore, #tpu.memory_space<semaphore_mem>>)
    %dma_start3A_15 = arith.constant 128 : i32
    %dma_start3A_16 = tpu.memref_slice %arg10[%dma_start3A_15] : memref<4096xf32, #tpu.memory_space<vmem>> -> memref<128xf32, #tpu.memory_space<vmem>>
    %dma_start3A_17 = arith.constant 128 : i32
    %dma_start3A_18 = tpu.memref_slice %arg9[%dma_start3A_17] : memref<4096xi32, #tpu.memory_space<vmem>> -> memref<128xi32, #tpu.memory_space<vmem>>
    %dma_start3A_19 = arith.constant 0 : i32
    %dma_start3A_20 = tpu.memref_slice %arg2[%dma_start3A_19] : memref<9437184xf32, #tpu.memory_space<hbm>> -> memref<9437184xf32, #tpu.memory_space<hbm>>
    tpu.enqueue_indirect_dma source(%dma_start3A_20 : memref<9437184xf32, #tpu.memory_space<hbm>>) target(%dma_start3A_16 : memref<128xf32, #tpu.memory_space<vmem>>) offsets(%dma_start3A_18 : memref<128xi32, #tpu.memory_space<vmem>>) semaphore(%arg12 : memref<!tpu.dma_semaphore, #tpu.memory_space<semaphore_mem>>)
    %dma_start3A_21 = arith.constant 256 : i32
    %dma_start3A_22 = tpu.memref_slice %arg10[%dma_start3A_21] : memref<4096xf32, #tpu.memory_space<vmem>> -> memref<128xf32, #tpu.memory_space<vmem>>
    %dma_start3A_23 = arith.constant 256 : i32
    %dma_start3A_24 = tpu.memref_slice %arg9[%dma_start3A_23] : memref<4096xi32, #tpu.memory_space<vmem>> -> memref<128xi32, #tpu.memory_space<vmem>>
    %dma_start3A_25 = arith.constant 0 : i32
    %dma_start3A_26 = tpu.memref_slice %arg2[%dma_start3A_25] : memref<9437184xf32, #tpu.memory_space<hbm>> -> memref<9437184xf32, #tpu.memory_space<hbm>>
    tpu.enqueue_indirect_dma source(%dma_start3A_26 : memref<9437184xf32, #tpu.memory_space<hbm>>) target(%dma_start3A_22 : memref<128xf32, #tpu.memory_space<vmem>>) offsets(%dma_start3A_24 : memref<128xi32, #tpu.memory_space<vmem>>) semaphore(%arg12 : memref<!tpu.dma_semaphore, #tpu.memory_space<semaphore_mem>>)
    %dma_start3A_27 = arith.constant 384 : i32
    %dma_start3A_28 = tpu.memref_slice %arg10[%dma_start3A_27] : memref<4096xf32, #tpu.memory_space<vmem>> -> memref<128xf32, #tpu.memory_space<vmem>>
    %dma_start3A_29 = arith.constant 384 : i32
    %dma_start3A_30 = tpu.memref_slice %arg9[%dma_start3A_29] : memref<4096xi32, #tpu.memory_space<vmem>> -> memref<128xi32, #tpu.memory_space<vmem>>
    %dma_start3A_31 = arith.constant 0 : i32
    %dma_start3A_32 = tpu.memref_slice %arg2[%dma_start3A_31] : memref<9437184xf32, #tpu.memory_space<hbm>> -> memref<9437184xf32, #tpu.memory_space<hbm>>
    tpu.enqueue_indirect_dma source(%dma_start3A_32 : memref<9437184xf32, #tpu.memory_space<hbm>>) target(%dma_start3A_28 : memref<128xf32, #tpu.memory_space<vmem>>) offsets(%dma_start3A_30 : memref<128xi32, #tpu.memory_space<vmem>>) semaphore(%arg12 : memref<!tpu.dma_semaphore, #tpu.memory_space<semaphore_mem>>)
    %dma_start3A_33 = arith.constant 512 : i32
    %dma_start3A_34 = tpu.memref_slice %arg10[%dma_start3A_33] : memref<4096xf32, #tpu.memory_space<vmem>> -> memref<128xf32, #tpu.memory_space<vmem>>
    %dma_start3A_35 = arith.constant 512 : i32
    %dma_start3A_36 = tpu.memref_slice %arg9[%dma_start3A_35] : memref<4096xi32, #tpu.memory_space<vmem>> -> memref<128xi32, #tpu.memory_space<vmem>>
    %dma_start3A_37 = arith.constant 0 : i32
    %dma_start3A_38 = tpu.memref_slice %arg2[%dma_start3A_37] : memref<9437184xf32, #tpu.memory_space<hbm>> -> memref<9437184xf32, #tpu.memory_space<hbm>>
    tpu.enqueue_indirect_dma source(%dma_start3A_38 : memref<9437184xf32, #tpu.memory_space<hbm>>) target(%dma_start3A_34 : memref<128xf32, #tpu.memory_space<vmem>>) offsets(%dma_start3A_36 : memref<128xi32, #tpu.memory_space<vmem>>) semaphore(%arg12 : memref<!tpu.dma_semaphore, #tpu.memory_space<semaphore_mem>>)
    %dma_start3A_39 = arith.constant 640 : i32
    %dma_start3A_40 = tpu.memref_slice %arg10[%dma_start3A_39] : memref<4096xf32, #tpu.memory_space<vmem>> -> memref<128xf32, #tpu.memory_space<vmem>>
    %dma_start3A_41 = arith.constant 640 : i32
    %dma_start3A_42 = tpu.memref_slice %arg9[%dma_start3A_41] : memref<4096xi32, #tpu.memory_space<vmem>> -> memref<128xi32, #tpu.memory_space<vmem>>
    %dma_start3A_43 = arith.constant 0 : i32
    %dma_start3A_44 = tpu.memref_slice %arg2[%dma_start3A_43] : memref<9437184xf32, #tpu.memory_space<hbm>> -> memref<9437184xf32, #tpu.memory_space<hbm>>
    tpu.enqueue_indirect_dma source(%dma_start3A_44 : memref<9437184xf32, #tpu.memory_space<hbm>>) target(%dma_start3A_40 : memref<128xf32, #tpu.memory_space<vmem>>) offsets(%dma_start3A_42 : memref<128xi32, #tpu.memory_space<vmem>>) semaphore(%arg12 : memref<!tpu.dma_semaphore, #tpu.memory_space<semaphore_mem>>)
    %dma_start3A_45 = arith.constant 768 : i32
    %dma_start3A_46 = tpu.memref_slice %arg10[%dma_start3A_45] : memref<4096xf32, #tpu.memory_space<vmem>> -> memref<128xf32, #tpu.memory_space<vmem>>
    %dma_start3A_47 = arith.constant 768 : i32
    %dma_start3A_48 = tpu.memref_slice %arg9[%dma_start3A_47] : memref<4096xi32, #tpu.memory_space<vmem>> -> memref<128xi32, #tpu.memory_space<vmem>>
    %dma_start3A_49 = arith.constant 0 : i32
    %dma_start3A_50 = tpu.memref_slice %arg2[%dma_start3A_49] : memref<9437184xf32, #tpu.memory_space<hbm>> -> memref<9437184xf32, #tpu.memory_space<hbm>>
    tpu.enqueue_indirect_dma source(%dma_start3A_50 : memref<9437184xf32, #tpu.memory_space<hbm>>) target(%dma_start3A_46 : memref<128xf32, #tpu.memory_space<vmem>>) offsets(%dma_start3A_48 : memref<128xi32, #tpu.memory_space<vmem>>) semaphore(%arg12 : memref<!tpu.dma_semaphore, #tpu.memory_space<semaphore_mem>>)
    %dma_start3A_51 = arith.constant 896 : i32
    %dma_start3A_52 = tpu.memref_slice %arg10[%dma_start3A_51] : memref<4096xf32, #tpu.memory_space<vmem>> -> memref<128xf32, #tpu.memory_space<vmem>>
    %dma_start3A_53 = arith.constant 896 : i32
    %dma_start3A_54 = tpu.memref_slice %arg9[%dma_start3A_53] : memref<4096xi32, #tpu.memory_space<vmem>> -> memref<128xi32, #tpu.memory_space<vmem>>
    %dma_start3A_55 = arith.constant 0 : i32
    %dma_start3A_56 = tpu.memref_slice %arg2[%dma_start3A_55] : memref<9437184xf32, #tpu.memory_space<hbm>> -> memref<9437184xf32, #tpu.memory_space<hbm>>
    tpu.enqueue_indirect_dma source(%dma_start3A_56 : memref<9437184xf32, #tpu.memory_space<hbm>>) target(%dma_start3A_52 : memref<128xf32, #tpu.memory_space<vmem>>) offsets(%dma_start3A_54 : memref<128xi32, #tpu.memory_space<vmem>>) semaphore(%arg12 : memref<!tpu.dma_semaphore, #tpu.memory_space<semaphore_mem>>)
    %dma_start3A_57 = arith.constant 1024 : i32
    %dma_start3A_58 = tpu.memref_slice %arg10[%dma_start3A_57] : memref<4096xf32, #tpu.memory_space<vmem>> -> memref<128xf32, #tpu.memory_space<vmem>>
    %dma_start3A_59 = arith.constant 1024 : i32
    %dma_start3A_60 = tpu.memref_slice %arg9[%dma_start3A_59] : memref<4096xi32, #tpu.memory_space<vmem>> -> memref<128xi32, #tpu.memory_space<vmem>>
    %dma_start3A_61 = arith.constant 0 : i32
    %dma_start3A_62 = tpu.memref_slice %arg2[%dma_start3A_61] : memref<9437184xf32, #tpu.memory_space<hbm>> -> memref<9437184xf32, #tpu.memory_space<hbm>>
    tpu.enqueue_indirect_dma source(%dma_start3A_62 : memref<9437184xf32, #tpu.memory_space<hbm>>) target(%dma_start3A_58 : memref<128xf32, #tpu.memory_space<vmem>>) offsets(%dma_start3A_60 : memref<128xi32, #tpu.memory_space<vmem>>) semaphore(%arg12 : memref<!tpu.dma_semaphore, #tpu.memory_space<semaphore_mem>>)
    %dma_start3A_63 = arith.constant 1152 : i32
    %dma_start3A_64 = tpu.memref_slice %arg10[%dma_start3A_63] : memref<4096xf32, #tpu.memory_space<vmem>> -> memref<128xf32, #tpu.memory_space<vmem>>
    %dma_start3A_65 = arith.constant 1152 : i32
    %dma_start3A_66 = tpu.memref_slice %arg9[%dma_start3A_65] : memref<4096xi32, #tpu.memory_space<vmem>> -> memref<128xi32, #tpu.memory_space<vmem>>
    %dma_start3A_67 = arith.constant 0 : i32
    %dma_start3A_68 = tpu.memref_slice %arg2[%dma_start3A_67] : memref<9437184xf32, #tpu.memory_space<hbm>> -> memref<9437184xf32, #tpu.memory_space<hbm>>
    tpu.enqueue_indirect_dma source(%dma_start3A_68 : memref<9437184xf32, #tpu.memory_space<hbm>>) target(%dma_start3A_64 : memref<128xf32, #tpu.memory_space<vmem>>) offsets(%dma_start3A_66 : memref<128xi32, #tpu.memory_space<vmem>>) semaphore(%arg12 : memref<!tpu.dma_semaphore, #tpu.memory_space<semaphore_mem>>)
    %dma_start3A_69 = arith.constant 1280 : i32
    %dma_start3A_70 = tpu.memref_slice %arg10[%dma_start3A_69] : memref<4096xf32, #tpu.memory_space<vmem>> -> memref<128xf32, #tpu.memory_space<vmem>>
    %dma_start3A_71 = arith.constant 1280 : i32
    %dma_start3A_72 = tpu.memref_slice %arg9[%dma_start3A_71] : memref<4096xi32, #tpu.memory_space<vmem>> -> memref<128xi32, #tpu.memory_space<vmem>>
    %dma_start3A_73 = arith.constant 0 : i32
    %dma_start3A_74 = tpu.memref_slice %arg2[%dma_start3A_73] : memref<9437184xf32, #tpu.memory_space<hbm>> -> memref<9437184xf32, #tpu.memory_space<hbm>>
    tpu.enqueue_indirect_dma source(%dma_start3A_74 : memref<9437184xf32, #tpu.memory_space<hbm>>) target(%dma_start3A_70 : memref<128xf32, #tpu.memory_space<vmem>>) offsets(%dma_start3A_72 : memref<128xi32, #tpu.memory_space<vmem>>) semaphore(%arg12 : memref<!tpu.dma_semaphore, #tpu.memory_space<semaphore_mem>>)
    %dma_start3A_75 = arith.constant 1408 : i32
    %dma_start3A_76 = tpu.memref_slice %arg10[%dma_start3A_75] : memref<4096xf32, #tpu.memory_space<vmem>> -> memref<128xf32, #tpu.memory_space<vmem>>
    %dma_start3A_77 = arith.constant 1408 : i32
    %dma_start3A_78 = tpu.memref_slice %arg9[%dma_start3A_77] : memref<4096xi32, #tpu.memory_space<vmem>> -> memref<128xi32, #tpu.memory_space<vmem>>
    %dma_start3A_79 = arith.constant 0 : i32
    %dma_start3A_80 = tpu.memref_slice %arg2[%dma_start3A_79] : memref<9437184xf32, #tpu.memory_space<hbm>> -> memref<9437184xf32, #tpu.memory_space<hbm>>
    tpu.enqueue_indirect_dma source(%dma_start3A_80 : memref<9437184xf32, #tpu.memory_space<hbm>>) target(%dma_start3A_76 : memref<128xf32, #tpu.memory_space<vmem>>) offsets(%dma_start3A_78 : memref<128xi32, #tpu.memory_space<vmem>>) semaphore(%arg12 : memref<!tpu.dma_semaphore, #tpu.memory_space<semaphore_mem>>)
    %dma_start3A_81 = arith.constant 1536 : i32
    %dma_start3A_82 = tpu.memref_slice %arg10[%dma_start3A_81] : memref<4096xf32, #tpu.memory_space<vmem>> -> memref<128xf32, #tpu.memory_space<vmem>>
    %dma_start3A_83 = arith.constant 1536 : i32
    %dma_start3A_84 = tpu.memref_slice %arg9[%dma_start3A_83] : memref<4096xi32, #tpu.memory_space<vmem>> -> memref<128xi32, #tpu.memory_space<vmem>>
    %dma_start3A_85 = arith.constant 0 : i32
    %dma_start3A_86 = tpu.memref_slice %arg2[%dma_start3A_85] : memref<9437184xf32, #tpu.memory_space<hbm>> -> memref<9437184xf32, #tpu.memory_space<hbm>>
    tpu.enqueue_indirect_dma source(%dma_start3A_86 : memref<9437184xf32, #tpu.memory_space<hbm>>) target(%dma_start3A_82 : memref<128xf32, #tpu.memory_space<vmem>>) offsets(%dma_start3A_84 : memref<128xi32, #tpu.memory_space<vmem>>) semaphore(%arg12 : memref<!tpu.dma_semaphore, #tpu.memory_space<semaphore_mem>>)
    %dma_start3A_87 = arith.constant 1664 : i32
    %dma_start3A_88 = tpu.memref_slice %arg10[%dma_start3A_87] : memref<4096xf32, #tpu.memory_space<vmem>> -> memref<128xf32, #tpu.memory_space<vmem>>
    %dma_start3A_89 = arith.constant 1664 : i32
    %dma_start3A_90 = tpu.memref_slice %arg9[%dma_start3A_89] : memref<4096xi32, #tpu.memory_space<vmem>> -> memref<128xi32, #tpu.memory_space<vmem>>
    %dma_start3A_91 = arith.constant 0 : i32
    %dma_start3A_92 = tpu.memref_slice %arg2[%dma_start3A_91] : memref<9437184xf32, #tpu.memory_space<hbm>> -> memref<9437184xf32, #tpu.memory_space<hbm>>
    tpu.enqueue_indirect_dma source(%dma_start3A_92 : memref<9437184xf32, #tpu.memory_space<hbm>>) target(%dma_start3A_88 : memref<128xf32, #tpu.memory_space<vmem>>) offsets(%dma_start3A_90 : memref<128xi32, #tpu.memory_space<vmem>>) semaphore(%arg12 : memref<!tpu.dma_semaphore, #tpu.memory_space<semaphore_mem>>)
    %dma_start3A_93 = arith.constant 1792 : i32
    %dma_start3A_94 = tpu.memref_slice %arg10[%dma_start3A_93] : memref<4096xf32, #tpu.memory_space<vmem>> -> memref<128xf32, #tpu.memory_space<vmem>>
    %dma_start3A_95 = arith.constant 1792 : i32
    %dma_start3A_96 = tpu.memref_slice %arg9[%dma_start3A_95] : memref<4096xi32, #tpu.memory_space<vmem>> -> memref<128xi32, #tpu.memory_space<vmem>>
    %dma_start3A_97 = arith.constant 0 : i32
    %dma_start3A_98 = tpu.memref_slice %arg2[%dma_start3A_97] : memref<9437184xf32, #tpu.memory_space<hbm>> -> memref<9437184xf32, #tpu.memory_space<hbm>>
    tpu.enqueue_indirect_dma source(%dma_start3A_98 : memref<9437184xf32, #tpu.memory_space<hbm>>) target(%dma_start3A_94 : memref<128xf32, #tpu.memory_space<vmem>>) offsets(%dma_start3A_96 : memref<128xi32, #tpu.memory_space<vmem>>) semaphore(%arg12 : memref<!tpu.dma_semaphore, #tpu.memory_space<semaphore_mem>>)
    %dma_start3A_99 = arith.constant 1920 : i32
    %dma_start3A_100 = tpu.memref_slice %arg10[%dma_start3A_99] : memref<4096xf32, #tpu.memory_space<vmem>> -> memref<128xf32, #tpu.memory_space<vmem>>
    %dma_start3A_101 = arith.constant 1920 : i32
    %dma_start3A_102 = tpu.memref_slice %arg9[%dma_start3A_101] : memref<4096xi32, #tpu.memory_space<vmem>> -> memref<128xi32, #tpu.memory_space<vmem>>
    %dma_start3A_103 = arith.constant 0 : i32
    %dma_start3A_104 = tpu.memref_slice %arg2[%dma_start3A_103] : memref<9437184xf32, #tpu.memory_space<hbm>> -> memref<9437184xf32, #tpu.memory_space<hbm>>
    tpu.enqueue_indirect_dma source(%dma_start3A_104 : memref<9437184xf32, #tpu.memory_space<hbm>>) target(%dma_start3A_100 : memref<128xf32, #tpu.memory_space<vmem>>) offsets(%dma_start3A_102 : memref<128xi32, #tpu.memory_space<vmem>>) semaphore(%arg12 : memref<!tpu.dma_semaphore, #tpu.memory_space<semaphore_mem>>)
    %dma_start3A_105 = arith.constant 2048 : i32
    %dma_start3A_106 = tpu.memref_slice %arg10[%dma_start3A_105] : memref<4096xf32, #tpu.memory_space<vmem>> -> memref<128xf32, #tpu.memory_space<vmem>>
    %dma_start3A_107 = arith.constant 2048 : i32
    %dma_start3A_108 = tpu.memref_slice %arg9[%dma_start3A_107] : memref<4096xi32, #tpu.memory_space<vmem>> -> memref<128xi32, #tpu.memory_space<vmem>>
    %dma_start3A_109 = arith.constant 0 : i32
    %dma_start3A_110 = tpu.memref_slice %arg2[%dma_start3A_109] : memref<9437184xf32, #tpu.memory_space<hbm>> -> memref<9437184xf32, #tpu.memory_space<hbm>>
    tpu.enqueue_indirect_dma source(%dma_start3A_110 : memref<9437184xf32, #tpu.memory_space<hbm>>) target(%dma_start3A_106 : memref<128xf32, #tpu.memory_space<vmem>>) offsets(%dma_start3A_108 : memref<128xi32, #tpu.memory_space<vmem>>) semaphore(%arg12 : memref<!tpu.dma_semaphore, #tpu.memory_space<semaphore_mem>>)
    %dma_start3A_111 = arith.constant 2176 : i32
    %dma_start3A_112 = tpu.memref_slice %arg10[%dma_start3A_111] : memref<4096xf32, #tpu.memory_space<vmem>> -> memref<128xf32, #tpu.memory_space<vmem>>
    %dma_start3A_113 = arith.constant 2176 : i32
    %dma_start3A_114 = tpu.memref_slice %arg9[%dma_start3A_113] : memref<4096xi32, #tpu.memory_space<vmem>> -> memref<128xi32, #tpu.memory_space<vmem>>
    %dma_start3A_115 = arith.constant 0 : i32
    %dma_start3A_116 = tpu.memref_slice %arg2[%dma_start3A_115] : memref<9437184xf32, #tpu.memory_space<hbm>> -> memref<9437184xf32, #tpu.memory_space<hbm>>
    tpu.enqueue_indirect_dma source(%dma_start3A_116 : memref<9437184xf32, #tpu.memory_space<hbm>>) target(%dma_start3A_112 : memref<128xf32, #tpu.memory_space<vmem>>) offsets(%dma_start3A_114 : memref<128xi32, #tpu.memory_space<vmem>>) semaphore(%arg12 : memref<!tpu.dma_semaphore, #tpu.memory_space<semaphore_mem>>)
    %dma_start3A_117 = arith.constant 2304 : i32
    %dma_start3A_118 = tpu.memref_slice %arg10[%dma_start3A_117] : memref<4096xf32, #tpu.memory_space<vmem>> -> memref<128xf32, #tpu.memory_space<vmem>>
    %dma_start3A_119 = arith.constant 2304 : i32
    %dma_start3A_120 = tpu.memref_slice %arg9[%dma_start3A_119] : memref<4096xi32, #tpu.memory_space<vmem>> -> memref<128xi32, #tpu.memory_space<vmem>>
    %dma_start3A_121 = arith.constant 0 : i32
    %dma_start3A_122 = tpu.memref_slice %arg2[%dma_start3A_121] : memref<9437184xf32, #tpu.memory_space<hbm>> -> memref<9437184xf32, #tpu.memory_space<hbm>>
    tpu.enqueue_indirect_dma source(%dma_start3A_122 : memref<9437184xf32, #tpu.memory_space<hbm>>) target(%dma_start3A_118 : memref<128xf32, #tpu.memory_space<vmem>>) offsets(%dma_start3A_120 : memref<128xi32, #tpu.memory_space<vmem>>) semaphore(%arg12 : memref<!tpu.dma_semaphore, #tpu.memory_space<semaphore_mem>>)
    %dma_start3A_123 = arith.constant 2432 : i32
    %dma_start3A_124 = tpu.memref_slice %arg10[%dma_start3A_123] : memref<4096xf32, #tpu.memory_space<vmem>> -> memref<128xf32, #tpu.memory_space<vmem>>
    %dma_start3A_125 = arith.constant 2432 : i32
    %dma_start3A_126 = tpu.memref_slice %arg9[%dma_start3A_125] : memref<4096xi32, #tpu.memory_space<vmem>> -> memref<128xi32, #tpu.memory_space<vmem>>
    %dma_start3A_127 = arith.constant 0 : i32
    %dma_start3A_128 = tpu.memref_slice %arg2[%dma_start3A_127] : memref<9437184xf32, #tpu.memory_space<hbm>> -> memref<9437184xf32, #tpu.memory_space<hbm>>
    tpu.enqueue_indirect_dma source(%dma_start3A_128 : memref<9437184xf32, #tpu.memory_space<hbm>>) target(%dma_start3A_124 : memref<128xf32, #tpu.memory_space<vmem>>) offsets(%dma_start3A_126 : memref<128xi32, #tpu.memory_space<vmem>>) semaphore(%arg12 : memref<!tpu.dma_semaphore, #tpu.memory_space<semaphore_mem>>)
    %dma_start3A_129 = arith.constant 2560 : i32
    %dma_start3A_130 = tpu.memref_slice %arg10[%dma_start3A_129] : memref<4096xf32, #tpu.memory_space<vmem>> -> memref<128xf32, #tpu.memory_space<vmem>>
    %dma_start3A_131 = arith.constant 2560 : i32
    %dma_start3A_132 = tpu.memref_slice %arg9[%dma_start3A_131] : memref<4096xi32, #tpu.memory_space<vmem>> -> memref<128xi32, #tpu.memory_space<vmem>>
    %dma_start3A_133 = arith.constant 0 : i32
    %dma_start3A_134 = tpu.memref_slice %arg2[%dma_start3A_133] : memref<9437184xf32, #tpu.memory_space<hbm>> -> memref<9437184xf32, #tpu.memory_space<hbm>>
    tpu.enqueue_indirect_dma source(%dma_start3A_134 : memref<9437184xf32, #tpu.memory_space<hbm>>) target(%dma_start3A_130 : memref<128xf32, #tpu.memory_space<vmem>>) offsets(%dma_start3A_132 : memref<128xi32, #tpu.memory_space<vmem>>) semaphore(%arg12 : memref<!tpu.dma_semaphore, #tpu.memory_space<semaphore_mem>>)
    %dma_start3A_135 = arith.constant 2688 : i32
    %dma_start3A_136 = tpu.memref_slice %arg10[%dma_start3A_135] : memref<4096xf32, #tpu.memory_space<vmem>> -> memref<128xf32, #tpu.memory_space<vmem>>
    %dma_start3A_137 = arith.constant 2688 : i32
    %dma_start3A_138 = tpu.memref_slice %arg9[%dma_start3A_137] : memref<4096xi32, #tpu.memory_space<vmem>> -> memref<128xi32, #tpu.memory_space<vmem>>
    %dma_start3A_139 = arith.constant 0 : i32
    %dma_start3A_140 = tpu.memref_slice %arg2[%dma_start3A_139] : memref<9437184xf32, #tpu.memory_space<hbm>> -> memref<9437184xf32, #tpu.memory_space<hbm>>
    tpu.enqueue_indirect_dma source(%dma_start3A_140 : memref<9437184xf32, #tpu.memory_space<hbm>>) target(%dma_start3A_136 : memref<128xf32, #tpu.memory_space<vmem>>) offsets(%dma_start3A_138 : memref<128xi32, #tpu.memory_space<vmem>>) semaphore(%arg12 : memref<!tpu.dma_semaphore, #tpu.memory_space<semaphore_mem>>)
    %dma_start3A_141 = arith.constant 2816 : i32
    %dma_start3A_142 = tpu.memref_slice %arg10[%dma_start3A_141] : memref<4096xf32, #tpu.memory_space<vmem>> -> memref<128xf32, #tpu.memory_space<vmem>>
    %dma_start3A_143 = arith.constant 2816 : i32
    %dma_start3A_144 = tpu.memref_slice %arg9[%dma_start3A_143] : memref<4096xi32, #tpu.memory_space<vmem>> -> memref<128xi32, #tpu.memory_space<vmem>>
    %dma_start3A_145 = arith.constant 0 : i32
    %dma_start3A_146 = tpu.memref_slice %arg2[%dma_start3A_145] : memref<9437184xf32, #tpu.memory_space<hbm>> -> memref<9437184xf32, #tpu.memory_space<hbm>>
    tpu.enqueue_indirect_dma source(%dma_start3A_146 : memref<9437184xf32, #tpu.memory_space<hbm>>) target(%dma_start3A_142 : memref<128xf32, #tpu.memory_space<vmem>>) offsets(%dma_start3A_144 : memref<128xi32, #tpu.memory_space<vmem>>) semaphore(%arg12 : memref<!tpu.dma_semaphore, #tpu.memory_space<semaphore_mem>>)
    %dma_start3A_147 = arith.constant 2944 : i32
    %dma_start3A_148 = tpu.memref_slice %arg10[%dma_start3A_147] : memref<4096xf32, #tpu.memory_space<vmem>> -> memref<128xf32, #tpu.memory_space<vmem>>
    %dma_start3A_149 = arith.constant 2944 : i32
    %dma_start3A_150 = tpu.memref_slice %arg9[%dma_start3A_149] : memref<4096xi32, #tpu.memory_space<vmem>> -> memref<128xi32, #tpu.memory_space<vmem>>
    %dma_start3A_151 = arith.constant 0 : i32
    %dma_start3A_152 = tpu.memref_slice %arg2[%dma_start3A_151] : memref<9437184xf32, #tpu.memory_space<hbm>> -> memref<9437184xf32, #tpu.memory_space<hbm>>
    tpu.enqueue_indirect_dma source(%dma_start3A_152 : memref<9437184xf32, #tpu.memory_space<hbm>>) target(%dma_start3A_148 : memref<128xf32, #tpu.memory_space<vmem>>) offsets(%dma_start3A_150 : memref<128xi32, #tpu.memory_space<vmem>>) semaphore(%arg12 : memref<!tpu.dma_semaphore, #tpu.memory_space<semaphore_mem>>)
    %dma_start3A_153 = arith.constant 3072 : i32
    %dma_start3A_154 = tpu.memref_slice %arg10[%dma_start3A_153] : memref<4096xf32, #tpu.memory_space<vmem>> -> memref<128xf32, #tpu.memory_space<vmem>>
    %dma_start3A_155 = arith.constant 3072 : i32
    %dma_start3A_156 = tpu.memref_slice %arg9[%dma_start3A_155] : memref<4096xi32, #tpu.memory_space<vmem>> -> memref<128xi32, #tpu.memory_space<vmem>>
    %dma_start3A_157 = arith.constant 0 : i32
    %dma_start3A_158 = tpu.memref_slice %arg2[%dma_start3A_157] : memref<9437184xf32, #tpu.memory_space<hbm>> -> memref<9437184xf32, #tpu.memory_space<hbm>>
    tpu.enqueue_indirect_dma source(%dma_start3A_158 : memref<9437184xf32, #tpu.memory_space<hbm>>) target(%dma_start3A_154 : memref<128xf32, #tpu.memory_space<vmem>>) offsets(%dma_start3A_156 : memref<128xi32, #tpu.memory_space<vmem>>) semaphore(%arg12 : memref<!tpu.dma_semaphore, #tpu.memory_space<semaphore_mem>>)
    %dma_start3A_159 = arith.constant 3200 : i32
    %dma_start3A_160 = tpu.memref_slice %arg10[%dma_start3A_159] : memref<4096xf32, #tpu.memory_space<vmem>> -> memref<128xf32, #tpu.memory_space<vmem>>
    %dma_start3A_161 = arith.constant 3200 : i32
    %dma_start3A_162 = tpu.memref_slice %arg9[%dma_start3A_161] : memref<4096xi32, #tpu.memory_space<vmem>> -> memref<128xi32, #tpu.memory_space<vmem>>
    %dma_start3A_163 = arith.constant 0 : i32
    %dma_start3A_164 = tpu.memref_slice %arg2[%dma_start3A_163] : memref<9437184xf32, #tpu.memory_space<hbm>> -> memref<9437184xf32, #tpu.memory_space<hbm>>
    tpu.enqueue_indirect_dma source(%dma_start3A_164 : memref<9437184xf32, #tpu.memory_space<hbm>>) target(%dma_start3A_160 : memref<128xf32, #tpu.memory_space<vmem>>) offsets(%dma_start3A_162 : memref<128xi32, #tpu.memory_space<vmem>>) semaphore(%arg12 : memref<!tpu.dma_semaphore, #tpu.memory_space<semaphore_mem>>)
    %dma_start3A_165 = arith.constant 3328 : i32
    %dma_start3A_166 = tpu.memref_slice %arg10[%dma_start3A_165] : memref<4096xf32, #tpu.memory_space<vmem>> -> memref<128xf32, #tpu.memory_space<vmem>>
    %dma_start3A_167 = arith.constant 3328 : i32
    %dma_start3A_168 = tpu.memref_slice %arg9[%dma_start3A_167] : memref<4096xi32, #tpu.memory_space<vmem>> -> memref<128xi32, #tpu.memory_space<vmem>>
    %dma_start3A_169 = arith.constant 0 : i32
    %dma_start3A_170 = tpu.memref_slice %arg2[%dma_start3A_169] : memref<9437184xf32, #tpu.memory_space<hbm>> -> memref<9437184xf32, #tpu.memory_space<hbm>>
    tpu.enqueue_indirect_dma source(%dma_start3A_170 : memref<9437184xf32, #tpu.memory_space<hbm>>) target(%dma_start3A_166 : memref<128xf32, #tpu.memory_space<vmem>>) offsets(%dma_start3A_168 : memref<128xi32, #tpu.memory_space<vmem>>) semaphore(%arg12 : memref<!tpu.dma_semaphore, #tpu.memory_space<semaphore_mem>>)
    %dma_start3A_171 = arith.constant 3456 : i32
    %dma_start3A_172 = tpu.memref_slice %arg10[%dma_start3A_171] : memref<4096xf32, #tpu.memory_space<vmem>> -> memref<128xf32, #tpu.memory_space<vmem>>
    %dma_start3A_173 = arith.constant 3456 : i32
    %dma_start3A_174 = tpu.memref_slice %arg9[%dma_start3A_173] : memref<4096xi32, #tpu.memory_space<vmem>> -> memref<128xi32, #tpu.memory_space<vmem>>
    %dma_start3A_175 = arith.constant 0 : i32
    %dma_start3A_176 = tpu.memref_slice %arg2[%dma_start3A_175] : memref<9437184xf32, #tpu.memory_space<hbm>> -> memref<9437184xf32, #tpu.memory_space<hbm>>
    tpu.enqueue_indirect_dma source(%dma_start3A_176 : memref<9437184xf32, #tpu.memory_space<hbm>>) target(%dma_start3A_172 : memref<128xf32, #tpu.memory_space<vmem>>) offsets(%dma_start3A_174 : memref<128xi32, #tpu.memory_space<vmem>>) semaphore(%arg12 : memref<!tpu.dma_semaphore, #tpu.memory_space<semaphore_mem>>)
    %dma_start3A_177 = arith.constant 3584 : i32
    %dma_start3A_178 = tpu.memref_slice %arg10[%dma_start3A_177] : memref<4096xf32, #tpu.memory_space<vmem>> -> memref<128xf32, #tpu.memory_space<vmem>>
    %dma_start3A_179 = arith.constant 3584 : i32
    %dma_start3A_180 = tpu.memref_slice %arg9[%dma_start3A_179] : memref<4096xi32, #tpu.memory_space<vmem>> -> memref<128xi32, #tpu.memory_space<vmem>>
    %dma_start3A_181 = arith.constant 0 : i32
    %dma_start3A_182 = tpu.memref_slice %arg2[%dma_start3A_181] : memref<9437184xf32, #tpu.memory_space<hbm>> -> memref<9437184xf32, #tpu.memory_space<hbm>>
    tpu.enqueue_indirect_dma source(%dma_start3A_182 : memref<9437184xf32, #tpu.memory_space<hbm>>) target(%dma_start3A_178 : memref<128xf32, #tpu.memory_space<vmem>>) offsets(%dma_start3A_180 : memref<128xi32, #tpu.memory_space<vmem>>) semaphore(%arg12 : memref<!tpu.dma_semaphore, #tpu.memory_space<semaphore_mem>>)
    %dma_start3A_183 = arith.constant 3712 : i32
    %dma_start3A_184 = tpu.memref_slice %arg10[%dma_start3A_183] : memref<4096xf32, #tpu.memory_space<vmem>> -> memref<128xf32, #tpu.memory_space<vmem>>
    %dma_start3A_185 = arith.constant 3712 : i32
    %dma_start3A_186 = tpu.memref_slice %arg9[%dma_start3A_185] : memref<4096xi32, #tpu.memory_space<vmem>> -> memref<128xi32, #tpu.memory_space<vmem>>
    %dma_start3A_187 = arith.constant 0 : i32
    %dma_start3A_188 = tpu.memref_slice %arg2[%dma_start3A_187] : memref<9437184xf32, #tpu.memory_space<hbm>> -> memref<9437184xf32, #tpu.memory_space<hbm>>
    tpu.enqueue_indirect_dma source(%dma_start3A_188 : memref<9437184xf32, #tpu.memory_space<hbm>>) target(%dma_start3A_184 : memref<128xf32, #tpu.memory_space<vmem>>) offsets(%dma_start3A_186 : memref<128xi32, #tpu.memory_space<vmem>>) semaphore(%arg12 : memref<!tpu.dma_semaphore, #tpu.memory_space<semaphore_mem>>)
    %dma_start3A_189 = arith.constant 3840 : i32
    %dma_start3A_190 = tpu.memref_slice %arg10[%dma_start3A_189] : memref<4096xf32, #tpu.memory_space<vmem>> -> memref<128xf32, #tpu.memory_space<vmem>>
    %dma_start3A_191 = arith.constant 3840 : i32
    %dma_start3A_192 = tpu.memref_slice %arg9[%dma_start3A_191] : memref<4096xi32, #tpu.memory_space<vmem>> -> memref<128xi32, #tpu.memory_space<vmem>>
    %dma_start3A_193 = arith.constant 0 : i32
    %dma_start3A_194 = tpu.memref_slice %arg2[%dma_start3A_193] : memref<9437184xf32, #tpu.memory_space<hbm>> -> memref<9437184xf32, #tpu.memory_space<hbm>>
    tpu.enqueue_indirect_dma source(%dma_start3A_194 : memref<9437184xf32, #tpu.memory_space<hbm>>) target(%dma_start3A_190 : memref<128xf32, #tpu.memory_space<vmem>>) offsets(%dma_start3A_192 : memref<128xi32, #tpu.memory_space<vmem>>) semaphore(%arg12 : memref<!tpu.dma_semaphore, #tpu.memory_space<semaphore_mem>>)
    %dma_start3A_195 = arith.constant 3968 : i32
    %dma_start3A_196 = tpu.memref_slice %arg10[%dma_start3A_195] : memref<4096xf32, #tpu.memory_space<vmem>> -> memref<128xf32, #tpu.memory_space<vmem>>
    %dma_start3A_197 = arith.constant 3968 : i32
    %dma_start3A_198 = tpu.memref_slice %arg9[%dma_start3A_197] : memref<4096xi32, #tpu.memory_space<vmem>> -> memref<128xi32, #tpu.memory_space<vmem>>
    %dma_start3A_199 = arith.constant 0 : i32
    %dma_start3A_200 = tpu.memref_slice %arg2[%dma_start3A_199] : memref<9437184xf32, #tpu.memory_space<hbm>> -> memref<9437184xf32, #tpu.memory_space<hbm>>
    tpu.enqueue_indirect_dma source(%dma_start3A_200 : memref<9437184xf32, #tpu.memory_space<hbm>>) target(%dma_start3A_196 : memref<128xf32, #tpu.memory_space<vmem>>) offsets(%dma_start3A_198 : memref<128xi32, #tpu.memory_space<vmem>>) semaphore(%arg12 : memref<!tpu.dma_semaphore, #tpu.memory_space<semaphore_mem>>)
    %dma_wait3A = arith.constant 0 : i32
    %dma_wait3A_201 = tpu.memref_slice %arg10[%dma_wait3A] : memref<4096xf32, #tpu.memory_space<vmem>> -> memref<128xf32, #tpu.memory_space<vmem>>
    %dma_wait3A_202 = arith.constant 0 : i32
    %dma_wait3A_203 = tpu.memref_slice %arg9[%dma_wait3A_202] : memref<4096xi32, #tpu.memory_space<vmem>> -> memref<128xi32, #tpu.memory_space<vmem>>
    %dma_wait3A_204 = arith.constant 0 : i32
    %dma_wait3A_205 = tpu.memref_slice %arg2[%dma_wait3A_204] : memref<9437184xf32, #tpu.memory_space<hbm>> -> memref<9437184xf32, #tpu.memory_space<hbm>>
    tpu.wait_indirect_dma semaphore(%arg12 : memref<!tpu.dma_semaphore, #tpu.memory_space<semaphore_mem>>) src(%dma_wait3A_205 : memref<9437184xf32, #tpu.memory_space<hbm>>) dst(%dma_wait3A_201 : memref<128xf32, #tpu.memory_space<vmem>>)
    %dma_wait3A_206 = arith.constant 128 : i32
    %dma_wait3A_207 = tpu.memref_slice %arg10[%dma_wait3A_206] : memref<4096xf32, #tpu.memory_space<vmem>> -> memref<128xf32, #tpu.memory_space<vmem>>
    %dma_wait3A_208 = arith.constant 128 : i32
    %dma_wait3A_209 = tpu.memref_slice %arg9[%dma_wait3A_208] : memref<4096xi32, #tpu.memory_space<vmem>> -> memref<128xi32, #tpu.memory_space<vmem>>
    %dma_wait3A_210 = arith.constant 0 : i32
    %dma_wait3A_211 = tpu.memref_slice %arg2[%dma_wait3A_210] : memref<9437184xf32, #tpu.memory_space<hbm>> -> memref<9437184xf32, #tpu.memory_space<hbm>>
    tpu.wait_indirect_dma semaphore(%arg12 : memref<!tpu.dma_semaphore, #tpu.memory_space<semaphore_mem>>) src(%dma_wait3A_211 : memref<9437184xf32, #tpu.memory_space<hbm>>) dst(%dma_wait3A_207 : memref<128xf32, #tpu.memory_space<vmem>>)
    %dma_wait3A_212 = arith.constant 256 : i32
    %dma_wait3A_213 = tpu.memref_slice %arg10[%dma_wait3A_212] : memref<4096xf32, #tpu.memory_space<vmem>> -> memref<128xf32, #tpu.memory_space<vmem>>
    %dma_wait3A_214 = arith.constant 256 : i32
    %dma_wait3A_215 = tpu.memref_slice %arg9[%dma_wait3A_214] : memref<4096xi32, #tpu.memory_space<vmem>> -> memref<128xi32, #tpu.memory_space<vmem>>
    %dma_wait3A_216 = arith.constant 0 : i32
    %dma_wait3A_217 = tpu.memref_slice %arg2[%dma_wait3A_216] : memref<9437184xf32, #tpu.memory_space<hbm>> -> memref<9437184xf32, #tpu.memory_space<hbm>>
    tpu.wait_indirect_dma semaphore(%arg12 : memref<!tpu.dma_semaphore, #tpu.memory_space<semaphore_mem>>) src(%dma_wait3A_217 : memref<9437184xf32, #tpu.memory_space<hbm>>) dst(%dma_wait3A_213 : memref<128xf32, #tpu.memory_space<vmem>>)
    %dma_wait3A_218 = arith.constant 384 : i32
    %dma_wait3A_219 = tpu.memref_slice %arg10[%dma_wait3A_218] : memref<4096xf32, #tpu.memory_space<vmem>> -> memref<128xf32, #tpu.memory_space<vmem>>
    %dma_wait3A_220 = arith.constant 384 : i32
    %dma_wait3A_221 = tpu.memref_slice %arg9[%dma_wait3A_220] : memref<4096xi32, #tpu.memory_space<vmem>> -> memref<128xi32, #tpu.memory_space<vmem>>
    %dma_wait3A_222 = arith.constant 0 : i32
    %dma_wait3A_223 = tpu.memref_slice %arg2[%dma_wait3A_222] : memref<9437184xf32, #tpu.memory_space<hbm>> -> memref<9437184xf32, #tpu.memory_space<hbm>>
    tpu.wait_indirect_dma semaphore(%arg12 : memref<!tpu.dma_semaphore, #tpu.memory_space<semaphore_mem>>) src(%dma_wait3A_223 : memref<9437184xf32, #tpu.memory_space<hbm>>) dst(%dma_wait3A_219 : memref<128xf32, #tpu.memory_space<vmem>>)
    %dma_wait3A_224 = arith.constant 512 : i32
    %dma_wait3A_225 = tpu.memref_slice %arg10[%dma_wait3A_224] : memref<4096xf32, #tpu.memory_space<vmem>> -> memref<128xf32, #tpu.memory_space<vmem>>
    %dma_wait3A_226 = arith.constant 512 : i32
    %dma_wait3A_227 = tpu.memref_slice %arg9[%dma_wait3A_226] : memref<4096xi32, #tpu.memory_space<vmem>> -> memref<128xi32, #tpu.memory_space<vmem>>
    %dma_wait3A_228 = arith.constant 0 : i32
    %dma_wait3A_229 = tpu.memref_slice %arg2[%dma_wait3A_228] : memref<9437184xf32, #tpu.memory_space<hbm>> -> memref<9437184xf32, #tpu.memory_space<hbm>>
    tpu.wait_indirect_dma semaphore(%arg12 : memref<!tpu.dma_semaphore, #tpu.memory_space<semaphore_mem>>) src(%dma_wait3A_229 : memref<9437184xf32, #tpu.memory_space<hbm>>) dst(%dma_wait3A_225 : memref<128xf32, #tpu.memory_space<vmem>>)
    %dma_wait3A_230 = arith.constant 640 : i32
    %dma_wait3A_231 = tpu.memref_slice %arg10[%dma_wait3A_230] : memref<4096xf32, #tpu.memory_space<vmem>> -> memref<128xf32, #tpu.memory_space<vmem>>
    %dma_wait3A_232 = arith.constant 640 : i32
    %dma_wait3A_233 = tpu.memref_slice %arg9[%dma_wait3A_232] : memref<4096xi32, #tpu.memory_space<vmem>> -> memref<128xi32, #tpu.memory_space<vmem>>
    %dma_wait3A_234 = arith.constant 0 : i32
    %dma_wait3A_235 = tpu.memref_slice %arg2[%dma_wait3A_234] : memref<9437184xf32, #tpu.memory_space<hbm>> -> memref<9437184xf32, #tpu.memory_space<hbm>>
    tpu.wait_indirect_dma semaphore(%arg12 : memref<!tpu.dma_semaphore, #tpu.memory_space<semaphore_mem>>) src(%dma_wait3A_235 : memref<9437184xf32, #tpu.memory_space<hbm>>) dst(%dma_wait3A_231 : memref<128xf32, #tpu.memory_space<vmem>>)
    %dma_wait3A_236 = arith.constant 768 : i32
    %dma_wait3A_237 = tpu.memref_slice %arg10[%dma_wait3A_236] : memref<4096xf32, #tpu.memory_space<vmem>> -> memref<128xf32, #tpu.memory_space<vmem>>
    %dma_wait3A_238 = arith.constant 768 : i32
    %dma_wait3A_239 = tpu.memref_slice %arg9[%dma_wait3A_238] : memref<4096xi32, #tpu.memory_space<vmem>> -> memref<128xi32, #tpu.memory_space<vmem>>
    %dma_wait3A_240 = arith.constant 0 : i32
    %dma_wait3A_241 = tpu.memref_slice %arg2[%dma_wait3A_240] : memref<9437184xf32, #tpu.memory_space<hbm>> -> memref<9437184xf32, #tpu.memory_space<hbm>>
    tpu.wait_indirect_dma semaphore(%arg12 : memref<!tpu.dma_semaphore, #tpu.memory_space<semaphore_mem>>) src(%dma_wait3A_241 : memref<9437184xf32, #tpu.memory_space<hbm>>) dst(%dma_wait3A_237 : memref<128xf32, #tpu.memory_space<vmem>>)
    %dma_wait3A_242 = arith.constant 896 : i32
    %dma_wait3A_243 = tpu.memref_slice %arg10[%dma_wait3A_242] : memref<4096xf32, #tpu.memory_space<vmem>> -> memref<128xf32, #tpu.memory_space<vmem>>
    %dma_wait3A_244 = arith.constant 896 : i32
    %dma_wait3A_245 = tpu.memref_slice %arg9[%dma_wait3A_244] : memref<4096xi32, #tpu.memory_space<vmem>> -> memref<128xi32, #tpu.memory_space<vmem>>
    %dma_wait3A_246 = arith.constant 0 : i32
    %dma_wait3A_247 = tpu.memref_slice %arg2[%dma_wait3A_246] : memref<9437184xf32, #tpu.memory_space<hbm>> -> memref<9437184xf32, #tpu.memory_space<hbm>>
    tpu.wait_indirect_dma semaphore(%arg12 : memref<!tpu.dma_semaphore, #tpu.memory_space<semaphore_mem>>) src(%dma_wait3A_247 : memref<9437184xf32, #tpu.memory_space<hbm>>) dst(%dma_wait3A_243 : memref<128xf32, #tpu.memory_space<vmem>>)
    %dma_wait3A_248 = arith.constant 1024 : i32
    %dma_wait3A_249 = tpu.memref_slice %arg10[%dma_wait3A_248] : memref<4096xf32, #tpu.memory_space<vmem>> -> memref<128xf32, #tpu.memory_space<vmem>>
    %dma_wait3A_250 = arith.constant 1024 : i32
    %dma_wait3A_251 = tpu.memref_slice %arg9[%dma_wait3A_250] : memref<4096xi32, #tpu.memory_space<vmem>> -> memref<128xi32, #tpu.memory_space<vmem>>
    %dma_wait3A_252 = arith.constant 0 : i32
    %dma_wait3A_253 = tpu.memref_slice %arg2[%dma_wait3A_252] : memref<9437184xf32, #tpu.memory_space<hbm>> -> memref<9437184xf32, #tpu.memory_space<hbm>>
    tpu.wait_indirect_dma semaphore(%arg12 : memref<!tpu.dma_semaphore, #tpu.memory_space<semaphore_mem>>) src(%dma_wait3A_253 : memref<9437184xf32, #tpu.memory_space<hbm>>) dst(%dma_wait3A_249 : memref<128xf32, #tpu.memory_space<vmem>>)
    %dma_wait3A_254 = arith.constant 1152 : i32
    %dma_wait3A_255 = tpu.memref_slice %arg10[%dma_wait3A_254] : memref<4096xf32, #tpu.memory_space<vmem>> -> memref<128xf32, #tpu.memory_space<vmem>>
    %dma_wait3A_256 = arith.constant 1152 : i32
    %dma_wait3A_257 = tpu.memref_slice %arg9[%dma_wait3A_256] : memref<4096xi32, #tpu.memory_space<vmem>> -> memref<128xi32, #tpu.memory_space<vmem>>
    %dma_wait3A_258 = arith.constant 0 : i32
    %dma_wait3A_259 = tpu.memref_slice %arg2[%dma_wait3A_258] : memref<9437184xf32, #tpu.memory_space<hbm>> -> memref<9437184xf32, #tpu.memory_space<hbm>>
    tpu.wait_indirect_dma semaphore(%arg12 : memref<!tpu.dma_semaphore, #tpu.memory_space<semaphore_mem>>) src(%dma_wait3A_259 : memref<9437184xf32, #tpu.memory_space<hbm>>) dst(%dma_wait3A_255 : memref<128xf32, #tpu.memory_space<vmem>>)
    %dma_wait3A_260 = arith.constant 1280 : i32
    %dma_wait3A_261 = tpu.memref_slice %arg10[%dma_wait3A_260] : memref<4096xf32, #tpu.memory_space<vmem>> -> memref<128xf32, #tpu.memory_space<vmem>>
    %dma_wait3A_262 = arith.constant 1280 : i32
    %dma_wait3A_263 = tpu.memref_slice %arg9[%dma_wait3A_262] : memref<4096xi32, #tpu.memory_space<vmem>> -> memref<128xi32, #tpu.memory_space<vmem>>
    %dma_wait3A_264 = arith.constant 0 : i32
    %dma_wait3A_265 = tpu.memref_slice %arg2[%dma_wait3A_264] : memref<9437184xf32, #tpu.memory_space<hbm>> -> memref<9437184xf32, #tpu.memory_space<hbm>>
    tpu.wait_indirect_dma semaphore(%arg12 : memref<!tpu.dma_semaphore, #tpu.memory_space<semaphore_mem>>) src(%dma_wait3A_265 : memref<9437184xf32, #tpu.memory_space<hbm>>) dst(%dma_wait3A_261 : memref<128xf32, #tpu.memory_space<vmem>>)
    %dma_wait3A_266 = arith.constant 1408 : i32
    %dma_wait3A_267 = tpu.memref_slice %arg10[%dma_wait3A_266] : memref<4096xf32, #tpu.memory_space<vmem>> -> memref<128xf32, #tpu.memory_space<vmem>>
    %dma_wait3A_268 = arith.constant 1408 : i32
    %dma_wait3A_269 = tpu.memref_slice %arg9[%dma_wait3A_268] : memref<4096xi32, #tpu.memory_space<vmem>> -> memref<128xi32, #tpu.memory_space<vmem>>
    %dma_wait3A_270 = arith.constant 0 : i32
    %dma_wait3A_271 = tpu.memref_slice %arg2[%dma_wait3A_270] : memref<9437184xf32, #tpu.memory_space<hbm>> -> memref<9437184xf32, #tpu.memory_space<hbm>>
    tpu.wait_indirect_dma semaphore(%arg12 : memref<!tpu.dma_semaphore, #tpu.memory_space<semaphore_mem>>) src(%dma_wait3A_271 : memref<9437184xf32, #tpu.memory_space<hbm>>) dst(%dma_wait3A_267 : memref<128xf32, #tpu.memory_space<vmem>>)
    %dma_wait3A_272 = arith.constant 1536 : i32
    %dma_wait3A_273 = tpu.memref_slice %arg10[%dma_wait3A_272] : memref<4096xf32, #tpu.memory_space<vmem>> -> memref<128xf32, #tpu.memory_space<vmem>>
    %dma_wait3A_274 = arith.constant 1536 : i32
    %dma_wait3A_275 = tpu.memref_slice %arg9[%dma_wait3A_274] : memref<4096xi32, #tpu.memory_space<vmem>> -> memref<128xi32, #tpu.memory_space<vmem>>
    %dma_wait3A_276 = arith.constant 0 : i32
    %dma_wait3A_277 = tpu.memref_slice %arg2[%dma_wait3A_276] : memref<9437184xf32, #tpu.memory_space<hbm>> -> memref<9437184xf32, #tpu.memory_space<hbm>>
    tpu.wait_indirect_dma semaphore(%arg12 : memref<!tpu.dma_semaphore, #tpu.memory_space<semaphore_mem>>) src(%dma_wait3A_277 : memref<9437184xf32, #tpu.memory_space<hbm>>) dst(%dma_wait3A_273 : memref<128xf32, #tpu.memory_space<vmem>>)
    %dma_wait3A_278 = arith.constant 1664 : i32
    %dma_wait3A_279 = tpu.memref_slice %arg10[%dma_wait3A_278] : memref<4096xf32, #tpu.memory_space<vmem>> -> memref<128xf32, #tpu.memory_space<vmem>>
    %dma_wait3A_280 = arith.constant 1664 : i32
    %dma_wait3A_281 = tpu.memref_slice %arg9[%dma_wait3A_280] : memref<4096xi32, #tpu.memory_space<vmem>> -> memref<128xi32, #tpu.memory_space<vmem>>
    %dma_wait3A_282 = arith.constant 0 : i32
    %dma_wait3A_283 = tpu.memref_slice %arg2[%dma_wait3A_282] : memref<9437184xf32, #tpu.memory_space<hbm>> -> memref<9437184xf32, #tpu.memory_space<hbm>>
    tpu.wait_indirect_dma semaphore(%arg12 : memref<!tpu.dma_semaphore, #tpu.memory_space<semaphore_mem>>) src(%dma_wait3A_283 : memref<9437184xf32, #tpu.memory_space<hbm>>) dst(%dma_wait3A_279 : memref<128xf32, #tpu.memory_space<vmem>>)
    %dma_wait3A_284 = arith.constant 1792 : i32
    %dma_wait3A_285 = tpu.memref_slice %arg10[%dma_wait3A_284] : memref<4096xf32, #tpu.memory_space<vmem>> -> memref<128xf32, #tpu.memory_space<vmem>>
    %dma_wait3A_286 = arith.constant 1792 : i32
    %dma_wait3A_287 = tpu.memref_slice %arg9[%dma_wait3A_286] : memref<4096xi32, #tpu.memory_space<vmem>> -> memref<128xi32, #tpu.memory_space<vmem>>
    %dma_wait3A_288 = arith.constant 0 : i32
    %dma_wait3A_289 = tpu.memref_slice %arg2[%dma_wait3A_288] : memref<9437184xf32, #tpu.memory_space<hbm>> -> memref<9437184xf32, #tpu.memory_space<hbm>>
    tpu.wait_indirect_dma semaphore(%arg12 : memref<!tpu.dma_semaphore, #tpu.memory_space<semaphore_mem>>) src(%dma_wait3A_289 : memref<9437184xf32, #tpu.memory_space<hbm>>) dst(%dma_wait3A_285 : memref<128xf32, #tpu.memory_space<vmem>>)
    %dma_wait3A_290 = arith.constant 1920 : i32
    %dma_wait3A_291 = tpu.memref_slice %arg10[%dma_wait3A_290] : memref<4096xf32, #tpu.memory_space<vmem>> -> memref<128xf32, #tpu.memory_space<vmem>>
    %dma_wait3A_292 = arith.constant 1920 : i32
    %dma_wait3A_293 = tpu.memref_slice %arg9[%dma_wait3A_292] : memref<4096xi32, #tpu.memory_space<vmem>> -> memref<128xi32, #tpu.memory_space<vmem>>
    %dma_wait3A_294 = arith.constant 0 : i32
    %dma_wait3A_295 = tpu.memref_slice %arg2[%dma_wait3A_294] : memref<9437184xf32, #tpu.memory_space<hbm>> -> memref<9437184xf32, #tpu.memory_space<hbm>>
    tpu.wait_indirect_dma semaphore(%arg12 : memref<!tpu.dma_semaphore, #tpu.memory_space<semaphore_mem>>) src(%dma_wait3A_295 : memref<9437184xf32, #tpu.memory_space<hbm>>) dst(%dma_wait3A_291 : memref<128xf32, #tpu.memory_space<vmem>>)
    %dma_wait3A_296 = arith.constant 2048 : i32
    %dma_wait3A_297 = tpu.memref_slice %arg10[%dma_wait3A_296] : memref<4096xf32, #tpu.memory_space<vmem>> -> memref<128xf32, #tpu.memory_space<vmem>>
    %dma_wait3A_298 = arith.constant 2048 : i32
    %dma_wait3A_299 = tpu.memref_slice %arg9[%dma_wait3A_298] : memref<4096xi32, #tpu.memory_space<vmem>> -> memref<128xi32, #tpu.memory_space<vmem>>
    %dma_wait3A_300 = arith.constant 0 : i32
    %dma_wait3A_301 = tpu.memref_slice %arg2[%dma_wait3A_300] : memref<9437184xf32, #tpu.memory_space<hbm>> -> memref<9437184xf32, #tpu.memory_space<hbm>>
    tpu.wait_indirect_dma semaphore(%arg12 : memref<!tpu.dma_semaphore, #tpu.memory_space<semaphore_mem>>) src(%dma_wait3A_301 : memref<9437184xf32, #tpu.memory_space<hbm>>) dst(%dma_wait3A_297 : memref<128xf32, #tpu.memory_space<vmem>>)
    %dma_wait3A_302 = arith.constant 2176 : i32
    %dma_wait3A_303 = tpu.memref_slice %arg10[%dma_wait3A_302] : memref<4096xf32, #tpu.memory_space<vmem>> -> memref<128xf32, #tpu.memory_space<vmem>>
    %dma_wait3A_304 = arith.constant 2176 : i32
    %dma_wait3A_305 = tpu.memref_slice %arg9[%dma_wait3A_304] : memref<4096xi32, #tpu.memory_space<vmem>> -> memref<128xi32, #tpu.memory_space<vmem>>
    %dma_wait3A_306 = arith.constant 0 : i32
    %dma_wait3A_307 = tpu.memref_slice %arg2[%dma_wait3A_306] : memref<9437184xf32, #tpu.memory_space<hbm>> -> memref<9437184xf32, #tpu.memory_space<hbm>>
    tpu.wait_indirect_dma semaphore(%arg12 : memref<!tpu.dma_semaphore, #tpu.memory_space<semaphore_mem>>) src(%dma_wait3A_307 : memref<9437184xf32, #tpu.memory_space<hbm>>) dst(%dma_wait3A_303 : memref<128xf32, #tpu.memory_space<vmem>>)
    %dma_wait3A_308 = arith.constant 2304 : i32
    %dma_wait3A_309 = tpu.memref_slice %arg10[%dma_wait3A_308] : memref<4096xf32, #tpu.memory_space<vmem>> -> memref<128xf32, #tpu.memory_space<vmem>>
    %dma_wait3A_310 = arith.constant 2304 : i32
    %dma_wait3A_311 = tpu.memref_slice %arg9[%dma_wait3A_310] : memref<4096xi32, #tpu.memory_space<vmem>> -> memref<128xi32, #tpu.memory_space<vmem>>
    %dma_wait3A_312 = arith.constant 0 : i32
    %dma_wait3A_313 = tpu.memref_slice %arg2[%dma_wait3A_312] : memref<9437184xf32, #tpu.memory_space<hbm>> -> memref<9437184xf32, #tpu.memory_space<hbm>>
    tpu.wait_indirect_dma semaphore(%arg12 : memref<!tpu.dma_semaphore, #tpu.memory_space<semaphore_mem>>) src(%dma_wait3A_313 : memref<9437184xf32, #tpu.memory_space<hbm>>) dst(%dma_wait3A_309 : memref<128xf32, #tpu.memory_space<vmem>>)
    %dma_wait3A_314 = arith.constant 2432 : i32
    %dma_wait3A_315 = tpu.memref_slice %arg10[%dma_wait3A_314] : memref<4096xf32, #tpu.memory_space<vmem>> -> memref<128xf32, #tpu.memory_space<vmem>>
    %dma_wait3A_316 = arith.constant 2432 : i32
    %dma_wait3A_317 = tpu.memref_slice %arg9[%dma_wait3A_316] : memref<4096xi32, #tpu.memory_space<vmem>> -> memref<128xi32, #tpu.memory_space<vmem>>
    %dma_wait3A_318 = arith.constant 0 : i32
    %dma_wait3A_319 = tpu.memref_slice %arg2[%dma_wait3A_318] : memref<9437184xf32, #tpu.memory_space<hbm>> -> memref<9437184xf32, #tpu.memory_space<hbm>>
    tpu.wait_indirect_dma semaphore(%arg12 : memref<!tpu.dma_semaphore, #tpu.memory_space<semaphore_mem>>) src(%dma_wait3A_319 : memref<9437184xf32, #tpu.memory_space<hbm>>) dst(%dma_wait3A_315 : memref<128xf32, #tpu.memory_space<vmem>>)
    %dma_wait3A_320 = arith.constant 2560 : i32
    %dma_wait3A_321 = tpu.memref_slice %arg10[%dma_wait3A_320] : memref<4096xf32, #tpu.memory_space<vmem>> -> memref<128xf32, #tpu.memory_space<vmem>>
    %dma_wait3A_322 = arith.constant 2560 : i32
    %dma_wait3A_323 = tpu.memref_slice %arg9[%dma_wait3A_322] : memref<4096xi32, #tpu.memory_space<vmem>> -> memref<128xi32, #tpu.memory_space<vmem>>
    %dma_wait3A_324 = arith.constant 0 : i32
    %dma_wait3A_325 = tpu.memref_slice %arg2[%dma_wait3A_324] : memref<9437184xf32, #tpu.memory_space<hbm>> -> memref<9437184xf32, #tpu.memory_space<hbm>>
    tpu.wait_indirect_dma semaphore(%arg12 : memref<!tpu.dma_semaphore, #tpu.memory_space<semaphore_mem>>) src(%dma_wait3A_325 : memref<9437184xf32, #tpu.memory_space<hbm>>) dst(%dma_wait3A_321 : memref<128xf32, #tpu.memory_space<vmem>>)
    %dma_wait3A_326 = arith.constant 2688 : i32
    %dma_wait3A_327 = tpu.memref_slice %arg10[%dma_wait3A_326] : memref<4096xf32, #tpu.memory_space<vmem>> -> memref<128xf32, #tpu.memory_space<vmem>>
    %dma_wait3A_328 = arith.constant 2688 : i32
    %dma_wait3A_329 = tpu.memref_slice %arg9[%dma_wait3A_328] : memref<4096xi32, #tpu.memory_space<vmem>> -> memref<128xi32, #tpu.memory_space<vmem>>
    %dma_wait3A_330 = arith.constant 0 : i32
    %dma_wait3A_331 = tpu.memref_slice %arg2[%dma_wait3A_330] : memref<9437184xf32, #tpu.memory_space<hbm>> -> memref<9437184xf32, #tpu.memory_space<hbm>>
    tpu.wait_indirect_dma semaphore(%arg12 : memref<!tpu.dma_semaphore, #tpu.memory_space<semaphore_mem>>) src(%dma_wait3A_331 : memref<9437184xf32, #tpu.memory_space<hbm>>) dst(%dma_wait3A_327 : memref<128xf32, #tpu.memory_space<vmem>>)
    %dma_wait3A_332 = arith.constant 2816 : i32
    %dma_wait3A_333 = tpu.memref_slice %arg10[%dma_wait3A_332] : memref<4096xf32, #tpu.memory_space<vmem>> -> memref<128xf32, #tpu.memory_space<vmem>>
    %dma_wait3A_334 = arith.constant 2816 : i32
    %dma_wait3A_335 = tpu.memref_slice %arg9[%dma_wait3A_334] : memref<4096xi32, #tpu.memory_space<vmem>> -> memref<128xi32, #tpu.memory_space<vmem>>
    %dma_wait3A_336 = arith.constant 0 : i32
    %dma_wait3A_337 = tpu.memref_slice %arg2[%dma_wait3A_336] : memref<9437184xf32, #tpu.memory_space<hbm>> -> memref<9437184xf32, #tpu.memory_space<hbm>>
    tpu.wait_indirect_dma semaphore(%arg12 : memref<!tpu.dma_semaphore, #tpu.memory_space<semaphore_mem>>) src(%dma_wait3A_337 : memref<9437184xf32, #tpu.memory_space<hbm>>) dst(%dma_wait3A_333 : memref<128xf32, #tpu.memory_space<vmem>>)
    %dma_wait3A_338 = arith.constant 2944 : i32
    %dma_wait3A_339 = tpu.memref_slice %arg10[%dma_wait3A_338] : memref<4096xf32, #tpu.memory_space<vmem>> -> memref<128xf32, #tpu.memory_space<vmem>>
    %dma_wait3A_340 = arith.constant 2944 : i32
    %dma_wait3A_341 = tpu.memref_slice %arg9[%dma_wait3A_340] : memref<4096xi32, #tpu.memory_space<vmem>> -> memref<128xi32, #tpu.memory_space<vmem>>
    %dma_wait3A_342 = arith.constant 0 : i32
    %dma_wait3A_343 = tpu.memref_slice %arg2[%dma_wait3A_342] : memref<9437184xf32, #tpu.memory_space<hbm>> -> memref<9437184xf32, #tpu.memory_space<hbm>>
    tpu.wait_indirect_dma semaphore(%arg12 : memref<!tpu.dma_semaphore, #tpu.memory_space<semaphore_mem>>) src(%dma_wait3A_343 : memref<9437184xf32, #tpu.memory_space<hbm>>) dst(%dma_wait3A_339 : memref<128xf32, #tpu.memory_space<vmem>>)
    %dma_wait3A_344 = arith.constant 3072 : i32
    %dma_wait3A_345 = tpu.memref_slice %arg10[%dma_wait3A_344] : memref<4096xf32, #tpu.memory_space<vmem>> -> memref<128xf32, #tpu.memory_space<vmem>>
    %dma_wait3A_346 = arith.constant 3072 : i32
    %dma_wait3A_347 = tpu.memref_slice %arg9[%dma_wait3A_346] : memref<4096xi32, #tpu.memory_space<vmem>> -> memref<128xi32, #tpu.memory_space<vmem>>
    %dma_wait3A_348 = arith.constant 0 : i32
    %dma_wait3A_349 = tpu.memref_slice %arg2[%dma_wait3A_348] : memref<9437184xf32, #tpu.memory_space<hbm>> -> memref<9437184xf32, #tpu.memory_space<hbm>>
    tpu.wait_indirect_dma semaphore(%arg12 : memref<!tpu.dma_semaphore, #tpu.memory_space<semaphore_mem>>) src(%dma_wait3A_349 : memref<9437184xf32, #tpu.memory_space<hbm>>) dst(%dma_wait3A_345 : memref<128xf32, #tpu.memory_space<vmem>>)
    %dma_wait3A_350 = arith.constant 3200 : i32
    %dma_wait3A_351 = tpu.memref_slice %arg10[%dma_wait3A_350] : memref<4096xf32, #tpu.memory_space<vmem>> -> memref<128xf32, #tpu.memory_space<vmem>>
    %dma_wait3A_352 = arith.constant 3200 : i32
    %dma_wait3A_353 = tpu.memref_slice %arg9[%dma_wait3A_352] : memref<4096xi32, #tpu.memory_space<vmem>> -> memref<128xi32, #tpu.memory_space<vmem>>
    %dma_wait3A_354 = arith.constant 0 : i32
    %dma_wait3A_355 = tpu.memref_slice %arg2[%dma_wait3A_354] : memref<9437184xf32, #tpu.memory_space<hbm>> -> memref<9437184xf32, #tpu.memory_space<hbm>>
    tpu.wait_indirect_dma semaphore(%arg12 : memref<!tpu.dma_semaphore, #tpu.memory_space<semaphore_mem>>) src(%dma_wait3A_355 : memref<9437184xf32, #tpu.memory_space<hbm>>) dst(%dma_wait3A_351 : memref<128xf32, #tpu.memory_space<vmem>>)
    %dma_wait3A_356 = arith.constant 3328 : i32
    %dma_wait3A_357 = tpu.memref_slice %arg10[%dma_wait3A_356] : memref<4096xf32, #tpu.memory_space<vmem>> -> memref<128xf32, #tpu.memory_space<vmem>>
    %dma_wait3A_358 = arith.constant 3328 : i32
    %dma_wait3A_359 = tpu.memref_slice %arg9[%dma_wait3A_358] : memref<4096xi32, #tpu.memory_space<vmem>> -> memref<128xi32, #tpu.memory_space<vmem>>
    %dma_wait3A_360 = arith.constant 0 : i32
    %dma_wait3A_361 = tpu.memref_slice %arg2[%dma_wait3A_360] : memref<9437184xf32, #tpu.memory_space<hbm>> -> memref<9437184xf32, #tpu.memory_space<hbm>>
    tpu.wait_indirect_dma semaphore(%arg12 : memref<!tpu.dma_semaphore, #tpu.memory_space<semaphore_mem>>) src(%dma_wait3A_361 : memref<9437184xf32, #tpu.memory_space<hbm>>) dst(%dma_wait3A_357 : memref<128xf32, #tpu.memory_space<vmem>>)
    %dma_wait3A_362 = arith.constant 3456 : i32
    %dma_wait3A_363 = tpu.memref_slice %arg10[%dma_wait3A_362] : memref<4096xf32, #tpu.memory_space<vmem>> -> memref<128xf32, #tpu.memory_space<vmem>>
    %dma_wait3A_364 = arith.constant 3456 : i32
    %dma_wait3A_365 = tpu.memref_slice %arg9[%dma_wait3A_364] : memref<4096xi32, #tpu.memory_space<vmem>> -> memref<128xi32, #tpu.memory_space<vmem>>
    %dma_wait3A_366 = arith.constant 0 : i32
    %dma_wait3A_367 = tpu.memref_slice %arg2[%dma_wait3A_366] : memref<9437184xf32, #tpu.memory_space<hbm>> -> memref<9437184xf32, #tpu.memory_space<hbm>>
    tpu.wait_indirect_dma semaphore(%arg12 : memref<!tpu.dma_semaphore, #tpu.memory_space<semaphore_mem>>) src(%dma_wait3A_367 : memref<9437184xf32, #tpu.memory_space<hbm>>) dst(%dma_wait3A_363 : memref<128xf32, #tpu.memory_space<vmem>>)
    %dma_wait3A_368 = arith.constant 3584 : i32
    %dma_wait3A_369 = tpu.memref_slice %arg10[%dma_wait3A_368] : memref<4096xf32, #tpu.memory_space<vmem>> -> memref<128xf32, #tpu.memory_space<vmem>>
    %dma_wait3A_370 = arith.constant 3584 : i32
    %dma_wait3A_371 = tpu.memref_slice %arg9[%dma_wait3A_370] : memref<4096xi32, #tpu.memory_space<vmem>> -> memref<128xi32, #tpu.memory_space<vmem>>
    %dma_wait3A_372 = arith.constant 0 : i32
    %dma_wait3A_373 = tpu.memref_slice %arg2[%dma_wait3A_372] : memref<9437184xf32, #tpu.memory_space<hbm>> -> memref<9437184xf32, #tpu.memory_space<hbm>>
    tpu.wait_indirect_dma semaphore(%arg12 : memref<!tpu.dma_semaphore, #tpu.memory_space<semaphore_mem>>) src(%dma_wait3A_373 : memref<9437184xf32, #tpu.memory_space<hbm>>) dst(%dma_wait3A_369 : memref<128xf32, #tpu.memory_space<vmem>>)
    %dma_wait3A_374 = arith.constant 3712 : i32
    %dma_wait3A_375 = tpu.memref_slice %arg10[%dma_wait3A_374] : memref<4096xf32, #tpu.memory_space<vmem>> -> memref<128xf32, #tpu.memory_space<vmem>>
    %dma_wait3A_376 = arith.constant 3712 : i32
    %dma_wait3A_377 = tpu.memref_slice %arg9[%dma_wait3A_376] : memref<4096xi32, #tpu.memory_space<vmem>> -> memref<128xi32, #tpu.memory_space<vmem>>
    %dma_wait3A_378 = arith.constant 0 : i32
    %dma_wait3A_379 = tpu.memref_slice %arg2[%dma_wait3A_378] : memref<9437184xf32, #tpu.memory_space<hbm>> -> memref<9437184xf32, #tpu.memory_space<hbm>>
    tpu.wait_indirect_dma semaphore(%arg12 : memref<!tpu.dma_semaphore, #tpu.memory_space<semaphore_mem>>) src(%dma_wait3A_379 : memref<9437184xf32, #tpu.memory_space<hbm>>) dst(%dma_wait3A_375 : memref<128xf32, #tpu.memory_space<vmem>>)
    %dma_wait3A_380 = arith.constant 3840 : i32
    %dma_wait3A_381 = tpu.memref_slice %arg10[%dma_wait3A_380] : memref<4096xf32, #tpu.memory_space<vmem>> -> memref<128xf32, #tpu.memory_space<vmem>>
    %dma_wait3A_382 = arith.constant 3840 : i32
    %dma_wait3A_383 = tpu.memref_slice %arg9[%dma_wait3A_382] : memref<4096xi32, #tpu.memory_space<vmem>> -> memref<128xi32, #tpu.memory_space<vmem>>
    %dma_wait3A_384 = arith.constant 0 : i32
    %dma_wait3A_385 = tpu.memref_slice %arg2[%dma_wait3A_384] : memref<9437184xf32, #tpu.memory_space<hbm>> -> memref<9437184xf32, #tpu.memory_space<hbm>>
    tpu.wait_indirect_dma semaphore(%arg12 : memref<!tpu.dma_semaphore, #tpu.memory_space<semaphore_mem>>) src(%dma_wait3A_385 : memref<9437184xf32, #tpu.memory_space<hbm>>) dst(%dma_wait3A_381 : memref<128xf32, #tpu.memory_space<vmem>>)
    %dma_wait3A_386 = arith.constant 3968 : i32
    %dma_wait3A_387 = tpu.memref_slice %arg10[%dma_wait3A_386] : memref<4096xf32, #tpu.memory_space<vmem>> -> memref<128xf32, #tpu.memory_space<vmem>>
    %dma_wait3A_388 = arith.constant 3968 : i32
    %dma_wait3A_389 = tpu.memref_slice %arg9[%dma_wait3A_388] : memref<4096xi32, #tpu.memory_space<vmem>> -> memref<128xi32, #tpu.memory_space<vmem>>
    %dma_wait3A_390 = arith.constant 0 : i32
    %dma_wait3A_391 = tpu.memref_slice %arg2[%dma_wait3A_390] : memref<9437184xf32, #tpu.memory_space<hbm>> -> memref<9437184xf32, #tpu.memory_space<hbm>>
    tpu.wait_indirect_dma semaphore(%arg12 : memref<!tpu.dma_semaphore, #tpu.memory_space<semaphore_mem>>) src(%dma_wait3A_391 : memref<9437184xf32, #tpu.memory_space<hbm>>) dst(%dma_wait3A_387 : memref<128xf32, #tpu.memory_space<vmem>>)
    %scan3A_392 = arith.constant 0 : i32
    %scan3A_393 = arith.constant 0 : i32
    %scan3A_394 = arith.constant 8 : i32
    %scan3A_395 = arith.addi %scan3A_393, %scan3A_394 : i32
    %scan3A_396 = arith.constant 1 : i32
    scf.for %scan3A_398 = %scan3A_393 to %scan3A_395 step %scan3A_396  : i32 {
      %broadcast_in_dim3A = arith.constant 0xFF800000 : f32
      %broadcast_in_dim3A_399 = vector.broadcast %broadcast_in_dim3A : f32 to vector<16xf32>
      %broadcast_in_dim3A_400 = arith.constant 0 : i32
      %broadcast_in_dim3A_401 = vector.broadcast %broadcast_in_dim3A_400 : i32 to vector<16xi32>
      %mul3A_402 = arith.constant 16 : i32
      %mul3A_403 = arith.muli %scan3A_398, %mul3A_402 : i32
      %add3A_404 = arith.constant 0 : i32
      %add3A_405 = arith.addi %add3A_404, %mul3A_403 : i32
      %get3A = arith.index_cast %add3A_405 : i32 to index
      %get3A_406 = tpu.vector_load %arg7[%get3A] {strides = array<i32>} : memref<4096xi32, #tpu.memory_space<vmem>>, vector<16xi32>,
      %get3A_407 = arith.index_cast %add3A_405 : i32 to index
      %get3A_408 = tpu.vector_load %arg10[%get3A_407] {strides = array<i32>} : memref<4096xf32, #tpu.memory_space<vmem>>, vector<16xf32>,
      %gt3A = arith.cmpf ogt, %get3A_408, %broadcast_in_dim3A_399 : vector<16xf32>
      %select_n3A = arith.select %gt3A, %get3A_408, %broadcast_in_dim3A_399 : vector<16xi1>, vector<16xf32>
      %select_n3A_409 = arith.select %gt3A, %get3A_406, %broadcast_in_dim3A_401 : vector<16xi1>, vector<16xi32>
      %mul3A_410 = arith.constant 16 : i32
      %mul3A_411 = arith.muli %scan3A_398, %mul3A_410 : i32
      %add3A_412 = arith.constant 128 : i32
      %add3A_413 = arith.addi %add3A_412, %mul3A_411 : i32
      %get3A_414 = arith.index_cast %add3A_413 : i32 to index
      %get3A_415 = tpu.vector_load %arg7[%get3A_414] {strides = array<i32>} : memref<4096xi32, #tpu.memory_space<vmem>>, vector<16xi32>,
      %get3A_416 = arith.index_cast %add3A_413 : i32 to index
      %get3A_417 = tpu.vector_load %arg10[%get3A_416] {strides = array<i32>} : memref<4096xf32, #tpu.memory_space<vmem>>, vector<16xf32>,
      %gt3A_418 = arith.cmpf ogt, %get3A_417, %select_n3A : vector<16xf32>
      %select_n3A_419 = arith.select %gt3A_418, %get3A_417, %select_n3A : vector<16xi1>, vector<16xf32>
      %select_n3A_420 = arith.select %gt3A_418, %get3A_415, %select_n3A_409 : vector<16xi1>, vector<16xi32>
      %mul3A_421 = arith.constant 16 : i32
      %mul3A_422 = arith.muli %scan3A_398, %mul3A_421 : i32
      %add3A_423 = arith.constant 256 : i32
      %add3A_424 = arith.addi %add3A_423, %mul3A_422 : i32
      %get3A_425 = arith.index_cast %add3A_424 : i32 to index
      %get3A_426 = tpu.vector_load %arg7[%get3A_425] {strides = array<i32>} : memref<4096xi32, #tpu.memory_space<vmem>>, vector<16xi32>,
      %get3A_427 = arith.index_cast %add3A_424 : i32 to index
      %get3A_428 = tpu.vector_load %arg10[%get3A_427] {strides = array<i32>} : memref<4096xf32, #tpu.memory_space<vmem>>, vector<16xf32>,
      %gt3A_429 = arith.cmpf ogt, %get3A_428, %select_n3A_419 : vector<16xf32>
      %select_n3A_430 = arith.select %gt3A_429, %get3A_428, %select_n3A_419 : vector<16xi1>, vector<16xf32>
      %select_n3A_431 = arith.select %gt3A_429, %get3A_426, %select_n3A_420 : vector<16xi1>, vector<16xi32>
      %mul3A_432 = arith.constant 16 : i32
      %mul3A_433 = arith.muli %scan3A_398, %mul3A_432 : i32
      %add3A_434 = arith.constant 384 : i32
      %add3A_435 = arith.addi %add3A_434, %mul3A_433 : i32
      %get3A_436 = arith.index_cast %add3A_435 : i32 to index
      %get3A_437 = tpu.vector_load %arg7[%get3A_436] {strides = array<i32>} : memref<4096xi32, #tpu.memory_space<vmem>>, vector<16xi32>,
      %get3A_438 = arith.index_cast %add3A_435 : i32 to index
      %get3A_439 = tpu.vector_load %arg10[%get3A_438] {strides = array<i32>} : memref<4096xf32, #tpu.memory_space<vmem>>, vector<16xf32>,
      %gt3A_440 = arith.cmpf ogt, %get3A_439, %select_n3A_430 : vector<16xf32>
      %select_n3A_441 = arith.select %gt3A_440, %get3A_439, %select_n3A_430 : vector<16xi1>, vector<16xf32>
      %select_n3A_442 = arith.select %gt3A_440, %get3A_437, %select_n3A_431 : vector<16xi1>, vector<16xi32>
      %mul3A_443 = arith.constant 16 : i32
      %mul3A_444 = arith.muli %scan3A_398, %mul3A_443 : i32
      %add3A_445 = arith.constant 512 : i32
      %add3A_446 = arith.addi %add3A_445, %mul3A_444 : i32
      %get3A_447 = arith.index_cast %add3A_446 : i32 to index
      %get3A_448 = tpu.vector_load %arg7[%get3A_447] {strides = array<i32>} : memref<4096xi32, #tpu.memory_space<vmem>>, vector<16xi32>,
      %get3A_449 = arith.index_cast %add3A_446 : i32 to index
      %get3A_450 = tpu.vector_load %arg10[%get3A_449] {strides = array<i32>} : memref<4096xf32, #tpu.memory_space<vmem>>, vector<16xf32>,
      %gt3A_451 = arith.cmpf ogt, %get3A_450, %select_n3A_441 : vector<16xf32>
      %select_n3A_452 = arith.select %gt3A_451, %get3A_450, %select_n3A_441 : vector<16xi1>, vector<16xf32>
      %select_n3A_453 = arith.select %gt3A_451, %get3A_448, %select_n3A_442 : vector<16xi1>, vector<16xi32>
      %mul3A_454 = arith.constant 16 : i32
      %mul3A_455 = arith.muli %scan3A_398, %mul3A_454 : i32
      %add3A_456 = arith.constant 640 : i32
      %add3A_457 = arith.addi %add3A_456, %mul3A_455 : i32
      %get3A_458 = arith.index_cast %add3A_457 : i32 to index
      %get3A_459 = tpu.vector_load %arg7[%get3A_458] {strides = array<i32>} : memref<4096xi32, #tpu.memory_space<vmem>>, vector<16xi32>,
      %get3A_460 = arith.index_cast %add3A_457 : i32 to index
      %get3A_461 = tpu.vector_load %arg10[%get3A_460] {strides = array<i32>} : memref<4096xf32, #tpu.memory_space<vmem>>, vector<16xf32>,
      %gt3A_462 = arith.cmpf ogt, %get3A_461, %select_n3A_452 : vector<16xf32>
      %select_n3A_463 = arith.select %gt3A_462, %get3A_461, %select_n3A_452 : vector<16xi1>, vector<16xf32>
      %select_n3A_464 = arith.select %gt3A_462, %get3A_459, %select_n3A_453 : vector<16xi1>, vector<16xi32>
      %mul3A_465 = arith.constant 16 : i32
      %mul3A_466 = arith.muli %scan3A_398, %mul3A_465 : i32
      %add3A_467 = arith.constant 768 : i32
      %add3A_468 = arith.addi %add3A_467, %mul3A_466 : i32
      %get3A_469 = arith.index_cast %add3A_468 : i32 to index
      %get3A_470 = tpu.vector_load %arg7[%get3A_469] {strides = array<i32>} : memref<4096xi32, #tpu.memory_space<vmem>>, vector<16xi32>,
      %get3A_471 = arith.index_cast %add3A_468 : i32 to index
      %get3A_472 = tpu.vector_load %arg10[%get3A_471] {strides = array<i32>} : memref<4096xf32, #tpu.memory_space<vmem>>, vector<16xf32>,
      %gt3A_473 = arith.cmpf ogt, %get3A_472, %select_n3A_463 : vector<16xf32>
      %select_n3A_474 = arith.select %gt3A_473, %get3A_472, %select_n3A_463 : vector<16xi1>, vector<16xf32>
      %select_n3A_475 = arith.select %gt3A_473, %get3A_470, %select_n3A_464 : vector<16xi1>, vector<16xi32>
      %mul3A_476 = arith.constant 16 : i32
      %mul3A_477 = arith.muli %scan3A_398, %mul3A_476 : i32
      %add3A_478 = arith.constant 896 : i32
      %add3A_479 = arith.addi %add3A_478, %mul3A_477 : i32
      %get3A_480 = arith.index_cast %add3A_479 : i32 to index
      %get3A_481 = tpu.vector_load %arg7[%get3A_480] {strides = array<i32>} : memref<4096xi32, #tpu.memory_space<vmem>>, vector<16xi32>,
      %get3A_482 = arith.index_cast %add3A_479 : i32 to index
      %get3A_483 = tpu.vector_load %arg10[%get3A_482] {strides = array<i32>} : memref<4096xf32, #tpu.memory_space<vmem>>, vector<16xf32>,
      %gt3A_484 = arith.cmpf ogt, %get3A_483, %select_n3A_474 : vector<16xf32>
      %select_n3A_485 = arith.select %gt3A_484, %get3A_483, %select_n3A_474 : vector<16xi1>, vector<16xf32>
      %select_n3A_486 = arith.select %gt3A_484, %get3A_481, %select_n3A_475 : vector<16xi1>, vector<16xi32>
      %mul3A_487 = arith.constant 16 : i32
      %mul3A_488 = arith.muli %scan3A_398, %mul3A_487 : i32
      %add3A_489 = arith.constant 1024 : i32
      %add3A_490 = arith.addi %add3A_489, %mul3A_488 : i32
      %get3A_491 = arith.index_cast %add3A_490 : i32 to index
      %get3A_492 = tpu.vector_load %arg7[%get3A_491] {strides = array<i32>} : memref<4096xi32, #tpu.memory_space<vmem>>, vector<16xi32>,
      %get3A_493 = arith.index_cast %add3A_490 : i32 to index
      %get3A_494 = tpu.vector_load %arg10[%get3A_493] {strides = array<i32>} : memref<4096xf32, #tpu.memory_space<vmem>>, vector<16xf32>,
      %gt3A_495 = arith.cmpf ogt, %get3A_494, %select_n3A_485 : vector<16xf32>
      %select_n3A_496 = arith.select %gt3A_495, %get3A_494, %select_n3A_485 : vector<16xi1>, vector<16xf32>
      %select_n3A_497 = arith.select %gt3A_495, %get3A_492, %select_n3A_486 : vector<16xi1>, vector<16xi32>
      %mul3A_498 = arith.constant 16 : i32
      %mul3A_499 = arith.muli %scan3A_398, %mul3A_498 : i32
      %add3A_500 = arith.constant 1152 : i32
      %add3A_501 = arith.addi %add3A_500, %mul3A_499 : i32
      %get3A_502 = arith.index_cast %add3A_501 : i32 to index
      %get3A_503 = tpu.vector_load %arg7[%get3A_502] {strides = array<i32>} : memref<4096xi32, #tpu.memory_space<vmem>>, vector<16xi32>,
      %get3A_504 = arith.index_cast %add3A_501 : i32 to index
      %get3A_505 = tpu.vector_load %arg10[%get3A_504] {strides = array<i32>} : memref<4096xf32, #tpu.memory_space<vmem>>, vector<16xf32>,
      %gt3A_506 = arith.cmpf ogt, %get3A_505, %select_n3A_496 : vector<16xf32>
      %select_n3A_507 = arith.select %gt3A_506, %get3A_505, %select_n3A_496 : vector<16xi1>, vector<16xf32>
      %select_n3A_508 = arith.select %gt3A_506, %get3A_503, %select_n3A_497 : vector<16xi1>, vector<16xi32>
      %mul3A_509 = arith.constant 16 : i32
      %mul3A_510 = arith.muli %scan3A_398, %mul3A_509 : i32
      %add3A_511 = arith.constant 1280 : i32
      %add3A_512 = arith.addi %add3A_511, %mul3A_510 : i32
      %get3A_513 = arith.index_cast %add3A_512 : i32 to index
      %get3A_514 = tpu.vector_load %arg7[%get3A_513] {strides = array<i32>} : memref<4096xi32, #tpu.memory_space<vmem>>, vector<16xi32>,
      %get3A_515 = arith.index_cast %add3A_512 : i32 to index
      %get3A_516 = tpu.vector_load %arg10[%get3A_515] {strides = array<i32>} : memref<4096xf32, #tpu.memory_space<vmem>>, vector<16xf32>,
      %gt3A_517 = arith.cmpf ogt, %get3A_516, %select_n3A_507 : vector<16xf32>
      %select_n3A_518 = arith.select %gt3A_517, %get3A_516, %select_n3A_507 : vector<16xi1>, vector<16xf32>
      %select_n3A_519 = arith.select %gt3A_517, %get3A_514, %select_n3A_508 : vector<16xi1>, vector<16xi32>
      %mul3A_520 = arith.constant 16 : i32
      %mul3A_521 = arith.muli %scan3A_398, %mul3A_520 : i32
      %add3A_522 = arith.constant 1408 : i32
      %add3A_523 = arith.addi %add3A_522, %mul3A_521 : i32
      %get3A_524 = arith.index_cast %add3A_523 : i32 to index
      %get3A_525 = tpu.vector_load %arg7[%get3A_524] {strides = array<i32>} : memref<4096xi32, #tpu.memory_space<vmem>>, vector<16xi32>,
      %get3A_526 = arith.index_cast %add3A_523 : i32 to index
      %get3A_527 = tpu.vector_load %arg10[%get3A_526] {strides = array<i32>} : memref<4096xf32, #tpu.memory_space<vmem>>, vector<16xf32>,
      %gt3A_528 = arith.cmpf ogt, %get3A_527, %select_n3A_518 : vector<16xf32>
      %select_n3A_529 = arith.select %gt3A_528, %get3A_527, %select_n3A_518 : vector<16xi1>, vector<16xf32>
      %select_n3A_530 = arith.select %gt3A_528, %get3A_525, %select_n3A_519 : vector<16xi1>, vector<16xi32>
      %mul3A_531 = arith.constant 16 : i32
      %mul3A_532 = arith.muli %scan3A_398, %mul3A_531 : i32
      %add3A_533 = arith.constant 1536 : i32
      %add3A_534 = arith.addi %add3A_533, %mul3A_532 : i32
      %get3A_535 = arith.index_cast %add3A_534 : i32 to index
      %get3A_536 = tpu.vector_load %arg7[%get3A_535] {strides = array<i32>} : memref<4096xi32, #tpu.memory_space<vmem>>, vector<16xi32>,
      %get3A_537 = arith.index_cast %add3A_534 : i32 to index
      %get3A_538 = tpu.vector_load %arg10[%get3A_537] {strides = array<i32>} : memref<4096xf32, #tpu.memory_space<vmem>>, vector<16xf32>,
      %gt3A_539 = arith.cmpf ogt, %get3A_538, %select_n3A_529 : vector<16xf32>
      %select_n3A_540 = arith.select %gt3A_539, %get3A_538, %select_n3A_529 : vector<16xi1>, vector<16xf32>
      %select_n3A_541 = arith.select %gt3A_539, %get3A_536, %select_n3A_530 : vector<16xi1>, vector<16xi32>
      %mul3A_542 = arith.constant 16 : i32
      %mul3A_543 = arith.muli %scan3A_398, %mul3A_542 : i32
      %add3A_544 = arith.constant 1664 : i32
      %add3A_545 = arith.addi %add3A_544, %mul3A_543 : i32
      %get3A_546 = arith.index_cast %add3A_545 : i32 to index
      %get3A_547 = tpu.vector_load %arg7[%get3A_546] {strides = array<i32>} : memref<4096xi32, #tpu.memory_space<vmem>>, vector<16xi32>,
      %get3A_548 = arith.index_cast %add3A_545 : i32 to index
      %get3A_549 = tpu.vector_load %arg10[%get3A_548] {strides = array<i32>} : memref<4096xf32, #tpu.memory_space<vmem>>, vector<16xf32>,
      %gt3A_550 = arith.cmpf ogt, %get3A_549, %select_n3A_540 : vector<16xf32>
      %select_n3A_551 = arith.select %gt3A_550, %get3A_549, %select_n3A_540 : vector<16xi1>, vector<16xf32>
      %select_n3A_552 = arith.select %gt3A_550, %get3A_547, %select_n3A_541 : vector<16xi1>, vector<16xi32>
      %mul3A_553 = arith.constant 16 : i32
      %mul3A_554 = arith.muli %scan3A_398, %mul3A_553 : i32
      %add3A_555 = arith.constant 1792 : i32
      %add3A_556 = arith.addi %add3A_555, %mul3A_554 : i32
      %get3A_557 = arith.index_cast %add3A_556 : i32 to index
      %get3A_558 = tpu.vector_load %arg7[%get3A_557] {strides = array<i32>} : memref<4096xi32, #tpu.memory_space<vmem>>, vector<16xi32>,
      %get3A_559 = arith.index_cast %add3A_556 : i32 to index
      %get3A_560 = tpu.vector_load %arg10[%get3A_559] {strides = array<i32>} : memref<4096xf32, #tpu.memory_space<vmem>>, vector<16xf32>,
      %gt3A_561 = arith.cmpf ogt, %get3A_560, %select_n3A_551 : vector<16xf32>
      %select_n3A_562 = arith.select %gt3A_561, %get3A_560, %select_n3A_551 : vector<16xi1>, vector<16xf32>
      %select_n3A_563 = arith.select %gt3A_561, %get3A_558, %select_n3A_552 : vector<16xi1>, vector<16xi32>
      %mul3A_564 = arith.constant 16 : i32
      %mul3A_565 = arith.muli %scan3A_398, %mul3A_564 : i32
      %add3A_566 = arith.constant 1920 : i32
      %add3A_567 = arith.addi %add3A_566, %mul3A_565 : i32
      %get3A_568 = arith.index_cast %add3A_567 : i32 to index
      %get3A_569 = tpu.vector_load %arg7[%get3A_568] {strides = array<i32>} : memref<4096xi32, #tpu.memory_space<vmem>>, vector<16xi32>,
      %get3A_570 = arith.index_cast %add3A_567 : i32 to index
      %get3A_571 = tpu.vector_load %arg10[%get3A_570] {strides = array<i32>} : memref<4096xf32, #tpu.memory_space<vmem>>, vector<16xf32>,
      %gt3A_572 = arith.cmpf ogt, %get3A_571, %select_n3A_562 : vector<16xf32>
      %select_n3A_573 = arith.select %gt3A_572, %get3A_571, %select_n3A_562 : vector<16xi1>, vector<16xf32>
      %select_n3A_574 = arith.select %gt3A_572, %get3A_569, %select_n3A_563 : vector<16xi1>, vector<16xi32>
      %mul3A_575 = arith.constant 16 : i32
      %mul3A_576 = arith.muli %scan3A_398, %mul3A_575 : i32
      %add3A_577 = arith.constant 2048 : i32
      %add3A_578 = arith.addi %add3A_577, %mul3A_576 : i32
      %get3A_579 = arith.index_cast %add3A_578 : i32 to index
      %get3A_580 = tpu.vector_load %arg7[%get3A_579] {strides = array<i32>} : memref<4096xi32, #tpu.memory_space<vmem>>, vector<16xi32>,
      %get3A_581 = arith.index_cast %add3A_578 : i32 to index
      %get3A_582 = tpu.vector_load %arg10[%get3A_581] {strides = array<i32>} : memref<4096xf32, #tpu.memory_space<vmem>>, vector<16xf32>,
      %gt3A_583 = arith.cmpf ogt, %get3A_582, %select_n3A_573 : vector<16xf32>
      %select_n3A_584 = arith.select %gt3A_583, %get3A_582, %select_n3A_573 : vector<16xi1>, vector<16xf32>
      %select_n3A_585 = arith.select %gt3A_583, %get3A_580, %select_n3A_574 : vector<16xi1>, vector<16xi32>
      %mul3A_586 = arith.constant 16 : i32
      %mul3A_587 = arith.muli %scan3A_398, %mul3A_586 : i32
      %add3A_588 = arith.constant 2176 : i32
      %add3A_589 = arith.addi %add3A_588, %mul3A_587 : i32
      %get3A_590 = arith.index_cast %add3A_589 : i32 to index
      %get3A_591 = tpu.vector_load %arg7[%get3A_590] {strides = array<i32>} : memref<4096xi32, #tpu.memory_space<vmem>>, vector<16xi32>,
      %get3A_592 = arith.index_cast %add3A_589 : i32 to index
      %get3A_593 = tpu.vector_load %arg10[%get3A_592] {strides = array<i32>} : memref<4096xf32, #tpu.memory_space<vmem>>, vector<16xf32>,
      %gt3A_594 = arith.cmpf ogt, %get3A_593, %select_n3A_584 : vector<16xf32>
      %select_n3A_595 = arith.select %gt3A_594, %get3A_593, %select_n3A_584 : vector<16xi1>, vector<16xf32>
      %select_n3A_596 = arith.select %gt3A_594, %get3A_591, %select_n3A_585 : vector<16xi1>, vector<16xi32>
      %mul3A_597 = arith.constant 16 : i32
      %mul3A_598 = arith.muli %scan3A_398, %mul3A_597 : i32
      %add3A_599 = arith.constant 2304 : i32
      %add3A_600 = arith.addi %add3A_599, %mul3A_598 : i32
      %get3A_601 = arith.index_cast %add3A_600 : i32 to index
      %get3A_602 = tpu.vector_load %arg7[%get3A_601] {strides = array<i32>} : memref<4096xi32, #tpu.memory_space<vmem>>, vector<16xi32>,
      %get3A_603 = arith.index_cast %add3A_600 : i32 to index
      %get3A_604 = tpu.vector_load %arg10[%get3A_603] {strides = array<i32>} : memref<4096xf32, #tpu.memory_space<vmem>>, vector<16xf32>,
      %gt3A_605 = arith.cmpf ogt, %get3A_604, %select_n3A_595 : vector<16xf32>
      %select_n3A_606 = arith.select %gt3A_605, %get3A_604, %select_n3A_595 : vector<16xi1>, vector<16xf32>
      %select_n3A_607 = arith.select %gt3A_605, %get3A_602, %select_n3A_596 : vector<16xi1>, vector<16xi32>
      %mul3A_608 = arith.constant 16 : i32
      %mul3A_609 = arith.muli %scan3A_398, %mul3A_608 : i32
      %add3A_610 = arith.constant 2432 : i32
      %add3A_611 = arith.addi %add3A_610, %mul3A_609 : i32
      %get3A_612 = arith.index_cast %add3A_611 : i32 to index
      %get3A_613 = tpu.vector_load %arg7[%get3A_612] {strides = array<i32>} : memref<4096xi32, #tpu.memory_space<vmem>>, vector<16xi32>,
      %get3A_614 = arith.index_cast %add3A_611 : i32 to index
      %get3A_615 = tpu.vector_load %arg10[%get3A_614] {strides = array<i32>} : memref<4096xf32, #tpu.memory_space<vmem>>, vector<16xf32>,
      %gt3A_616 = arith.cmpf ogt, %get3A_615, %select_n3A_606 : vector<16xf32>
      %select_n3A_617 = arith.select %gt3A_616, %get3A_615, %select_n3A_606 : vector<16xi1>, vector<16xf32>
      %select_n3A_618 = arith.select %gt3A_616, %get3A_613, %select_n3A_607 : vector<16xi1>, vector<16xi32>
      %mul3A_619 = arith.constant 16 : i32
      %mul3A_620 = arith.muli %scan3A_398, %mul3A_619 : i32
      %add3A_621 = arith.constant 2560 : i32
      %add3A_622 = arith.addi %add3A_621, %mul3A_620 : i32
      %get3A_623 = arith.index_cast %add3A_622 : i32 to index
      %get3A_624 = tpu.vector_load %arg7[%get3A_623] {strides = array<i32>} : memref<4096xi32, #tpu.memory_space<vmem>>, vector<16xi32>,
      %get3A_625 = arith.index_cast %add3A_622 : i32 to index
      %get3A_626 = tpu.vector_load %arg10[%get3A_625] {strides = array<i32>} : memref<4096xf32, #tpu.memory_space<vmem>>, vector<16xf32>,
      %gt3A_627 = arith.cmpf ogt, %get3A_626, %select_n3A_617 : vector<16xf32>
      %select_n3A_628 = arith.select %gt3A_627, %get3A_626, %select_n3A_617 : vector<16xi1>, vector<16xf32>
      %select_n3A_629 = arith.select %gt3A_627, %get3A_624, %select_n3A_618 : vector<16xi1>, vector<16xi32>
      %mul3A_630 = arith.constant 16 : i32
      %mul3A_631 = arith.muli %scan3A_398, %mul3A_630 : i32
      %add3A_632 = arith.constant 2688 : i32
      %add3A_633 = arith.addi %add3A_632, %mul3A_631 : i32
      %get3A_634 = arith.index_cast %add3A_633 : i32 to index
      %get3A_635 = tpu.vector_load %arg7[%get3A_634] {strides = array<i32>} : memref<4096xi32, #tpu.memory_space<vmem>>, vector<16xi32>,
      %get3A_636 = arith.index_cast %add3A_633 : i32 to index
      %get3A_637 = tpu.vector_load %arg10[%get3A_636] {strides = array<i32>} : memref<4096xf32, #tpu.memory_space<vmem>>, vector<16xf32>,
      %gt3A_638 = arith.cmpf ogt, %get3A_637, %select_n3A_628 : vector<16xf32>
      %select_n3A_639 = arith.select %gt3A_638, %get3A_637, %select_n3A_628 : vector<16xi1>, vector<16xf32>
      %select_n3A_640 = arith.select %gt3A_638, %get3A_635, %select_n3A_629 : vector<16xi1>, vector<16xi32>
      %mul3A_641 = arith.constant 16 : i32
      %mul3A_642 = arith.muli %scan3A_398, %mul3A_641 : i32
      %add3A_643 = arith.constant 2816 : i32
      %add3A_644 = arith.addi %add3A_643, %mul3A_642 : i32
      %get3A_645 = arith.index_cast %add3A_644 : i32 to index
      %get3A_646 = tpu.vector_load %arg7[%get3A_645] {strides = array<i32>} : memref<4096xi32, #tpu.memory_space<vmem>>, vector<16xi32>,
      %get3A_647 = arith.index_cast %add3A_644 : i32 to index
      %get3A_648 = tpu.vector_load %arg10[%get3A_647] {strides = array<i32>} : memref<4096xf32, #tpu.memory_space<vmem>>, vector<16xf32>,
      %gt3A_649 = arith.cmpf ogt, %get3A_648, %select_n3A_639 : vector<16xf32>
      %select_n3A_650 = arith.select %gt3A_649, %get3A_648, %select_n3A_639 : vector<16xi1>, vector<16xf32>
      %select_n3A_651 = arith.select %gt3A_649, %get3A_646, %select_n3A_640 : vector<16xi1>, vector<16xi32>
      %mul3A_652 = arith.constant 16 : i32
      %mul3A_653 = arith.muli %scan3A_398, %mul3A_652 : i32
      %add3A_654 = arith.constant 2944 : i32
      %add3A_655 = arith.addi %add3A_654, %mul3A_653 : i32
      %get3A_656 = arith.index_cast %add3A_655 : i32 to index
      %get3A_657 = tpu.vector_load %arg7[%get3A_656] {strides = array<i32>} : memref<4096xi32, #tpu.memory_space<vmem>>, vector<16xi32>,
      %get3A_658 = arith.index_cast %add3A_655 : i32 to index
      %get3A_659 = tpu.vector_load %arg10[%get3A_658] {strides = array<i32>} : memref<4096xf32, #tpu.memory_space<vmem>>, vector<16xf32>,
      %gt3A_660 = arith.cmpf ogt, %get3A_659, %select_n3A_650 : vector<16xf32>
      %select_n3A_661 = arith.select %gt3A_660, %get3A_659, %select_n3A_650 : vector<16xi1>, vector<16xf32>
      %select_n3A_662 = arith.select %gt3A_660, %get3A_657, %select_n3A_651 : vector<16xi1>, vector<16xi32>
      %mul3A_663 = arith.constant 16 : i32
      %mul3A_664 = arith.muli %scan3A_398, %mul3A_663 : i32
      %add3A_665 = arith.constant 3072 : i32
      %add3A_666 = arith.addi %add3A_665, %mul3A_664 : i32
      %get3A_667 = arith.index_cast %add3A_666 : i32 to index
      %get3A_668 = tpu.vector_load %arg7[%get3A_667] {strides = array<i32>} : memref<4096xi32, #tpu.memory_space<vmem>>, vector<16xi32>,
      %get3A_669 = arith.index_cast %add3A_666 : i32 to index
      %get3A_670 = tpu.vector_load %arg10[%get3A_669] {strides = array<i32>} : memref<4096xf32, #tpu.memory_space<vmem>>, vector<16xf32>,
      %gt3A_671 = arith.cmpf ogt, %get3A_670, %select_n3A_661 : vector<16xf32>
      %select_n3A_672 = arith.select %gt3A_671, %get3A_670, %select_n3A_661 : vector<16xi1>, vector<16xf32>
      %select_n3A_673 = arith.select %gt3A_671, %get3A_668, %select_n3A_662 : vector<16xi1>, vector<16xi32>
      %mul3A_674 = arith.constant 16 : i32
      %mul3A_675 = arith.muli %scan3A_398, %mul3A_674 : i32
      %add3A_676 = arith.constant 3200 : i32
      %add3A_677 = arith.addi %add3A_676, %mul3A_675 : i32
      %get3A_678 = arith.index_cast %add3A_677 : i32 to index
      %get3A_679 = tpu.vector_load %arg7[%get3A_678] {strides = array<i32>} : memref<4096xi32, #tpu.memory_space<vmem>>, vector<16xi32>,
      %get3A_680 = arith.index_cast %add3A_677 : i32 to index
      %get3A_681 = tpu.vector_load %arg10[%get3A_680] {strides = array<i32>} : memref<4096xf32, #tpu.memory_space<vmem>>, vector<16xf32>,
      %gt3A_682 = arith.cmpf ogt, %get3A_681, %select_n3A_672 : vector<16xf32>
      %select_n3A_683 = arith.select %gt3A_682, %get3A_681, %select_n3A_672 : vector<16xi1>, vector<16xf32>
      %select_n3A_684 = arith.select %gt3A_682, %get3A_679, %select_n3A_673 : vector<16xi1>, vector<16xi32>
      %mul3A_685 = arith.constant 16 : i32
      %mul3A_686 = arith.muli %scan3A_398, %mul3A_685 : i32
      %add3A_687 = arith.constant 3328 : i32
      %add3A_688 = arith.addi %add3A_687, %mul3A_686 : i32
      %get3A_689 = arith.index_cast %add3A_688 : i32 to index
      %get3A_690 = tpu.vector_load %arg7[%get3A_689] {strides = array<i32>} : memref<4096xi32, #tpu.memory_space<vmem>>, vector<16xi32>,
      %get3A_691 = arith.index_cast %add3A_688 : i32 to index
      %get3A_692 = tpu.vector_load %arg10[%get3A_691] {strides = array<i32>} : memref<4096xf32, #tpu.memory_space<vmem>>, vector<16xf32>,
      %gt3A_693 = arith.cmpf ogt, %get3A_692, %select_n3A_683 : vector<16xf32>
      %select_n3A_694 = arith.select %gt3A_693, %get3A_692, %select_n3A_683 : vector<16xi1>, vector<16xf32>
      %select_n3A_695 = arith.select %gt3A_693, %get3A_690, %select_n3A_684 : vector<16xi1>, vector<16xi32>
      %mul3A_696 = arith.constant 16 : i32
      %mul3A_697 = arith.muli %scan3A_398, %mul3A_696 : i32
      %add3A_698 = arith.constant 3456 : i32
      %add3A_699 = arith.addi %add3A_698, %mul3A_697 : i32
      %get3A_700 = arith.index_cast %add3A_699 : i32 to index
      %get3A_701 = tpu.vector_load %arg7[%get3A_700] {strides = array<i32>} : memref<4096xi32, #tpu.memory_space<vmem>>, vector<16xi32>,
      %get3A_702 = arith.index_cast %add3A_699 : i32 to index
      %get3A_703 = tpu.vector_load %arg10[%get3A_702] {strides = array<i32>} : memref<4096xf32, #tpu.memory_space<vmem>>, vector<16xf32>,
      %gt3A_704 = arith.cmpf ogt, %get3A_703, %select_n3A_694 : vector<16xf32>
      %select_n3A_705 = arith.select %gt3A_704, %get3A_703, %select_n3A_694 : vector<16xi1>, vector<16xf32>
      %select_n3A_706 = arith.select %gt3A_704, %get3A_701, %select_n3A_695 : vector<16xi1>, vector<16xi32>
      %mul3A_707 = arith.constant 16 : i32
      %mul3A_708 = arith.muli %scan3A_398, %mul3A_707 : i32
      %add3A_709 = arith.constant 3584 : i32
      %add3A_710 = arith.addi %add3A_709, %mul3A_708 : i32
      %get3A_711 = arith.index_cast %add3A_710 : i32 to index
      %get3A_712 = tpu.vector_load %arg7[%get3A_711] {strides = array<i32>} : memref<4096xi32, #tpu.memory_space<vmem>>, vector<16xi32>,
      %get3A_713 = arith.index_cast %add3A_710 : i32 to index
      %get3A_714 = tpu.vector_load %arg10[%get3A_713] {strides = array<i32>} : memref<4096xf32, #tpu.memory_space<vmem>>, vector<16xf32>,
      %gt3A_715 = arith.cmpf ogt, %get3A_714, %select_n3A_705 : vector<16xf32>
      %select_n3A_716 = arith.select %gt3A_715, %get3A_714, %select_n3A_705 : vector<16xi1>, vector<16xf32>
      %select_n3A_717 = arith.select %gt3A_715, %get3A_712, %select_n3A_706 : vector<16xi1>, vector<16xi32>
      %mul3A_718 = arith.constant 16 : i32
      %mul3A_719 = arith.muli %scan3A_398, %mul3A_718 : i32
      %add3A_720 = arith.constant 3712 : i32
      %add3A_721 = arith.addi %add3A_720, %mul3A_719 : i32
      %get3A_722 = arith.index_cast %add3A_721 : i32 to index
      %get3A_723 = tpu.vector_load %arg7[%get3A_722] {strides = array<i32>} : memref<4096xi32, #tpu.memory_space<vmem>>, vector<16xi32>,
      %get3A_724 = arith.index_cast %add3A_721 : i32 to index
      %get3A_725 = tpu.vector_load %arg10[%get3A_724] {strides = array<i32>} : memref<4096xf32, #tpu.memory_space<vmem>>, vector<16xf32>,
      %gt3A_726 = arith.cmpf ogt, %get3A_725, %select_n3A_716 : vector<16xf32>
      %select_n3A_727 = arith.select %gt3A_726, %get3A_725, %select_n3A_716 : vector<16xi1>, vector<16xf32>
      %select_n3A_728 = arith.select %gt3A_726, %get3A_723, %select_n3A_717 : vector<16xi1>, vector<16xi32>
      %mul3A_729 = arith.constant 16 : i32
      %mul3A_730 = arith.muli %scan3A_398, %mul3A_729 : i32
      %add3A_731 = arith.constant 3840 : i32
      %add3A_732 = arith.addi %add3A_731, %mul3A_730 : i32
      %get3A_733 = arith.index_cast %add3A_732 : i32 to index
      %get3A_734 = tpu.vector_load %arg7[%get3A_733] {strides = array<i32>} : memref<4096xi32, #tpu.memory_space<vmem>>, vector<16xi32>,
      %get3A_735 = arith.index_cast %add3A_732 : i32 to index
      %get3A_736 = tpu.vector_load %arg10[%get3A_735] {strides = array<i32>} : memref<4096xf32, #tpu.memory_space<vmem>>, vector<16xf32>,
      %gt3A_737 = arith.cmpf ogt, %get3A_736, %select_n3A_727 : vector<16xf32>
      %select_n3A_738 = arith.select %gt3A_737, %get3A_736, %select_n3A_727 : vector<16xi1>, vector<16xf32>
      %select_n3A_739 = arith.select %gt3A_737, %get3A_734, %select_n3A_728 : vector<16xi1>, vector<16xi32>
      %mul3A_740 = arith.constant 16 : i32
      %mul3A_741 = arith.muli %scan3A_398, %mul3A_740 : i32
      %add3A_742 = arith.constant 3968 : i32
      %add3A_743 = arith.addi %add3A_742, %mul3A_741 : i32
      %get3A_744 = arith.index_cast %add3A_743 : i32 to index
      %get3A_745 = tpu.vector_load %arg7[%get3A_744] {strides = array<i32>} : memref<4096xi32, #tpu.memory_space<vmem>>, vector<16xi32>,
      %get3A_746 = arith.index_cast %add3A_743 : i32 to index
      %get3A_747 = tpu.vector_load %arg10[%get3A_746] {strides = array<i32>} : memref<4096xf32, #tpu.memory_space<vmem>>, vector<16xf32>,
      %gt3A_748 = arith.cmpf ogt, %get3A_747, %select_n3A_738 : vector<16xf32>
      %select_n3A_749 = arith.select %gt3A_748, %get3A_747, %select_n3A_738 : vector<16xi1>, vector<16xf32>
      %select_n3A_750 = arith.select %gt3A_748, %get3A_745, %select_n3A_739 : vector<16xi1>, vector<16xi32>
      %mul3A_751 = arith.constant 16 : i32
      %mul3A_752 = arith.muli %scan3A_398, %mul3A_751 : i32
      %swap3A = arith.index_cast %mul3A_752 : i32 to index
      %swap3A_753 = tpu.vector_load %arg11[%swap3A] {strides = array<i32>} : memref<128xi32, #tpu.memory_space<vmem>>, vector<16xi32>,
      tpu.vector_store %arg11[%swap3A], %select_n3A_750 {strides = array<i32>} : memref<128xi32, #tpu.memory_space<vmem>>, vector<16xi32>,
    }
    %scan3A_397 = arith.constant 8 : i32
    "tpu.region"() ({
      %run_scoped3A = tpu.sem_alloc : memref<!tpu.dma_semaphore, #tpu.memory_space<semaphore_mem>>
      %dma_start3A_398 = tpu.memref_slice %arg5[%mul3A_2] : memref<4096xi32, #tpu.memory_space<hbm>> -> memref<128xi32, #tpu.memory_space<hbm>>
      %dma_start3A_399 = tpu.memref_slice %arg5[%mul3A_2] : memref<4096xi32, #tpu.memory_space<hbm>> -> memref<128xi32, #tpu.memory_space<hbm>>
      tpu.enqueue_dma source(%arg11 : memref<128xi32, #tpu.memory_space<vmem>>) target(%dma_start3A_399 : memref<128xi32, #tpu.memory_space<hbm>>) target_semaphore(%run_scoped3A : memref<!tpu.dma_semaphore, #tpu.memory_space<semaphore_mem>>)
      %dma_wait3A_400 = tpu.memref_slice %arg5[%mul3A_2] : memref<4096xi32, #tpu.memory_space<hbm>> -> memref<128xi32, #tpu.memory_space<hbm>>
      %dma_wait3A_401 = tpu.memref_slice %arg5[%mul3A_2] : memref<4096xi32, #tpu.memory_space<hbm>> -> memref<128xi32, #tpu.memory_space<hbm>>
      tpu.wait_dma2 semaphore(%run_scoped3A : memref<!tpu.dma_semaphore, #tpu.memory_space<semaphore_mem>>) src(%arg11 : memref<128xi32, #tpu.memory_space<vmem>>) dst(%dma_wait3A_401 : memref<128xi32, #tpu.memory_space<hbm>>)
      tpu.yield
    }) : () -> ()
    return
  }
}

module attributes {stable_mosaic.version = 14 : i64} {
  func.func @_perm_kernel(%arg0: i32, %arg1: memref<9xi32, #tpu.memory_space<smem>>, %arg2: memref<1000x768xf32, #tpu.memory_space<vmem>>, %arg3: memref<2304x1xi32, #tpu.memory_space<vmem>>, %arg4: memref<2304x768xf32, #tpu.memory_space<vmem>>) attributes {dimension_semantics = [#tpu.dimension_semantics<arbitrary>], iteration_bounds = array<i64: 1>, scalar_prefetch = 0 : i64, scratch_operands = 0 : i64, tpu.core_type = #tpu.core_type<tc>, window_params = [{transform_indices = @transform_0, window_bounds = array<i64: 9>}, {pipeline_mode = #tpu.pipeline_mode<synchronous>, transform_indices = @transform_1, window_bounds = array<i64: 1000, 768>}, {pipeline_mode = #tpu.pipeline_mode<synchronous>, transform_indices = @transform_2, window_bounds = array<i64: 2304, 1>}, {pipeline_mode = #tpu.pipeline_mode<synchronous>, transform_indices = @transform_3, window_bounds = array<i64: 2304, 768>}]} {
    %iota3A = tpu.iota {dimensions = array<i32: 1>} : vector<128x1000xi32>
    %get3A = arith.constant 0 : index
    %get3A_0 = arith.constant 0 : index
    %get3A_1 = vector.load %arg3[%get3A, %get3A_0] : memref<2304x1xi32, #tpu.memory_space<vmem>>, vector<128x1xi32>
    %eq3A = vector.broadcast %get3A_1 : vector<128x1xi32> to vector<128x1000xi32>
    %eq3A_2 = arith.cmpi eq, %eq3A, %iota3A : vector<128x1000xi32>
    %convert_element_type3A = arith.extui %eq3A_2 : vector<128x1000xi1> to vector<128x1000xi32>
    %convert_element_type3A_3 = arith.sitofp %convert_element_type3A : vector<128x1000xi32> to vector<128x1000xf32>
    %get3A_4 = arith.constant 0 : index
    %get3A_5 = arith.constant 0 : index
    %get3A_6 = vector.load %arg2[%get3A_4, %get3A_5] : memref<1000x768xf32, #tpu.memory_space<vmem>>, vector<1000x768xf32>
    %dot_general3A = arith.constant dense<0.000000e+00> : vector<128x768xf32>
    %dot_general3A_7 = tpu.matmul %convert_element_type3A_3, %get3A_6, %dot_general3A {dimension_numbers = #tpu.dot_dimension_numbers<[1], [0], [0], [1], [0, 0, 1, 1], [], []>, precision = #tpu.contract_precision<fp32>, transpose_lhs_hint = false} : vector<128x1000xf32>, vector<1000x768xf32>, vector<128x768xf32> -> vector<128x768xf32>
    %mul3A = arith.mulf %dot_general3A_7, %dot_general3A_7 : vector<128x768xf32>
    %reduce_sum3A = arith.constant dense<0.000000e+00> : vector<128xf32>
    %reduce_sum3A_8 = vector.multi_reduction <add>, %mul3A, %reduce_sum3A [1] : vector<128x768xf32> to vector<128xf32>
    %broadcast_in_dim3A = vector.shape_cast %reduce_sum3A_8 : vector<128xf32> to vector<128x1xf32>
    %sqrt3A = math.sqrt %broadcast_in_dim3A : vector<128x1xf32>
    %max3A = arith.constant 9.99999996E-13 : f32
    %max3A_9 = vector.broadcast %max3A : f32 to vector<128x1xf32>
    %max3A_10 = arith.maximumf %sqrt3A, %max3A_9 : vector<128x1xf32>
    %div3A = arith.constant 1.000000e+00 : f32
    %div3A_11 = vector.broadcast %div3A : f32 to vector<128x1xf32>
    %div3A_12 = arith.divf %div3A_11, %max3A_10 : vector<128x1xf32>
    %mul3A_13 = vector.broadcast %div3A_12 : vector<128x1xf32> to vector<128x768xf32>
    %mul3A_14 = arith.mulf %dot_general3A_7, %mul3A_13 : vector<128x768xf32>
    %swap3A = arith.constant 0 : index
    %swap3A_15 = arith.constant 0 : index
    %swap3A_16 = vector.load %arg4[%swap3A, %swap3A_15] : memref<2304x768xf32, #tpu.memory_space<vmem>>, vector<128x768xf32>
    tpu.vector_store %arg4[%swap3A, %swap3A_15], %mul3A_14 {strides = array<i32>} : memref<2304x768xf32, #tpu.memory_space<vmem>>, vector<128x768xf32>,
    %get3A_17 = arith.constant 128 : index
    %get3A_18 = arith.constant 0 : index
    %get3A_19 = vector.load %arg3[%get3A_17, %get3A_18] : memref<2304x1xi32, #tpu.memory_space<vmem>>, vector<128x1xi32>
    %eq3A_20 = vector.broadcast %get3A_19 : vector<128x1xi32> to vector<128x1000xi32>
    %eq3A_21 = arith.cmpi eq, %eq3A_20, %iota3A : vector<128x1000xi32>
    %convert_element_type3A_22 = arith.extui %eq3A_21 : vector<128x1000xi1> to vector<128x1000xi32>
    %convert_element_type3A_23 = arith.sitofp %convert_element_type3A_22 : vector<128x1000xi32> to vector<128x1000xf32>
    %get3A_24 = arith.constant 0 : index
    %get3A_25 = arith.constant 0 : index
    %get3A_26 = vector.load %arg2[%get3A_24, %get3A_25] : memref<1000x768xf32, #tpu.memory_space<vmem>>, vector<1000x768xf32>
    %dot_general3A_27 = arith.constant dense<0.000000e+00> : vector<128x768xf32>
    %dot_general3A_28 = tpu.matmul %convert_element_type3A_23, %get3A_26, %dot_general3A_27 {dimension_numbers = #tpu.dot_dimension_numbers<[1], [0], [0], [1], [0, 0, 1, 1], [], []>, precision = #tpu.contract_precision<fp32>, transpose_lhs_hint = false} : vector<128x1000xf32>, vector<1000x768xf32>, vector<128x768xf32> -> vector<128x768xf32>
    %mul3A_29 = arith.mulf %dot_general3A_28, %dot_general3A_28 : vector<128x768xf32>
    %reduce_sum3A_30 = arith.constant dense<0.000000e+00> : vector<128xf32>
    %reduce_sum3A_31 = vector.multi_reduction <add>, %mul3A_29, %reduce_sum3A_30 [1] : vector<128x768xf32> to vector<128xf32>
    %broadcast_in_dim3A_32 = vector.shape_cast %reduce_sum3A_31 : vector<128xf32> to vector<128x1xf32>
    %sqrt3A_33 = math.sqrt %broadcast_in_dim3A_32 : vector<128x1xf32>
    %max3A_34 = arith.constant 9.99999996E-13 : f32
    %max3A_35 = vector.broadcast %max3A_34 : f32 to vector<128x1xf32>
    %max3A_36 = arith.maximumf %sqrt3A_33, %max3A_35 : vector<128x1xf32>
    %div3A_37 = arith.constant 1.000000e+00 : f32
    %div3A_38 = vector.broadcast %div3A_37 : f32 to vector<128x1xf32>
    %div3A_39 = arith.divf %div3A_38, %max3A_36 : vector<128x1xf32>
    %mul3A_40 = vector.broadcast %div3A_39 : vector<128x1xf32> to vector<128x768xf32>
    %mul3A_41 = arith.mulf %dot_general3A_28, %mul3A_40 : vector<128x768xf32>
    %swap3A_42 = arith.constant 128 : index
    %swap3A_43 = arith.constant 0 : index
    %swap3A_44 = vector.load %arg4[%swap3A_42, %swap3A_43] : memref<2304x768xf32, #tpu.memory_space<vmem>>, vector<128x768xf32>
    tpu.vector_store %arg4[%swap3A_42, %swap3A_43], %mul3A_41 {strides = array<i32>} : memref<2304x768xf32, #tpu.memory_space<vmem>>, vector<128x768xf32>,
    %get3A_45 = arith.constant 256 : index
    %get3A_46 = arith.constant 0 : index
    %get3A_47 = vector.load %arg3[%get3A_45, %get3A_46] : memref<2304x1xi32, #tpu.memory_space<vmem>>, vector<128x1xi32>
    %eq3A_48 = vector.broadcast %get3A_47 : vector<128x1xi32> to vector<128x1000xi32>
    %eq3A_49 = arith.cmpi eq, %eq3A_48, %iota3A : vector<128x1000xi32>
    %convert_element_type3A_50 = arith.extui %eq3A_49 : vector<128x1000xi1> to vector<128x1000xi32>
    %convert_element_type3A_51 = arith.sitofp %convert_element_type3A_50 : vector<128x1000xi32> to vector<128x1000xf32>
    %get3A_52 = arith.constant 0 : index
    %get3A_53 = arith.constant 0 : index
    %get3A_54 = vector.load %arg2[%get3A_52, %get3A_53] : memref<1000x768xf32, #tpu.memory_space<vmem>>, vector<1000x768xf32>
    %dot_general3A_55 = arith.constant dense<0.000000e+00> : vector<128x768xf32>
    %dot_general3A_56 = tpu.matmul %convert_element_type3A_51, %get3A_54, %dot_general3A_55 {dimension_numbers = #tpu.dot_dimension_numbers<[1], [0], [0], [1], [0, 0, 1, 1], [], []>, precision = #tpu.contract_precision<fp32>, transpose_lhs_hint = false} : vector<128x1000xf32>, vector<1000x768xf32>, vector<128x768xf32> -> vector<128x768xf32>
    %mul3A_57 = arith.mulf %dot_general3A_56, %dot_general3A_56 : vector<128x768xf32>
    %reduce_sum3A_58 = arith.constant dense<0.000000e+00> : vector<128xf32>
    %reduce_sum3A_59 = vector.multi_reduction <add>, %mul3A_57, %reduce_sum3A_58 [1] : vector<128x768xf32> to vector<128xf32>
    %broadcast_in_dim3A_60 = vector.shape_cast %reduce_sum3A_59 : vector<128xf32> to vector<128x1xf32>
    %sqrt3A_61 = math.sqrt %broadcast_in_dim3A_60 : vector<128x1xf32>
    %max3A_62 = arith.constant 9.99999996E-13 : f32
    %max3A_63 = vector.broadcast %max3A_62 : f32 to vector<128x1xf32>
    %max3A_64 = arith.maximumf %sqrt3A_61, %max3A_63 : vector<128x1xf32>
    %div3A_65 = arith.constant 1.000000e+00 : f32
    %div3A_66 = vector.broadcast %div3A_65 : f32 to vector<128x1xf32>
    %div3A_67 = arith.divf %div3A_66, %max3A_64 : vector<128x1xf32>
    %mul3A_68 = vector.broadcast %div3A_67 : vector<128x1xf32> to vector<128x768xf32>
    %mul3A_69 = arith.mulf %dot_general3A_56, %mul3A_68 : vector<128x768xf32>
    %swap3A_70 = arith.constant 256 : index
    %swap3A_71 = arith.constant 0 : index
    %swap3A_72 = vector.load %arg4[%swap3A_70, %swap3A_71] : memref<2304x768xf32, #tpu.memory_space<vmem>>, vector<128x768xf32>
    tpu.vector_store %arg4[%swap3A_70, %swap3A_71], %mul3A_69 {strides = array<i32>} : memref<2304x768xf32, #tpu.memory_space<vmem>>, vector<128x768xf32>,
    %get3A_73 = arith.constant 384 : index
    %get3A_74 = arith.constant 0 : index
    %get3A_75 = vector.load %arg3[%get3A_73, %get3A_74] : memref<2304x1xi32, #tpu.memory_space<vmem>>, vector<128x1xi32>
    %eq3A_76 = vector.broadcast %get3A_75 : vector<128x1xi32> to vector<128x1000xi32>
    %eq3A_77 = arith.cmpi eq, %eq3A_76, %iota3A : vector<128x1000xi32>
    %convert_element_type3A_78 = arith.extui %eq3A_77 : vector<128x1000xi1> to vector<128x1000xi32>
    %convert_element_type3A_79 = arith.sitofp %convert_element_type3A_78 : vector<128x1000xi32> to vector<128x1000xf32>
    %get3A_80 = arith.constant 0 : index
    %get3A_81 = arith.constant 0 : index
    %get3A_82 = vector.load %arg2[%get3A_80, %get3A_81] : memref<1000x768xf32, #tpu.memory_space<vmem>>, vector<1000x768xf32>
    %dot_general3A_83 = arith.constant dense<0.000000e+00> : vector<128x768xf32>
    %dot_general3A_84 = tpu.matmul %convert_element_type3A_79, %get3A_82, %dot_general3A_83 {dimension_numbers = #tpu.dot_dimension_numbers<[1], [0], [0], [1], [0, 0, 1, 1], [], []>, precision = #tpu.contract_precision<fp32>, transpose_lhs_hint = false} : vector<128x1000xf32>, vector<1000x768xf32>, vector<128x768xf32> -> vector<128x768xf32>
    %mul3A_85 = arith.mulf %dot_general3A_84, %dot_general3A_84 : vector<128x768xf32>
    %reduce_sum3A_86 = arith.constant dense<0.000000e+00> : vector<128xf32>
    %reduce_sum3A_87 = vector.multi_reduction <add>, %mul3A_85, %reduce_sum3A_86 [1] : vector<128x768xf32> to vector<128xf32>
    %broadcast_in_dim3A_88 = vector.shape_cast %reduce_sum3A_87 : vector<128xf32> to vector<128x1xf32>
    %sqrt3A_89 = math.sqrt %broadcast_in_dim3A_88 : vector<128x1xf32>
    %max3A_90 = arith.constant 9.99999996E-13 : f32
    %max3A_91 = vector.broadcast %max3A_90 : f32 to vector<128x1xf32>
    %max3A_92 = arith.maximumf %sqrt3A_89, %max3A_91 : vector<128x1xf32>
    %div3A_93 = arith.constant 1.000000e+00 : f32
    %div3A_94 = vector.broadcast %div3A_93 : f32 to vector<128x1xf32>
    %div3A_95 = arith.divf %div3A_94, %max3A_92 : vector<128x1xf32>
    %mul3A_96 = vector.broadcast %div3A_95 : vector<128x1xf32> to vector<128x768xf32>
    %mul3A_97 = arith.mulf %dot_general3A_84, %mul3A_96 : vector<128x768xf32>
    %swap3A_98 = arith.constant 384 : index
    %swap3A_99 = arith.constant 0 : index
    %swap3A_100 = vector.load %arg4[%swap3A_98, %swap3A_99] : memref<2304x768xf32, #tpu.memory_space<vmem>>, vector<128x768xf32>
    tpu.vector_store %arg4[%swap3A_98, %swap3A_99], %mul3A_97 {strides = array<i32>} : memref<2304x768xf32, #tpu.memory_space<vmem>>, vector<128x768xf32>,
    %get3A_101 = arith.constant 512 : index
    %get3A_102 = arith.constant 0 : index
    %get3A_103 = vector.load %arg3[%get3A_101, %get3A_102] : memref<2304x1xi32, #tpu.memory_space<vmem>>, vector<128x1xi32>
    %eq3A_104 = vector.broadcast %get3A_103 : vector<128x1xi32> to vector<128x1000xi32>
    %eq3A_105 = arith.cmpi eq, %eq3A_104, %iota3A : vector<128x1000xi32>
    %convert_element_type3A_106 = arith.extui %eq3A_105 : vector<128x1000xi1> to vector<128x1000xi32>
    %convert_element_type3A_107 = arith.sitofp %convert_element_type3A_106 : vector<128x1000xi32> to vector<128x1000xf32>
    %get3A_108 = arith.constant 0 : index
    %get3A_109 = arith.constant 0 : index
    %get3A_110 = vector.load %arg2[%get3A_108, %get3A_109] : memref<1000x768xf32, #tpu.memory_space<vmem>>, vector<1000x768xf32>
    %dot_general3A_111 = arith.constant dense<0.000000e+00> : vector<128x768xf32>
    %dot_general3A_112 = tpu.matmul %convert_element_type3A_107, %get3A_110, %dot_general3A_111 {dimension_numbers = #tpu.dot_dimension_numbers<[1], [0], [0], [1], [0, 0, 1, 1], [], []>, precision = #tpu.contract_precision<fp32>, transpose_lhs_hint = false} : vector<128x1000xf32>, vector<1000x768xf32>, vector<128x768xf32> -> vector<128x768xf32>
    %mul3A_113 = arith.mulf %dot_general3A_112, %dot_general3A_112 : vector<128x768xf32>
    %reduce_sum3A_114 = arith.constant dense<0.000000e+00> : vector<128xf32>
    %reduce_sum3A_115 = vector.multi_reduction <add>, %mul3A_113, %reduce_sum3A_114 [1] : vector<128x768xf32> to vector<128xf32>
    %broadcast_in_dim3A_116 = vector.shape_cast %reduce_sum3A_115 : vector<128xf32> to vector<128x1xf32>
    %sqrt3A_117 = math.sqrt %broadcast_in_dim3A_116 : vector<128x1xf32>
    %max3A_118 = arith.constant 9.99999996E-13 : f32
    %max3A_119 = vector.broadcast %max3A_118 : f32 to vector<128x1xf32>
    %max3A_120 = arith.maximumf %sqrt3A_117, %max3A_119 : vector<128x1xf32>
    %div3A_121 = arith.constant 1.000000e+00 : f32
    %div3A_122 = vector.broadcast %div3A_121 : f32 to vector<128x1xf32>
    %div3A_123 = arith.divf %div3A_122, %max3A_120 : vector<128x1xf32>
    %mul3A_124 = vector.broadcast %div3A_123 : vector<128x1xf32> to vector<128x768xf32>
    %mul3A_125 = arith.mulf %dot_general3A_112, %mul3A_124 : vector<128x768xf32>
    %swap3A_126 = arith.constant 512 : index
    %swap3A_127 = arith.constant 0 : index
    %swap3A_128 = vector.load %arg4[%swap3A_126, %swap3A_127] : memref<2304x768xf32, #tpu.memory_space<vmem>>, vector<128x768xf32>
    tpu.vector_store %arg4[%swap3A_126, %swap3A_127], %mul3A_125 {strides = array<i32>} : memref<2304x768xf32, #tpu.memory_space<vmem>>, vector<128x768xf32>,
    %get3A_129 = arith.constant 640 : index
    %get3A_130 = arith.constant 0 : index
    %get3A_131 = vector.load %arg3[%get3A_129, %get3A_130] : memref<2304x1xi32, #tpu.memory_space<vmem>>, vector<128x1xi32>
    %eq3A_132 = vector.broadcast %get3A_131 : vector<128x1xi32> to vector<128x1000xi32>
    %eq3A_133 = arith.cmpi eq, %eq3A_132, %iota3A : vector<128x1000xi32>
    %convert_element_type3A_134 = arith.extui %eq3A_133 : vector<128x1000xi1> to vector<128x1000xi32>
    %convert_element_type3A_135 = arith.sitofp %convert_element_type3A_134 : vector<128x1000xi32> to vector<128x1000xf32>
    %get3A_136 = arith.constant 0 : index
    %get3A_137 = arith.constant 0 : index
    %get3A_138 = vector.load %arg2[%get3A_136, %get3A_137] : memref<1000x768xf32, #tpu.memory_space<vmem>>, vector<1000x768xf32>
    %dot_general3A_139 = arith.constant dense<0.000000e+00> : vector<128x768xf32>
    %dot_general3A_140 = tpu.matmul %convert_element_type3A_135, %get3A_138, %dot_general3A_139 {dimension_numbers = #tpu.dot_dimension_numbers<[1], [0], [0], [1], [0, 0, 1, 1], [], []>, precision = #tpu.contract_precision<fp32>, transpose_lhs_hint = false} : vector<128x1000xf32>, vector<1000x768xf32>, vector<128x768xf32> -> vector<128x768xf32>
    %mul3A_141 = arith.mulf %dot_general3A_140, %dot_general3A_140 : vector<128x768xf32>
    %reduce_sum3A_142 = arith.constant dense<0.000000e+00> : vector<128xf32>
    %reduce_sum3A_143 = vector.multi_reduction <add>, %mul3A_141, %reduce_sum3A_142 [1] : vector<128x768xf32> to vector<128xf32>
    %broadcast_in_dim3A_144 = vector.shape_cast %reduce_sum3A_143 : vector<128xf32> to vector<128x1xf32>
    %sqrt3A_145 = math.sqrt %broadcast_in_dim3A_144 : vector<128x1xf32>
    %max3A_146 = arith.constant 9.99999996E-13 : f32
    %max3A_147 = vector.broadcast %max3A_146 : f32 to vector<128x1xf32>
    %max3A_148 = arith.maximumf %sqrt3A_145, %max3A_147 : vector<128x1xf32>
    %div3A_149 = arith.constant 1.000000e+00 : f32
    %div3A_150 = vector.broadcast %div3A_149 : f32 to vector<128x1xf32>
    %div3A_151 = arith.divf %div3A_150, %max3A_148 : vector<128x1xf32>
    %mul3A_152 = vector.broadcast %div3A_151 : vector<128x1xf32> to vector<128x768xf32>
    %mul3A_153 = arith.mulf %dot_general3A_140, %mul3A_152 : vector<128x768xf32>
    %swap3A_154 = arith.constant 640 : index
    %swap3A_155 = arith.constant 0 : index
    %swap3A_156 = vector.load %arg4[%swap3A_154, %swap3A_155] : memref<2304x768xf32, #tpu.memory_space<vmem>>, vector<128x768xf32>
    tpu.vector_store %arg4[%swap3A_154, %swap3A_155], %mul3A_153 {strides = array<i32>} : memref<2304x768xf32, #tpu.memory_space<vmem>>, vector<128x768xf32>,
    %get3A_157 = arith.constant 768 : index
    %get3A_158 = arith.constant 0 : index
    %get3A_159 = vector.load %arg3[%get3A_157, %get3A_158] : memref<2304x1xi32, #tpu.memory_space<vmem>>, vector<128x1xi32>
    %eq3A_160 = vector.broadcast %get3A_159 : vector<128x1xi32> to vector<128x1000xi32>
    %eq3A_161 = arith.cmpi eq, %eq3A_160, %iota3A : vector<128x1000xi32>
    %convert_element_type3A_162 = arith.extui %eq3A_161 : vector<128x1000xi1> to vector<128x1000xi32>
    %convert_element_type3A_163 = arith.sitofp %convert_element_type3A_162 : vector<128x1000xi32> to vector<128x1000xf32>
    %get3A_164 = arith.constant 0 : index
    %get3A_165 = arith.constant 0 : index
    %get3A_166 = vector.load %arg2[%get3A_164, %get3A_165] : memref<1000x768xf32, #tpu.memory_space<vmem>>, vector<1000x768xf32>
    %dot_general3A_167 = arith.constant dense<0.000000e+00> : vector<128x768xf32>
    %dot_general3A_168 = tpu.matmul %convert_element_type3A_163, %get3A_166, %dot_general3A_167 {dimension_numbers = #tpu.dot_dimension_numbers<[1], [0], [0], [1], [0, 0, 1, 1], [], []>, precision = #tpu.contract_precision<fp32>, transpose_lhs_hint = false} : vector<128x1000xf32>, vector<1000x768xf32>, vector<128x768xf32> -> vector<128x768xf32>
    %mul3A_169 = arith.mulf %dot_general3A_168, %dot_general3A_168 : vector<128x768xf32>
    %reduce_sum3A_170 = arith.constant dense<0.000000e+00> : vector<128xf32>
    %reduce_sum3A_171 = vector.multi_reduction <add>, %mul3A_169, %reduce_sum3A_170 [1] : vector<128x768xf32> to vector<128xf32>
    %broadcast_in_dim3A_172 = vector.shape_cast %reduce_sum3A_171 : vector<128xf32> to vector<128x1xf32>
    %sqrt3A_173 = math.sqrt %broadcast_in_dim3A_172 : vector<128x1xf32>
    %max3A_174 = arith.constant 9.99999996E-13 : f32
    %max3A_175 = vector.broadcast %max3A_174 : f32 to vector<128x1xf32>
    %max3A_176 = arith.maximumf %sqrt3A_173, %max3A_175 : vector<128x1xf32>
    %div3A_177 = arith.constant 1.000000e+00 : f32
    %div3A_178 = vector.broadcast %div3A_177 : f32 to vector<128x1xf32>
    %div3A_179 = arith.divf %div3A_178, %max3A_176 : vector<128x1xf32>
    %mul3A_180 = vector.broadcast %div3A_179 : vector<128x1xf32> to vector<128x768xf32>
    %mul3A_181 = arith.mulf %dot_general3A_168, %mul3A_180 : vector<128x768xf32>
    %swap3A_182 = arith.constant 768 : index
    %swap3A_183 = arith.constant 0 : index
    %swap3A_184 = vector.load %arg4[%swap3A_182, %swap3A_183] : memref<2304x768xf32, #tpu.memory_space<vmem>>, vector<128x768xf32>
    tpu.vector_store %arg4[%swap3A_182, %swap3A_183], %mul3A_181 {strides = array<i32>} : memref<2304x768xf32, #tpu.memory_space<vmem>>, vector<128x768xf32>,
    %get3A_185 = arith.constant 896 : index
    %get3A_186 = arith.constant 0 : index
    %get3A_187 = vector.load %arg3[%get3A_185, %get3A_186] : memref<2304x1xi32, #tpu.memory_space<vmem>>, vector<128x1xi32>
    %eq3A_188 = vector.broadcast %get3A_187 : vector<128x1xi32> to vector<128x1000xi32>
    %eq3A_189 = arith.cmpi eq, %eq3A_188, %iota3A : vector<128x1000xi32>
    %convert_element_type3A_190 = arith.extui %eq3A_189 : vector<128x1000xi1> to vector<128x1000xi32>
    %convert_element_type3A_191 = arith.sitofp %convert_element_type3A_190 : vector<128x1000xi32> to vector<128x1000xf32>
    %get3A_192 = arith.constant 0 : index
    %get3A_193 = arith.constant 0 : index
    %get3A_194 = vector.load %arg2[%get3A_192, %get3A_193] : memref<1000x768xf32, #tpu.memory_space<vmem>>, vector<1000x768xf32>
    %dot_general3A_195 = arith.constant dense<0.000000e+00> : vector<128x768xf32>
    %dot_general3A_196 = tpu.matmul %convert_element_type3A_191, %get3A_194, %dot_general3A_195 {dimension_numbers = #tpu.dot_dimension_numbers<[1], [0], [0], [1], [0, 0, 1, 1], [], []>, precision = #tpu.contract_precision<fp32>, transpose_lhs_hint = false} : vector<128x1000xf32>, vector<1000x768xf32>, vector<128x768xf32> -> vector<128x768xf32>
    %mul3A_197 = arith.mulf %dot_general3A_196, %dot_general3A_196 : vector<128x768xf32>
    %reduce_sum3A_198 = arith.constant dense<0.000000e+00> : vector<128xf32>
    %reduce_sum3A_199 = vector.multi_reduction <add>, %mul3A_197, %reduce_sum3A_198 [1] : vector<128x768xf32> to vector<128xf32>
    %broadcast_in_dim3A_200 = vector.shape_cast %reduce_sum3A_199 : vector<128xf32> to vector<128x1xf32>
    %sqrt3A_201 = math.sqrt %broadcast_in_dim3A_200 : vector<128x1xf32>
    %max3A_202 = arith.constant 9.99999996E-13 : f32
    %max3A_203 = vector.broadcast %max3A_202 : f32 to vector<128x1xf32>
    %max3A_204 = arith.maximumf %sqrt3A_201, %max3A_203 : vector<128x1xf32>
    %div3A_205 = arith.constant 1.000000e+00 : f32
    %div3A_206 = vector.broadcast %div3A_205 : f32 to vector<128x1xf32>
    %div3A_207 = arith.divf %div3A_206, %max3A_204 : vector<128x1xf32>
    %mul3A_208 = vector.broadcast %div3A_207 : vector<128x1xf32> to vector<128x768xf32>
    %mul3A_209 = arith.mulf %dot_general3A_196, %mul3A_208 : vector<128x768xf32>
    %swap3A_210 = arith.constant 896 : index
    %swap3A_211 = arith.constant 0 : index
    %swap3A_212 = vector.load %arg4[%swap3A_210, %swap3A_211] : memref<2304x768xf32, #tpu.memory_space<vmem>>, vector<128x768xf32>
    tpu.vector_store %arg4[%swap3A_210, %swap3A_211], %mul3A_209 {strides = array<i32>} : memref<2304x768xf32, #tpu.memory_space<vmem>>, vector<128x768xf32>,
    %get3A_213 = arith.constant 1024 : index
    %get3A_214 = arith.constant 0 : index
    %get3A_215 = vector.load %arg3[%get3A_213, %get3A_214] : memref<2304x1xi32, #tpu.memory_space<vmem>>, vector<128x1xi32>
    %eq3A_216 = vector.broadcast %get3A_215 : vector<128x1xi32> to vector<128x1000xi32>
    %eq3A_217 = arith.cmpi eq, %eq3A_216, %iota3A : vector<128x1000xi32>
    %convert_element_type3A_218 = arith.extui %eq3A_217 : vector<128x1000xi1> to vector<128x1000xi32>
    %convert_element_type3A_219 = arith.sitofp %convert_element_type3A_218 : vector<128x1000xi32> to vector<128x1000xf32>
    %get3A_220 = arith.constant 0 : index
    %get3A_221 = arith.constant 0 : index
    %get3A_222 = vector.load %arg2[%get3A_220, %get3A_221] : memref<1000x768xf32, #tpu.memory_space<vmem>>, vector<1000x768xf32>
    %dot_general3A_223 = arith.constant dense<0.000000e+00> : vector<128x768xf32>
    %dot_general3A_224 = tpu.matmul %convert_element_type3A_219, %get3A_222, %dot_general3A_223 {dimension_numbers = #tpu.dot_dimension_numbers<[1], [0], [0], [1], [0, 0, 1, 1], [], []>, precision = #tpu.contract_precision<fp32>, transpose_lhs_hint = false} : vector<128x1000xf32>, vector<1000x768xf32>, vector<128x768xf32> -> vector<128x768xf32>
    %mul3A_225 = arith.mulf %dot_general3A_224, %dot_general3A_224 : vector<128x768xf32>
    %reduce_sum3A_226 = arith.constant dense<0.000000e+00> : vector<128xf32>
    %reduce_sum3A_227 = vector.multi_reduction <add>, %mul3A_225, %reduce_sum3A_226 [1] : vector<128x768xf32> to vector<128xf32>
    %broadcast_in_dim3A_228 = vector.shape_cast %reduce_sum3A_227 : vector<128xf32> to vector<128x1xf32>
    %sqrt3A_229 = math.sqrt %broadcast_in_dim3A_228 : vector<128x1xf32>
    %max3A_230 = arith.constant 9.99999996E-13 : f32
    %max3A_231 = vector.broadcast %max3A_230 : f32 to vector<128x1xf32>
    %max3A_232 = arith.maximumf %sqrt3A_229, %max3A_231 : vector<128x1xf32>
    %div3A_233 = arith.constant 1.000000e+00 : f32
    %div3A_234 = vector.broadcast %div3A_233 : f32 to vector<128x1xf32>
    %div3A_235 = arith.divf %div3A_234, %max3A_232 : vector<128x1xf32>
    %mul3A_236 = vector.broadcast %div3A_235 : vector<128x1xf32> to vector<128x768xf32>
    %mul3A_237 = arith.mulf %dot_general3A_224, %mul3A_236 : vector<128x768xf32>
    %swap3A_238 = arith.constant 1024 : index
    %swap3A_239 = arith.constant 0 : index
    %swap3A_240 = vector.load %arg4[%swap3A_238, %swap3A_239] : memref<2304x768xf32, #tpu.memory_space<vmem>>, vector<128x768xf32>
    tpu.vector_store %arg4[%swap3A_238, %swap3A_239], %mul3A_237 {strides = array<i32>} : memref<2304x768xf32, #tpu.memory_space<vmem>>, vector<128x768xf32>,
    %get3A_241 = arith.constant 1152 : index
    %get3A_242 = arith.constant 0 : index
    %get3A_243 = vector.load %arg3[%get3A_241, %get3A_242] : memref<2304x1xi32, #tpu.memory_space<vmem>>, vector<128x1xi32>
    %eq3A_244 = vector.broadcast %get3A_243 : vector<128x1xi32> to vector<128x1000xi32>
    %eq3A_245 = arith.cmpi eq, %eq3A_244, %iota3A : vector<128x1000xi32>
    %convert_element_type3A_246 = arith.extui %eq3A_245 : vector<128x1000xi1> to vector<128x1000xi32>
    %convert_element_type3A_247 = arith.sitofp %convert_element_type3A_246 : vector<128x1000xi32> to vector<128x1000xf32>
    %get3A_248 = arith.constant 0 : index
    %get3A_249 = arith.constant 0 : index
    %get3A_250 = vector.load %arg2[%get3A_248, %get3A_249] : memref<1000x768xf32, #tpu.memory_space<vmem>>, vector<1000x768xf32>
    %dot_general3A_251 = arith.constant dense<0.000000e+00> : vector<128x768xf32>
    %dot_general3A_252 = tpu.matmul %convert_element_type3A_247, %get3A_250, %dot_general3A_251 {dimension_numbers = #tpu.dot_dimension_numbers<[1], [0], [0], [1], [0, 0, 1, 1], [], []>, precision = #tpu.contract_precision<fp32>, transpose_lhs_hint = false} : vector<128x1000xf32>, vector<1000x768xf32>, vector<128x768xf32> -> vector<128x768xf32>
    %mul3A_253 = arith.mulf %dot_general3A_252, %dot_general3A_252 : vector<128x768xf32>
    %reduce_sum3A_254 = arith.constant dense<0.000000e+00> : vector<128xf32>
    %reduce_sum3A_255 = vector.multi_reduction <add>, %mul3A_253, %reduce_sum3A_254 [1] : vector<128x768xf32> to vector<128xf32>
    %broadcast_in_dim3A_256 = vector.shape_cast %reduce_sum3A_255 : vector<128xf32> to vector<128x1xf32>
    %sqrt3A_257 = math.sqrt %broadcast_in_dim3A_256 : vector<128x1xf32>
    %max3A_258 = arith.constant 9.99999996E-13 : f32
    %max3A_259 = vector.broadcast %max3A_258 : f32 to vector<128x1xf32>
    %max3A_260 = arith.maximumf %sqrt3A_257, %max3A_259 : vector<128x1xf32>
    %div3A_261 = arith.constant 1.000000e+00 : f32
    %div3A_262 = vector.broadcast %div3A_261 : f32 to vector<128x1xf32>
    %div3A_263 = arith.divf %div3A_262, %max3A_260 : vector<128x1xf32>
    %mul3A_264 = vector.broadcast %div3A_263 : vector<128x1xf32> to vector<128x768xf32>
    %mul3A_265 = arith.mulf %dot_general3A_252, %mul3A_264 : vector<128x768xf32>
    %swap3A_266 = arith.constant 1152 : index
    %swap3A_267 = arith.constant 0 : index
    %swap3A_268 = vector.load %arg4[%swap3A_266, %swap3A_267] : memref<2304x768xf32, #tpu.memory_space<vmem>>, vector<128x768xf32>
    tpu.vector_store %arg4[%swap3A_266, %swap3A_267], %mul3A_265 {strides = array<i32>} : memref<2304x768xf32, #tpu.memory_space<vmem>>, vector<128x768xf32>,
    %get3A_269 = arith.constant 8 : index
    %get3A_270 = memref.load %arg1[%get3A_269] : memref<9xi32, #tpu.memory_space<smem>>
    %while3A = arith.constant 0 : i32
    %while3A_271 = arith.constant 0 : i32
    %while3A_272 = arith.subi %get3A_270, %while3A_271 : i32
    %while3A_273 = arith.addi %while3A_271, %while3A_272 : i32
    %while3A_274 = arith.constant 1 : i32
    %while3A_275 = arith.divsi %while3A_272, %while3A_274 : i32
    %while3A_276 = arith.muli %while3A_275, %while3A_274 : i32
    %while3A_277 = arith.addi %while3A_271, %while3A_276 : i32
    %while3A_278 = arith.constant 1 : i32
    scf.for %while3A_280 = %while3A_271 to %while3A_277 step %while3A_278  : i32 {
      %mul3A_281 = arith.constant 128 : i32
      %mul3A_282 = arith.muli %while3A_280, %mul3A_281 : i32
      %add3A = arith.constant 1280 : i32
      %add3A_283 = arith.addi %add3A, %mul3A_282 : i32
      %multiple_of3A = tpu.assume_multiple %add3A_283, 128 : i32
      %get3A_284 = arith.index_cast %multiple_of3A : i32 to index
      %get3A_285 = arith.constant 0 : index
      %get3A_286 = vector.load %arg3[%get3A_284, %get3A_285] : memref<2304x1xi32, #tpu.memory_space<vmem>>, vector<128x1xi32>
      %eq3A_287 = vector.broadcast %get3A_286 : vector<128x1xi32> to vector<128x1000xi32>
      %eq3A_288 = arith.cmpi eq, %eq3A_287, %iota3A : vector<128x1000xi32>
      %convert_element_type3A_289 = arith.extui %eq3A_288 : vector<128x1000xi1> to vector<128x1000xi32>
      %convert_element_type3A_290 = arith.sitofp %convert_element_type3A_289 : vector<128x1000xi32> to vector<128x1000xf32>
      %get3A_291 = arith.constant 0 : index
      %get3A_292 = arith.constant 0 : index
      %get3A_293 = vector.load %arg2[%get3A_291, %get3A_292] : memref<1000x768xf32, #tpu.memory_space<vmem>>, vector<1000x768xf32>
      %dot_general3A_294 = arith.constant dense<0.000000e+00> : vector<128x768xf32>
      %dot_general3A_295 = tpu.matmul %convert_element_type3A_290, %get3A_293, %dot_general3A_294 {dimension_numbers = #tpu.dot_dimension_numbers<[1], [0], [0], [1], [0, 0, 1, 1], [], []>, precision = #tpu.contract_precision<fp32>, transpose_lhs_hint = false} : vector<128x1000xf32>, vector<1000x768xf32>, vector<128x768xf32> -> vector<128x768xf32>
      %mul3A_296 = arith.mulf %dot_general3A_295, %dot_general3A_295 : vector<128x768xf32>
      %reduce_sum3A_297 = arith.constant dense<0.000000e+00> : vector<128xf32>
      %reduce_sum3A_298 = vector.multi_reduction <add>, %mul3A_296, %reduce_sum3A_297 [1] : vector<128x768xf32> to vector<128xf32>
      %broadcast_in_dim3A_299 = vector.shape_cast %reduce_sum3A_298 : vector<128xf32> to vector<128x1xf32>
      %sqrt3A_300 = math.sqrt %broadcast_in_dim3A_299 : vector<128x1xf32>
      %max3A_301 = arith.constant 9.99999996E-13 : f32
      %max3A_302 = vector.broadcast %max3A_301 : f32 to vector<128x1xf32>
      %max3A_303 = arith.maximumf %sqrt3A_300, %max3A_302 : vector<128x1xf32>
      %div3A_304 = arith.constant 1.000000e+00 : f32
      %div3A_305 = vector.broadcast %div3A_304 : f32 to vector<128x1xf32>
      %div3A_306 = arith.divf %div3A_305, %max3A_303 : vector<128x1xf32>
      %mul3A_307 = vector.broadcast %div3A_306 : vector<128x1xf32> to vector<128x768xf32>
      %mul3A_308 = arith.mulf %dot_general3A_295, %mul3A_307 : vector<128x768xf32>
      %swap3A_309 = arith.index_cast %multiple_of3A : i32 to index
      %swap3A_310 = arith.constant 0 : index
      %swap3A_311 = vector.load %arg4[%swap3A_309, %swap3A_310] : memref<2304x768xf32, #tpu.memory_space<vmem>>, vector<128x768xf32>
      tpu.vector_store %arg4[%swap3A_309, %swap3A_310], %mul3A_308 {strides = array<i32>} : memref<2304x768xf32, #tpu.memory_space<vmem>>, vector<128x768xf32>,
    }
    %while3A_279 = arith.constant 1 : i32
    scf.for %while3A_280 = %while3A_277 to %while3A_273 step %while3A_279  : i32 {
      %mul3A_281 = arith.constant 128 : i32
      %mul3A_282 = arith.muli %while3A_280, %mul3A_281 : i32
      %add3A = arith.constant 1280 : i32
      %add3A_283 = arith.addi %add3A, %mul3A_282 : i32
      %multiple_of3A = tpu.assume_multiple %add3A_283, 128 : i32
      %get3A_284 = arith.index_cast %multiple_of3A : i32 to index
      %get3A_285 = arith.constant 0 : index
      %get3A_286 = vector.load %arg3[%get3A_284, %get3A_285] : memref<2304x1xi32, #tpu.memory_space<vmem>>, vector<128x1xi32>
      %eq3A_287 = vector.broadcast %get3A_286 : vector<128x1xi32> to vector<128x1000xi32>
      %eq3A_288 = arith.cmpi eq, %eq3A_287, %iota3A : vector<128x1000xi32>
      %convert_element_type3A_289 = arith.extui %eq3A_288 : vector<128x1000xi1> to vector<128x1000xi32>
      %convert_element_type3A_290 = arith.sitofp %convert_element_type3A_289 : vector<128x1000xi32> to vector<128x1000xf32>
      %get3A_291 = arith.constant 0 : index
      %get3A_292 = arith.constant 0 : index
      %get3A_293 = vector.load %arg2[%get3A_291, %get3A_292] : memref<1000x768xf32, #tpu.memory_space<vmem>>, vector<1000x768xf32>
      %dot_general3A_294 = arith.constant dense<0.000000e+00> : vector<128x768xf32>
      %dot_general3A_295 = tpu.matmul %convert_element_type3A_290, %get3A_293, %dot_general3A_294 {dimension_numbers = #tpu.dot_dimension_numbers<[1], [0], [0], [1], [0, 0, 1, 1], [], []>, precision = #tpu.contract_precision<fp32>, transpose_lhs_hint = false} : vector<128x1000xf32>, vector<1000x768xf32>, vector<128x768xf32> -> vector<128x768xf32>
      %mul3A_296 = arith.mulf %dot_general3A_295, %dot_general3A_295 : vector<128x768xf32>
      %reduce_sum3A_297 = arith.constant dense<0.000000e+00> : vector<128xf32>
      %reduce_sum3A_298 = vector.multi_reduction <add>, %mul3A_296, %reduce_sum3A_297 [1] : vector<128x768xf32> to vector<128xf32>
      %broadcast_in_dim3A_299 = vector.shape_cast %reduce_sum3A_298 : vector<128xf32> to vector<128x1xf32>
      %sqrt3A_300 = math.sqrt %broadcast_in_dim3A_299 : vector<128x1xf32>
      %max3A_301 = arith.constant 9.99999996E-13 : f32
      %max3A_302 = vector.broadcast %max3A_301 : f32 to vector<128x1xf32>
      %max3A_303 = arith.maximumf %sqrt3A_300, %max3A_302 : vector<128x1xf32>
      %div3A_304 = arith.constant 1.000000e+00 : f32
      %div3A_305 = vector.broadcast %div3A_304 : f32 to vector<128x1xf32>
      %div3A_306 = arith.divf %div3A_305, %max3A_303 : vector<128x1xf32>
      %mul3A_307 = vector.broadcast %div3A_306 : vector<128x1xf32> to vector<128x768xf32>
      %mul3A_308 = arith.mulf %dot_general3A_295, %mul3A_307 : vector<128x768xf32>
      %swap3A_309 = arith.index_cast %multiple_of3A : i32 to index
      %swap3A_310 = arith.constant 0 : index
      %swap3A_311 = vector.load %arg4[%swap3A_309, %swap3A_310] : memref<2304x768xf32, #tpu.memory_space<vmem>>, vector<128x768xf32>
      tpu.vector_store %arg4[%swap3A_309, %swap3A_310], %mul3A_308 {strides = array<i32>} : memref<2304x768xf32, #tpu.memory_space<vmem>>, vector<128x768xf32>,
    }
    return
  }
  func.func @transform_0(%arg0: i32) -> i32 {
    %c0_i32 = arith.constant 0 : i32
    %c0_i32_0 = arith.constant 0 : i32
    return %c0_i32 : i32
  }
  func.func @transform_1(%arg0: i32) -> (i32, i32) {
    %c0_i32 = arith.constant 0 : i32
    %c0_i32_0 = arith.constant 0 : i32
    %c0_i32_1 = arith.constant 0 : i32
    return %c0_i32, %c0_i32_0 : i32, i32
  }
  func.func @transform_2(%arg0: i32) -> (i32, i32) {
    %c0_i32 = arith.constant 0 : i32
    %c0_i32_0 = arith.constant 0 : i32
    %c0_i32_1 = arith.constant 0 : i32
    return %c0_i32, %c0_i32_0 : i32, i32
  }
  func.func @transform_3(%arg0: i32) -> (i32, i32) {
    %c0_i32 = arith.constant 0 : i32
    %c0_i32_0 = arith.constant 0 : i32
    %c0_i32_1 = arith.constant 0 : i32
    return %c0_i32, %c0_i32_0 : i32, i32
  }
}

module attributes {stable_mosaic.version = 14 : i64} {
  func.func @_sim_sorted_kernel(%arg0: i32, %arg1: memref<9xi32, #tpu.memory_space<smem>>, %arg2: memref<10x256x768xf32, #tpu.memory_space<vmem>>, %arg3: memref<2304x768xf32, #tpu.memory_space<vmem>>, %arg4: memref<256x2304xf32, #tpu.memory_space<vmem>>) attributes {dimension_semantics = [#tpu.dimension_semantics<arbitrary>], iteration_bounds = array<i64: 16>, scalar_prefetch = 0 : i64, scratch_operands = 0 : i64, tpu.core_type = #tpu.core_type<tc>, window_params = [{transform_indices = @transform_0, window_bounds = array<i64: 9>}, {transform_indices = @transform_1, window_bounds = array<i64: 10, 256, 768>}, {pipeline_mode = #tpu.pipeline_mode<synchronous>, transform_indices = @transform_2, window_bounds = array<i64: 2304, 768>}, {transform_indices = @transform_3, window_bounds = array<i64: 256, 2304>}]} {
    %get3A = arith.constant 0 : index
    %get3A_0 = arith.constant 0 : index
    %get3A_1 = arith.constant 0 : index
    %get3A_2 = vector.load %arg2[%get3A, %get3A_0, %get3A_1] : memref<10x256x768xf32, #tpu.memory_space<vmem>>, vector<1x256x768xf32>
    %get3A_3 = vector.shape_cast %get3A_2 : vector<1x256x768xf32> to vector<256x768xf32>
    %mul3A = arith.mulf %get3A_3, %get3A_3 : vector<256x768xf32>
    %reduce_sum3A = arith.constant dense<0.000000e+00> : vector<256xf32>
    %reduce_sum3A_4 = vector.multi_reduction <add>, %mul3A, %reduce_sum3A [1] : vector<256x768xf32> to vector<256xf32>
    %broadcast_in_dim3A = vector.shape_cast %reduce_sum3A_4 : vector<256xf32> to vector<256x1xf32>
    %sqrt3A = math.sqrt %broadcast_in_dim3A : vector<256x1xf32>
    %max3A = arith.constant 9.99999996E-13 : f32
    %max3A_5 = vector.broadcast %max3A : f32 to vector<256x1xf32>
    %max3A_6 = arith.maximumf %sqrt3A, %max3A_5 : vector<256x1xf32>
    %div3A = arith.constant 1.000000e+00 : f32
    %div3A_7 = vector.broadcast %div3A : f32 to vector<256x1xf32>
    %div3A_8 = arith.divf %div3A_7, %max3A_6 : vector<256x1xf32>
    %get3A_9 = arith.constant 1 : index
    %get3A_10 = arith.constant 0 : index
    %get3A_11 = arith.constant 0 : index
    %get3A_12 = vector.load %arg2[%get3A_9, %get3A_10, %get3A_11] : memref<10x256x768xf32, #tpu.memory_space<vmem>>, vector<1x256x768xf32>
    %get3A_13 = vector.shape_cast %get3A_12 : vector<1x256x768xf32> to vector<256x768xf32>
    %mul3A_14 = arith.mulf %get3A_13, %get3A_13 : vector<256x768xf32>
    %reduce_sum3A_15 = arith.constant dense<0.000000e+00> : vector<256xf32>
    %reduce_sum3A_16 = vector.multi_reduction <add>, %mul3A_14, %reduce_sum3A_15 [1] : vector<256x768xf32> to vector<256xf32>
    %broadcast_in_dim3A_17 = vector.shape_cast %reduce_sum3A_16 : vector<256xf32> to vector<256x1xf32>
    %sqrt3A_18 = math.sqrt %broadcast_in_dim3A_17 : vector<256x1xf32>
    %max3A_19 = arith.constant 9.99999996E-13 : f32
    %max3A_20 = vector.broadcast %max3A_19 : f32 to vector<256x1xf32>
    %max3A_21 = arith.maximumf %sqrt3A_18, %max3A_20 : vector<256x1xf32>
    %div3A_22 = arith.constant 1.000000e+00 : f32
    %div3A_23 = vector.broadcast %div3A_22 : f32 to vector<256x1xf32>
    %div3A_24 = arith.divf %div3A_23, %max3A_21 : vector<256x1xf32>
    %get3A_25 = arith.constant 2 : index
    %get3A_26 = arith.constant 0 : index
    %get3A_27 = arith.constant 0 : index
    %get3A_28 = vector.load %arg2[%get3A_25, %get3A_26, %get3A_27] : memref<10x256x768xf32, #tpu.memory_space<vmem>>, vector<1x256x768xf32>
    %get3A_29 = vector.shape_cast %get3A_28 : vector<1x256x768xf32> to vector<256x768xf32>
    %mul3A_30 = arith.mulf %get3A_29, %get3A_29 : vector<256x768xf32>
    %reduce_sum3A_31 = arith.constant dense<0.000000e+00> : vector<256xf32>
    %reduce_sum3A_32 = vector.multi_reduction <add>, %mul3A_30, %reduce_sum3A_31 [1] : vector<256x768xf32> to vector<256xf32>
    %broadcast_in_dim3A_33 = vector.shape_cast %reduce_sum3A_32 : vector<256xf32> to vector<256x1xf32>
    %sqrt3A_34 = math.sqrt %broadcast_in_dim3A_33 : vector<256x1xf32>
    %max3A_35 = arith.constant 9.99999996E-13 : f32
    %max3A_36 = vector.broadcast %max3A_35 : f32 to vector<256x1xf32>
    %max3A_37 = arith.maximumf %sqrt3A_34, %max3A_36 : vector<256x1xf32>
    %div3A_38 = arith.constant 1.000000e+00 : f32
    %div3A_39 = vector.broadcast %div3A_38 : f32 to vector<256x1xf32>
    %div3A_40 = arith.divf %div3A_39, %max3A_37 : vector<256x1xf32>
    %get3A_41 = arith.constant 3 : index
    %get3A_42 = arith.constant 0 : index
    %get3A_43 = arith.constant 0 : index
    %get3A_44 = vector.load %arg2[%get3A_41, %get3A_42, %get3A_43] : memref<10x256x768xf32, #tpu.memory_space<vmem>>, vector<1x256x768xf32>
    %get3A_45 = vector.shape_cast %get3A_44 : vector<1x256x768xf32> to vector<256x768xf32>
    %mul3A_46 = arith.mulf %get3A_45, %get3A_45 : vector<256x768xf32>
    %reduce_sum3A_47 = arith.constant dense<0.000000e+00> : vector<256xf32>
    %reduce_sum3A_48 = vector.multi_reduction <add>, %mul3A_46, %reduce_sum3A_47 [1] : vector<256x768xf32> to vector<256xf32>
    %broadcast_in_dim3A_49 = vector.shape_cast %reduce_sum3A_48 : vector<256xf32> to vector<256x1xf32>
    %sqrt3A_50 = math.sqrt %broadcast_in_dim3A_49 : vector<256x1xf32>
    %max3A_51 = arith.constant 9.99999996E-13 : f32
    %max3A_52 = vector.broadcast %max3A_51 : f32 to vector<256x1xf32>
    %max3A_53 = arith.maximumf %sqrt3A_50, %max3A_52 : vector<256x1xf32>
    %div3A_54 = arith.constant 1.000000e+00 : f32
    %div3A_55 = vector.broadcast %div3A_54 : f32 to vector<256x1xf32>
    %div3A_56 = arith.divf %div3A_55, %max3A_53 : vector<256x1xf32>
    %get3A_57 = arith.constant 4 : index
    %get3A_58 = arith.constant 0 : index
    %get3A_59 = arith.constant 0 : index
    %get3A_60 = vector.load %arg2[%get3A_57, %get3A_58, %get3A_59] : memref<10x256x768xf32, #tpu.memory_space<vmem>>, vector<1x256x768xf32>
    %get3A_61 = vector.shape_cast %get3A_60 : vector<1x256x768xf32> to vector<256x768xf32>
    %mul3A_62 = arith.mulf %get3A_61, %get3A_61 : vector<256x768xf32>
    %reduce_sum3A_63 = arith.constant dense<0.000000e+00> : vector<256xf32>
    %reduce_sum3A_64 = vector.multi_reduction <add>, %mul3A_62, %reduce_sum3A_63 [1] : vector<256x768xf32> to vector<256xf32>
    %broadcast_in_dim3A_65 = vector.shape_cast %reduce_sum3A_64 : vector<256xf32> to vector<256x1xf32>
    %sqrt3A_66 = math.sqrt %broadcast_in_dim3A_65 : vector<256x1xf32>
    %max3A_67 = arith.constant 9.99999996E-13 : f32
    %max3A_68 = vector.broadcast %max3A_67 : f32 to vector<256x1xf32>
    %max3A_69 = arith.maximumf %sqrt3A_66, %max3A_68 : vector<256x1xf32>
    %div3A_70 = arith.constant 1.000000e+00 : f32
    %div3A_71 = vector.broadcast %div3A_70 : f32 to vector<256x1xf32>
    %div3A_72 = arith.divf %div3A_71, %max3A_69 : vector<256x1xf32>
    %get3A_73 = arith.constant 5 : index
    %get3A_74 = arith.constant 0 : index
    %get3A_75 = arith.constant 0 : index
    %get3A_76 = vector.load %arg2[%get3A_73, %get3A_74, %get3A_75] : memref<10x256x768xf32, #tpu.memory_space<vmem>>, vector<1x256x768xf32>
    %get3A_77 = vector.shape_cast %get3A_76 : vector<1x256x768xf32> to vector<256x768xf32>
    %mul3A_78 = arith.mulf %get3A_77, %get3A_77 : vector<256x768xf32>
    %reduce_sum3A_79 = arith.constant dense<0.000000e+00> : vector<256xf32>
    %reduce_sum3A_80 = vector.multi_reduction <add>, %mul3A_78, %reduce_sum3A_79 [1] : vector<256x768xf32> to vector<256xf32>
    %broadcast_in_dim3A_81 = vector.shape_cast %reduce_sum3A_80 : vector<256xf32> to vector<256x1xf32>
    %sqrt3A_82 = math.sqrt %broadcast_in_dim3A_81 : vector<256x1xf32>
    %max3A_83 = arith.constant 9.99999996E-13 : f32
    %max3A_84 = vector.broadcast %max3A_83 : f32 to vector<256x1xf32>
    %max3A_85 = arith.maximumf %sqrt3A_82, %max3A_84 : vector<256x1xf32>
    %div3A_86 = arith.constant 1.000000e+00 : f32
    %div3A_87 = vector.broadcast %div3A_86 : f32 to vector<256x1xf32>
    %div3A_88 = arith.divf %div3A_87, %max3A_85 : vector<256x1xf32>
    %get3A_89 = arith.constant 6 : index
    %get3A_90 = arith.constant 0 : index
    %get3A_91 = arith.constant 0 : index
    %get3A_92 = vector.load %arg2[%get3A_89, %get3A_90, %get3A_91] : memref<10x256x768xf32, #tpu.memory_space<vmem>>, vector<1x256x768xf32>
    %get3A_93 = vector.shape_cast %get3A_92 : vector<1x256x768xf32> to vector<256x768xf32>
    %mul3A_94 = arith.mulf %get3A_93, %get3A_93 : vector<256x768xf32>
    %reduce_sum3A_95 = arith.constant dense<0.000000e+00> : vector<256xf32>
    %reduce_sum3A_96 = vector.multi_reduction <add>, %mul3A_94, %reduce_sum3A_95 [1] : vector<256x768xf32> to vector<256xf32>
    %broadcast_in_dim3A_97 = vector.shape_cast %reduce_sum3A_96 : vector<256xf32> to vector<256x1xf32>
    %sqrt3A_98 = math.sqrt %broadcast_in_dim3A_97 : vector<256x1xf32>
    %max3A_99 = arith.constant 9.99999996E-13 : f32
    %max3A_100 = vector.broadcast %max3A_99 : f32 to vector<256x1xf32>
    %max3A_101 = arith.maximumf %sqrt3A_98, %max3A_100 : vector<256x1xf32>
    %div3A_102 = arith.constant 1.000000e+00 : f32
    %div3A_103 = vector.broadcast %div3A_102 : f32 to vector<256x1xf32>
    %div3A_104 = arith.divf %div3A_103, %max3A_101 : vector<256x1xf32>
    %get3A_105 = arith.constant 7 : index
    %get3A_106 = arith.constant 0 : index
    %get3A_107 = arith.constant 0 : index
    %get3A_108 = vector.load %arg2[%get3A_105, %get3A_106, %get3A_107] : memref<10x256x768xf32, #tpu.memory_space<vmem>>, vector<1x256x768xf32>
    %get3A_109 = vector.shape_cast %get3A_108 : vector<1x256x768xf32> to vector<256x768xf32>
    %mul3A_110 = arith.mulf %get3A_109, %get3A_109 : vector<256x768xf32>
    %reduce_sum3A_111 = arith.constant dense<0.000000e+00> : vector<256xf32>
    %reduce_sum3A_112 = vector.multi_reduction <add>, %mul3A_110, %reduce_sum3A_111 [1] : vector<256x768xf32> to vector<256xf32>
    %broadcast_in_dim3A_113 = vector.shape_cast %reduce_sum3A_112 : vector<256xf32> to vector<256x1xf32>
    %sqrt3A_114 = math.sqrt %broadcast_in_dim3A_113 : vector<256x1xf32>
    %max3A_115 = arith.constant 9.99999996E-13 : f32
    %max3A_116 = vector.broadcast %max3A_115 : f32 to vector<256x1xf32>
    %max3A_117 = arith.maximumf %sqrt3A_114, %max3A_116 : vector<256x1xf32>
    %div3A_118 = arith.constant 1.000000e+00 : f32
    %div3A_119 = vector.broadcast %div3A_118 : f32 to vector<256x1xf32>
    %div3A_120 = arith.divf %div3A_119, %max3A_117 : vector<256x1xf32>
    %get3A_121 = arith.constant 8 : index
    %get3A_122 = arith.constant 0 : index
    %get3A_123 = arith.constant 0 : index
    %get3A_124 = vector.load %arg2[%get3A_121, %get3A_122, %get3A_123] : memref<10x256x768xf32, #tpu.memory_space<vmem>>, vector<1x256x768xf32>
    %get3A_125 = vector.shape_cast %get3A_124 : vector<1x256x768xf32> to vector<256x768xf32>
    %mul3A_126 = arith.mulf %get3A_125, %get3A_125 : vector<256x768xf32>
    %reduce_sum3A_127 = arith.constant dense<0.000000e+00> : vector<256xf32>
    %reduce_sum3A_128 = vector.multi_reduction <add>, %mul3A_126, %reduce_sum3A_127 [1] : vector<256x768xf32> to vector<256xf32>
    %broadcast_in_dim3A_129 = vector.shape_cast %reduce_sum3A_128 : vector<256xf32> to vector<256x1xf32>
    %sqrt3A_130 = math.sqrt %broadcast_in_dim3A_129 : vector<256x1xf32>
    %max3A_131 = arith.constant 9.99999996E-13 : f32
    %max3A_132 = vector.broadcast %max3A_131 : f32 to vector<256x1xf32>
    %max3A_133 = arith.maximumf %sqrt3A_130, %max3A_132 : vector<256x1xf32>
    %div3A_134 = arith.constant 1.000000e+00 : f32
    %div3A_135 = vector.broadcast %div3A_134 : f32 to vector<256x1xf32>
    %div3A_136 = arith.divf %div3A_135, %max3A_133 : vector<256x1xf32>
    %get3A_137 = arith.constant 9 : index
    %get3A_138 = arith.constant 0 : index
    %get3A_139 = arith.constant 0 : index
    %get3A_140 = vector.load %arg2[%get3A_137, %get3A_138, %get3A_139] : memref<10x256x768xf32, #tpu.memory_space<vmem>>, vector<1x256x768xf32>
    %get3A_141 = vector.shape_cast %get3A_140 : vector<1x256x768xf32> to vector<256x768xf32>
    %mul3A_142 = arith.mulf %get3A_141, %get3A_141 : vector<256x768xf32>
    %reduce_sum3A_143 = arith.constant dense<0.000000e+00> : vector<256xf32>
    %reduce_sum3A_144 = vector.multi_reduction <add>, %mul3A_142, %reduce_sum3A_143 [1] : vector<256x768xf32> to vector<256xf32>
    %broadcast_in_dim3A_145 = vector.shape_cast %reduce_sum3A_144 : vector<256xf32> to vector<256x1xf32>
    %sqrt3A_146 = math.sqrt %broadcast_in_dim3A_145 : vector<256x1xf32>
    %max3A_147 = arith.constant 9.99999996E-13 : f32
    %max3A_148 = vector.broadcast %max3A_147 : f32 to vector<256x1xf32>
    %max3A_149 = arith.maximumf %sqrt3A_146, %max3A_148 : vector<256x1xf32>
    %div3A_150 = arith.constant 1.000000e+00 : f32
    %div3A_151 = vector.broadcast %div3A_150 : f32 to vector<256x1xf32>
    %div3A_152 = arith.divf %div3A_151, %max3A_149 : vector<256x1xf32>
    %get3A_153 = arith.constant 0 : index
    %get3A_154 = arith.constant 0 : index
    %get3A_155 = arith.constant 0 : index
    %get3A_156 = vector.load %arg2[%get3A_153, %get3A_154, %get3A_155] : memref<10x256x768xf32, #tpu.memory_space<vmem>>, vector<1x256x768xf32>
    %get3A_157 = vector.shape_cast %get3A_156 : vector<1x256x768xf32> to vector<256x768xf32>
    %get3A_158 = arith.constant 0 : index
    %get3A_159 = arith.constant 0 : index
    %get3A_160 = vector.load %arg3[%get3A_158, %get3A_159] : memref<2304x768xf32, #tpu.memory_space<vmem>>, vector<128x768xf32>
    %dot_general3A = arith.constant dense<0.000000e+00> : vector<256x128xf32>
    %dot_general3A_161 = tpu.matmul %get3A_157, %get3A_160, %dot_general3A {dimension_numbers = #tpu.dot_dimension_numbers<[1], [1], [0], [0], [0, 0, 1, 0], [], []>, precision = #tpu.contract_precision<fp32>, transpose_lhs_hint = false} : vector<256x768xf32>, vector<128x768xf32>, vector<256x128xf32> -> vector<256x128xf32>
    %mul3A_162 = vector.broadcast %div3A_8 : vector<256x1xf32> to vector<256x128xf32>
    %mul3A_163 = arith.mulf %dot_general3A_161, %mul3A_162 : vector<256x128xf32>
    %swap3A = arith.constant 0 : index
    %swap3A_164 = arith.constant 0 : index
    %swap3A_165 = vector.load %arg4[%swap3A, %swap3A_164] : memref<256x2304xf32, #tpu.memory_space<vmem>>, vector<256x128xf32>
    tpu.vector_store %arg4[%swap3A, %swap3A_164], %mul3A_163 {strides = array<i32>} : memref<256x2304xf32, #tpu.memory_space<vmem>>, vector<256x128xf32>,
    %get3A_166 = arith.constant 1 : index
    %get3A_167 = arith.constant 0 : index
    %get3A_168 = arith.constant 0 : index
    %get3A_169 = vector.load %arg2[%get3A_166, %get3A_167, %get3A_168] : memref<10x256x768xf32, #tpu.memory_space<vmem>>, vector<1x256x768xf32>
    %get3A_170 = vector.shape_cast %get3A_169 : vector<1x256x768xf32> to vector<256x768xf32>
    %get3A_171 = arith.constant 128 : index
    %get3A_172 = arith.constant 0 : index
    %get3A_173 = vector.load %arg3[%get3A_171, %get3A_172] : memref<2304x768xf32, #tpu.memory_space<vmem>>, vector<128x768xf32>
    %dot_general3A_174 = arith.constant dense<0.000000e+00> : vector<256x128xf32>
    %dot_general3A_175 = tpu.matmul %get3A_170, %get3A_173, %dot_general3A_174 {dimension_numbers = #tpu.dot_dimension_numbers<[1], [1], [0], [0], [0, 0, 1, 0], [], []>, precision = #tpu.contract_precision<fp32>, transpose_lhs_hint = false} : vector<256x768xf32>, vector<128x768xf32>, vector<256x128xf32> -> vector<256x128xf32>
    %mul3A_176 = vector.broadcast %div3A_24 : vector<256x1xf32> to vector<256x128xf32>
    %mul3A_177 = arith.mulf %dot_general3A_175, %mul3A_176 : vector<256x128xf32>
    %swap3A_178 = arith.constant 0 : index
    %swap3A_179 = arith.constant 128 : index
    %swap3A_180 = vector.load %arg4[%swap3A_178, %swap3A_179] : memref<256x2304xf32, #tpu.memory_space<vmem>>, vector<256x128xf32>
    tpu.vector_store %arg4[%swap3A_178, %swap3A_179], %mul3A_177 {strides = array<i32>} : memref<256x2304xf32, #tpu.memory_space<vmem>>, vector<256x128xf32>,
    %get3A_181 = arith.constant 2 : index
    %get3A_182 = arith.constant 0 : index
    %get3A_183 = arith.constant 0 : index
    %get3A_184 = vector.load %arg2[%get3A_181, %get3A_182, %get3A_183] : memref<10x256x768xf32, #tpu.memory_space<vmem>>, vector<1x256x768xf32>
    %get3A_185 = vector.shape_cast %get3A_184 : vector<1x256x768xf32> to vector<256x768xf32>
    %get3A_186 = arith.constant 256 : index
    %get3A_187 = arith.constant 0 : index
    %get3A_188 = vector.load %arg3[%get3A_186, %get3A_187] : memref<2304x768xf32, #tpu.memory_space<vmem>>, vector<128x768xf32>
    %dot_general3A_189 = arith.constant dense<0.000000e+00> : vector<256x128xf32>
    %dot_general3A_190 = tpu.matmul %get3A_185, %get3A_188, %dot_general3A_189 {dimension_numbers = #tpu.dot_dimension_numbers<[1], [1], [0], [0], [0, 0, 1, 0], [], []>, precision = #tpu.contract_precision<fp32>, transpose_lhs_hint = false} : vector<256x768xf32>, vector<128x768xf32>, vector<256x128xf32> -> vector<256x128xf32>
    %mul3A_191 = vector.broadcast %div3A_40 : vector<256x1xf32> to vector<256x128xf32>
    %mul3A_192 = arith.mulf %dot_general3A_190, %mul3A_191 : vector<256x128xf32>
    %swap3A_193 = arith.constant 0 : index
    %swap3A_194 = arith.constant 256 : index
    %swap3A_195 = vector.load %arg4[%swap3A_193, %swap3A_194] : memref<256x2304xf32, #tpu.memory_space<vmem>>, vector<256x128xf32>
    tpu.vector_store %arg4[%swap3A_193, %swap3A_194], %mul3A_192 {strides = array<i32>} : memref<256x2304xf32, #tpu.memory_space<vmem>>, vector<256x128xf32>,
    %get3A_196 = arith.constant 3 : index
    %get3A_197 = arith.constant 0 : index
    %get3A_198 = arith.constant 0 : index
    %get3A_199 = vector.load %arg2[%get3A_196, %get3A_197, %get3A_198] : memref<10x256x768xf32, #tpu.memory_space<vmem>>, vector<1x256x768xf32>
    %get3A_200 = vector.shape_cast %get3A_199 : vector<1x256x768xf32> to vector<256x768xf32>
    %get3A_201 = arith.constant 384 : index
    %get3A_202 = arith.constant 0 : index
    %get3A_203 = vector.load %arg3[%get3A_201, %get3A_202] : memref<2304x768xf32, #tpu.memory_space<vmem>>, vector<128x768xf32>
    %dot_general3A_204 = arith.constant dense<0.000000e+00> : vector<256x128xf32>
    %dot_general3A_205 = tpu.matmul %get3A_200, %get3A_203, %dot_general3A_204 {dimension_numbers = #tpu.dot_dimension_numbers<[1], [1], [0], [0], [0, 0, 1, 0], [], []>, precision = #tpu.contract_precision<fp32>, transpose_lhs_hint = false} : vector<256x768xf32>, vector<128x768xf32>, vector<256x128xf32> -> vector<256x128xf32>
    %mul3A_206 = vector.broadcast %div3A_56 : vector<256x1xf32> to vector<256x128xf32>
    %mul3A_207 = arith.mulf %dot_general3A_205, %mul3A_206 : vector<256x128xf32>
    %swap3A_208 = arith.constant 0 : index
    %swap3A_209 = arith.constant 384 : index
    %swap3A_210 = vector.load %arg4[%swap3A_208, %swap3A_209] : memref<256x2304xf32, #tpu.memory_space<vmem>>, vector<256x128xf32>
    tpu.vector_store %arg4[%swap3A_208, %swap3A_209], %mul3A_207 {strides = array<i32>} : memref<256x2304xf32, #tpu.memory_space<vmem>>, vector<256x128xf32>,
    %get3A_211 = arith.constant 4 : index
    %get3A_212 = arith.constant 0 : index
    %get3A_213 = arith.constant 0 : index
    %get3A_214 = vector.load %arg2[%get3A_211, %get3A_212, %get3A_213] : memref<10x256x768xf32, #tpu.memory_space<vmem>>, vector<1x256x768xf32>
    %get3A_215 = vector.shape_cast %get3A_214 : vector<1x256x768xf32> to vector<256x768xf32>
    %get3A_216 = arith.constant 512 : index
    %get3A_217 = arith.constant 0 : index
    %get3A_218 = vector.load %arg3[%get3A_216, %get3A_217] : memref<2304x768xf32, #tpu.memory_space<vmem>>, vector<128x768xf32>
    %dot_general3A_219 = arith.constant dense<0.000000e+00> : vector<256x128xf32>
    %dot_general3A_220 = tpu.matmul %get3A_215, %get3A_218, %dot_general3A_219 {dimension_numbers = #tpu.dot_dimension_numbers<[1], [1], [0], [0], [0, 0, 1, 0], [], []>, precision = #tpu.contract_precision<fp32>, transpose_lhs_hint = false} : vector<256x768xf32>, vector<128x768xf32>, vector<256x128xf32> -> vector<256x128xf32>
    %mul3A_221 = vector.broadcast %div3A_72 : vector<256x1xf32> to vector<256x128xf32>
    %mul3A_222 = arith.mulf %dot_general3A_220, %mul3A_221 : vector<256x128xf32>
    %swap3A_223 = arith.constant 0 : index
    %swap3A_224 = arith.constant 512 : index
    %swap3A_225 = vector.load %arg4[%swap3A_223, %swap3A_224] : memref<256x2304xf32, #tpu.memory_space<vmem>>, vector<256x128xf32>
    tpu.vector_store %arg4[%swap3A_223, %swap3A_224], %mul3A_222 {strides = array<i32>} : memref<256x2304xf32, #tpu.memory_space<vmem>>, vector<256x128xf32>,
    %get3A_226 = arith.constant 5 : index
    %get3A_227 = arith.constant 0 : index
    %get3A_228 = arith.constant 0 : index
    %get3A_229 = vector.load %arg2[%get3A_226, %get3A_227, %get3A_228] : memref<10x256x768xf32, #tpu.memory_space<vmem>>, vector<1x256x768xf32>
    %get3A_230 = vector.shape_cast %get3A_229 : vector<1x256x768xf32> to vector<256x768xf32>
    %get3A_231 = arith.constant 640 : index
    %get3A_232 = arith.constant 0 : index
    %get3A_233 = vector.load %arg3[%get3A_231, %get3A_232] : memref<2304x768xf32, #tpu.memory_space<vmem>>, vector<128x768xf32>
    %dot_general3A_234 = arith.constant dense<0.000000e+00> : vector<256x128xf32>
    %dot_general3A_235 = tpu.matmul %get3A_230, %get3A_233, %dot_general3A_234 {dimension_numbers = #tpu.dot_dimension_numbers<[1], [1], [0], [0], [0, 0, 1, 0], [], []>, precision = #tpu.contract_precision<fp32>, transpose_lhs_hint = false} : vector<256x768xf32>, vector<128x768xf32>, vector<256x128xf32> -> vector<256x128xf32>
    %mul3A_236 = vector.broadcast %div3A_88 : vector<256x1xf32> to vector<256x128xf32>
    %mul3A_237 = arith.mulf %dot_general3A_235, %mul3A_236 : vector<256x128xf32>
    %swap3A_238 = arith.constant 0 : index
    %swap3A_239 = arith.constant 640 : index
    %swap3A_240 = vector.load %arg4[%swap3A_238, %swap3A_239] : memref<256x2304xf32, #tpu.memory_space<vmem>>, vector<256x128xf32>
    tpu.vector_store %arg4[%swap3A_238, %swap3A_239], %mul3A_237 {strides = array<i32>} : memref<256x2304xf32, #tpu.memory_space<vmem>>, vector<256x128xf32>,
    %get3A_241 = arith.constant 6 : index
    %get3A_242 = arith.constant 0 : index
    %get3A_243 = arith.constant 0 : index
    %get3A_244 = vector.load %arg2[%get3A_241, %get3A_242, %get3A_243] : memref<10x256x768xf32, #tpu.memory_space<vmem>>, vector<1x256x768xf32>
    %get3A_245 = vector.shape_cast %get3A_244 : vector<1x256x768xf32> to vector<256x768xf32>
    %get3A_246 = arith.constant 768 : index
    %get3A_247 = arith.constant 0 : index
    %get3A_248 = vector.load %arg3[%get3A_246, %get3A_247] : memref<2304x768xf32, #tpu.memory_space<vmem>>, vector<128x768xf32>
    %dot_general3A_249 = arith.constant dense<0.000000e+00> : vector<256x128xf32>
    %dot_general3A_250 = tpu.matmul %get3A_245, %get3A_248, %dot_general3A_249 {dimension_numbers = #tpu.dot_dimension_numbers<[1], [1], [0], [0], [0, 0, 1, 0], [], []>, precision = #tpu.contract_precision<fp32>, transpose_lhs_hint = false} : vector<256x768xf32>, vector<128x768xf32>, vector<256x128xf32> -> vector<256x128xf32>
    %mul3A_251 = vector.broadcast %div3A_104 : vector<256x1xf32> to vector<256x128xf32>
    %mul3A_252 = arith.mulf %dot_general3A_250, %mul3A_251 : vector<256x128xf32>
    %swap3A_253 = arith.constant 0 : index
    %swap3A_254 = arith.constant 768 : index
    %swap3A_255 = vector.load %arg4[%swap3A_253, %swap3A_254] : memref<256x2304xf32, #tpu.memory_space<vmem>>, vector<256x128xf32>
    tpu.vector_store %arg4[%swap3A_253, %swap3A_254], %mul3A_252 {strides = array<i32>} : memref<256x2304xf32, #tpu.memory_space<vmem>>, vector<256x128xf32>,
    %get3A_256 = arith.constant 7 : index
    %get3A_257 = arith.constant 0 : index
    %get3A_258 = arith.constant 0 : index
    %get3A_259 = vector.load %arg2[%get3A_256, %get3A_257, %get3A_258] : memref<10x256x768xf32, #tpu.memory_space<vmem>>, vector<1x256x768xf32>
    %get3A_260 = vector.shape_cast %get3A_259 : vector<1x256x768xf32> to vector<256x768xf32>
    %get3A_261 = arith.constant 896 : index
    %get3A_262 = arith.constant 0 : index
    %get3A_263 = vector.load %arg3[%get3A_261, %get3A_262] : memref<2304x768xf32, #tpu.memory_space<vmem>>, vector<128x768xf32>
    %dot_general3A_264 = arith.constant dense<0.000000e+00> : vector<256x128xf32>
    %dot_general3A_265 = tpu.matmul %get3A_260, %get3A_263, %dot_general3A_264 {dimension_numbers = #tpu.dot_dimension_numbers<[1], [1], [0], [0], [0, 0, 1, 0], [], []>, precision = #tpu.contract_precision<fp32>, transpose_lhs_hint = false} : vector<256x768xf32>, vector<128x768xf32>, vector<256x128xf32> -> vector<256x128xf32>
    %mul3A_266 = vector.broadcast %div3A_120 : vector<256x1xf32> to vector<256x128xf32>
    %mul3A_267 = arith.mulf %dot_general3A_265, %mul3A_266 : vector<256x128xf32>
    %swap3A_268 = arith.constant 0 : index
    %swap3A_269 = arith.constant 896 : index
    %swap3A_270 = vector.load %arg4[%swap3A_268, %swap3A_269] : memref<256x2304xf32, #tpu.memory_space<vmem>>, vector<256x128xf32>
    tpu.vector_store %arg4[%swap3A_268, %swap3A_269], %mul3A_267 {strides = array<i32>} : memref<256x2304xf32, #tpu.memory_space<vmem>>, vector<256x128xf32>,
    %get3A_271 = arith.constant 8 : index
    %get3A_272 = arith.constant 0 : index
    %get3A_273 = arith.constant 0 : index
    %get3A_274 = vector.load %arg2[%get3A_271, %get3A_272, %get3A_273] : memref<10x256x768xf32, #tpu.memory_space<vmem>>, vector<1x256x768xf32>
    %get3A_275 = vector.shape_cast %get3A_274 : vector<1x256x768xf32> to vector<256x768xf32>
    %get3A_276 = arith.constant 1024 : index
    %get3A_277 = arith.constant 0 : index
    %get3A_278 = vector.load %arg3[%get3A_276, %get3A_277] : memref<2304x768xf32, #tpu.memory_space<vmem>>, vector<128x768xf32>
    %dot_general3A_279 = arith.constant dense<0.000000e+00> : vector<256x128xf32>
    %dot_general3A_280 = tpu.matmul %get3A_275, %get3A_278, %dot_general3A_279 {dimension_numbers = #tpu.dot_dimension_numbers<[1], [1], [0], [0], [0, 0, 1, 0], [], []>, precision = #tpu.contract_precision<fp32>, transpose_lhs_hint = false} : vector<256x768xf32>, vector<128x768xf32>, vector<256x128xf32> -> vector<256x128xf32>
    %mul3A_281 = vector.broadcast %div3A_136 : vector<256x1xf32> to vector<256x128xf32>
    %mul3A_282 = arith.mulf %dot_general3A_280, %mul3A_281 : vector<256x128xf32>
    %swap3A_283 = arith.constant 0 : index
    %swap3A_284 = arith.constant 1024 : index
    %swap3A_285 = vector.load %arg4[%swap3A_283, %swap3A_284] : memref<256x2304xf32, #tpu.memory_space<vmem>>, vector<256x128xf32>
    tpu.vector_store %arg4[%swap3A_283, %swap3A_284], %mul3A_282 {strides = array<i32>} : memref<256x2304xf32, #tpu.memory_space<vmem>>, vector<256x128xf32>,
    %get3A_286 = arith.constant 9 : index
    %get3A_287 = arith.constant 0 : index
    %get3A_288 = arith.constant 0 : index
    %get3A_289 = vector.load %arg2[%get3A_286, %get3A_287, %get3A_288] : memref<10x256x768xf32, #tpu.memory_space<vmem>>, vector<1x256x768xf32>
    %get3A_290 = vector.shape_cast %get3A_289 : vector<1x256x768xf32> to vector<256x768xf32>
    %get3A_291 = arith.constant 1152 : index
    %get3A_292 = arith.constant 0 : index
    %get3A_293 = vector.load %arg3[%get3A_291, %get3A_292] : memref<2304x768xf32, #tpu.memory_space<vmem>>, vector<128x768xf32>
    %dot_general3A_294 = arith.constant dense<0.000000e+00> : vector<256x128xf32>
    %dot_general3A_295 = tpu.matmul %get3A_290, %get3A_293, %dot_general3A_294 {dimension_numbers = #tpu.dot_dimension_numbers<[1], [1], [0], [0], [0, 0, 1, 0], [], []>, precision = #tpu.contract_precision<fp32>, transpose_lhs_hint = false} : vector<256x768xf32>, vector<128x768xf32>, vector<256x128xf32> -> vector<256x128xf32>
    %mul3A_296 = vector.broadcast %div3A_152 : vector<256x1xf32> to vector<256x128xf32>
    %mul3A_297 = arith.mulf %dot_general3A_295, %mul3A_296 : vector<256x128xf32>
    %swap3A_298 = arith.constant 0 : index
    %swap3A_299 = arith.constant 1152 : index
    %swap3A_300 = vector.load %arg4[%swap3A_298, %swap3A_299] : memref<256x2304xf32, #tpu.memory_space<vmem>>, vector<256x128xf32>
    tpu.vector_store %arg4[%swap3A_298, %swap3A_299], %mul3A_297 {strides = array<i32>} : memref<256x2304xf32, #tpu.memory_space<vmem>>, vector<256x128xf32>,
    %concatenate3A = tpu.concatenate %div3A_8, %div3A_24, %div3A_40, %div3A_56, %div3A_72, %div3A_88, %div3A_104, %div3A_120, %div3A_136, %div3A_152 in 1 : vector<256x1xf32>, vector<256x1xf32>, vector<256x1xf32>, vector<256x1xf32>, vector<256x1xf32>, vector<256x1xf32>, vector<256x1xf32>, vector<256x1xf32>, vector<256x1xf32>, vector<256x1xf32> -> vector<256x10xf32>
    %iota3A = tpu.iota {dimensions = array<i32: 1>} : vector<256x10xi32>
    %get3A_301 = arith.constant 8 : index
    %get3A_302 = memref.load %arg1[%get3A_301] : memref<9xi32, #tpu.memory_space<smem>>
    %while3A = arith.constant 0 : i32
    %while3A_303 = arith.constant 0 : i32
    %while3A_304 = arith.subi %get3A_302, %while3A_303 : i32
    %while3A_305 = arith.addi %while3A_303, %while3A_304 : i32
    %while3A_306 = arith.constant 1 : i32
    %while3A_307 = arith.divsi %while3A_304, %while3A_306 : i32
    %while3A_308 = arith.muli %while3A_307, %while3A_306 : i32
    %while3A_309 = arith.addi %while3A_303, %while3A_308 : i32
    %while3A_310 = arith.constant 1 : i32
    scf.for %while3A_312 = %while3A_303 to %while3A_309 step %while3A_310  : i32 {
      %get3A_313 = arith.index_cast %while3A_312 : i32 to index
      %get3A_314 = memref.load %arg1[%get3A_313] : memref<9xi32, #tpu.memory_space<smem>>
      %mul3A_315 = arith.constant 128 : i32
      %mul3A_316 = arith.muli %while3A_312, %mul3A_315 : i32
      %add3A = arith.constant 1280 : i32
      %add3A_317 = arith.addi %add3A, %mul3A_316 : i32
      %multiple_of3A = tpu.assume_multiple %add3A_317, 128 : i32
      %get3A_318 = arith.index_cast %get3A_314 : i32 to index
      %get3A_319 = arith.constant 0 : index
      %get3A_320 = arith.constant 0 : index
      %get3A_321 = vector.load %arg2[%get3A_318, %get3A_319, %get3A_320] : memref<10x256x768xf32, #tpu.memory_space<vmem>>, vector<1x256x768xf32>
      %get3A_322 = vector.shape_cast %get3A_321 : vector<1x256x768xf32> to vector<256x768xf32>
      %get3A_323 = arith.index_cast %multiple_of3A : i32 to index
      %get3A_324 = arith.constant 0 : index
      %get3A_325 = vector.load %arg3[%get3A_323, %get3A_324] : memref<2304x768xf32, #tpu.memory_space<vmem>>, vector<128x768xf32>
      %dot_general3A_326 = arith.constant dense<0.000000e+00> : vector<256x128xf32>
      %dot_general3A_327 = tpu.matmul %get3A_322, %get3A_325, %dot_general3A_326 {dimension_numbers = #tpu.dot_dimension_numbers<[1], [1], [0], [0], [0, 0, 1, 0], [], []>, precision = #tpu.contract_precision<fp32>, transpose_lhs_hint = false} : vector<256x768xf32>, vector<128x768xf32>, vector<256x128xf32> -> vector<256x128xf32>
      %eq3A = vector.broadcast %get3A_314 : i32 to vector<256x10xi32>
      %eq3A_328 = arith.cmpi eq, %iota3A, %eq3A : vector<256x10xi32>
      %jit3A = arith.constant 0.000000e+00 : f32
      %broadcast_in_dim3A_329 = vector.broadcast %jit3A : f32 to vector<256x10xf32>
      %select_n3A = arith.select %eq3A_328, %concatenate3A, %broadcast_in_dim3A_329 : vector<256x10xi1>, vector<256x10xf32>
      %reduce_sum3A_330 = arith.constant dense<0.000000e+00> : vector<256xf32>
      %reduce_sum3A_331 = vector.multi_reduction <add>, %select_n3A, %reduce_sum3A_330 [1] : vector<256x10xf32> to vector<256xf32>
      %broadcast_in_dim3A_332 = vector.shape_cast %reduce_sum3A_331 : vector<256xf32> to vector<256x1xf32>
      %mul3A_333 = vector.broadcast %broadcast_in_dim3A_332 : vector<256x1xf32> to vector<256x128xf32>
      %mul3A_334 = arith.mulf %dot_general3A_327, %mul3A_333 : vector<256x128xf32>
      %swap3A_335 = arith.constant 0 : index
      %swap3A_336 = arith.index_cast %multiple_of3A : i32 to index
      %swap3A_337 = vector.load %arg4[%swap3A_335, %swap3A_336] : memref<256x2304xf32, #tpu.memory_space<vmem>>, vector<256x128xf32>
      tpu.vector_store %arg4[%swap3A_335, %swap3A_336], %mul3A_334 {strides = array<i32>} : memref<256x2304xf32, #tpu.memory_space<vmem>>, vector<256x128xf32>,
    }
    %while3A_311 = arith.constant 1 : i32
    scf.for %while3A_312 = %while3A_309 to %while3A_305 step %while3A_311  : i32 {
      %get3A_313 = arith.index_cast %while3A_312 : i32 to index
      %get3A_314 = memref.load %arg1[%get3A_313] : memref<9xi32, #tpu.memory_space<smem>>
      %mul3A_315 = arith.constant 128 : i32
      %mul3A_316 = arith.muli %while3A_312, %mul3A_315 : i32
      %add3A = arith.constant 1280 : i32
      %add3A_317 = arith.addi %add3A, %mul3A_316 : i32
      %multiple_of3A = tpu.assume_multiple %add3A_317, 128 : i32
      %get3A_318 = arith.index_cast %get3A_314 : i32 to index
      %get3A_319 = arith.constant 0 : index
      %get3A_320 = arith.constant 0 : index
      %get3A_321 = vector.load %arg2[%get3A_318, %get3A_319, %get3A_320] : memref<10x256x768xf32, #tpu.memory_space<vmem>>, vector<1x256x768xf32>
      %get3A_322 = vector.shape_cast %get3A_321 : vector<1x256x768xf32> to vector<256x768xf32>
      %get3A_323 = arith.index_cast %multiple_of3A : i32 to index
      %get3A_324 = arith.constant 0 : index
      %get3A_325 = vector.load %arg3[%get3A_323, %get3A_324] : memref<2304x768xf32, #tpu.memory_space<vmem>>, vector<128x768xf32>
      %dot_general3A_326 = arith.constant dense<0.000000e+00> : vector<256x128xf32>
      %dot_general3A_327 = tpu.matmul %get3A_322, %get3A_325, %dot_general3A_326 {dimension_numbers = #tpu.dot_dimension_numbers<[1], [1], [0], [0], [0, 0, 1, 0], [], []>, precision = #tpu.contract_precision<fp32>, transpose_lhs_hint = false} : vector<256x768xf32>, vector<128x768xf32>, vector<256x128xf32> -> vector<256x128xf32>
      %eq3A = vector.broadcast %get3A_314 : i32 to vector<256x10xi32>
      %eq3A_328 = arith.cmpi eq, %iota3A, %eq3A : vector<256x10xi32>
      %jit3A = arith.constant 0.000000e+00 : f32
      %broadcast_in_dim3A_329 = vector.broadcast %jit3A : f32 to vector<256x10xf32>
      %select_n3A = arith.select %eq3A_328, %concatenate3A, %broadcast_in_dim3A_329 : vector<256x10xi1>, vector<256x10xf32>
      %reduce_sum3A_330 = arith.constant dense<0.000000e+00> : vector<256xf32>
      %reduce_sum3A_331 = vector.multi_reduction <add>, %select_n3A, %reduce_sum3A_330 [1] : vector<256x10xf32> to vector<256xf32>
      %broadcast_in_dim3A_332 = vector.shape_cast %reduce_sum3A_331 : vector<256xf32> to vector<256x1xf32>
      %mul3A_333 = vector.broadcast %broadcast_in_dim3A_332 : vector<256x1xf32> to vector<256x128xf32>
      %mul3A_334 = arith.mulf %dot_general3A_327, %mul3A_333 : vector<256x128xf32>
      %swap3A_335 = arith.constant 0 : index
      %swap3A_336 = arith.index_cast %multiple_of3A : i32 to index
      %swap3A_337 = vector.load %arg4[%swap3A_335, %swap3A_336] : memref<256x2304xf32, #tpu.memory_space<vmem>>, vector<256x128xf32>
      tpu.vector_store %arg4[%swap3A_335, %swap3A_336], %mul3A_334 {strides = array<i32>} : memref<256x2304xf32, #tpu.memory_space<vmem>>, vector<256x128xf32>,
    }
    return
  }
  func.func @transform_0(%arg0: i32) -> i32 {
    %c0_i32 = arith.constant 0 : i32
    %c0_i32_0 = arith.constant 0 : i32
    return %c0_i32 : i32
  }
  func.func @transform_1(%arg0: i32) -> (i32, i32, i32) {
    %c0_i32 = arith.constant 0 : i32
    %c0_i32_0 = arith.constant 0 : i32
    %c0_i32_1 = arith.constant 0 : i32
    return %c0_i32, %arg0, %c0_i32_0 : i32, i32, i32
  }
  func.func @transform_2(%arg0: i32) -> (i32, i32) {
    %c0_i32 = arith.constant 0 : i32
    %c0_i32_0 = arith.constant 0 : i32
    %c0_i32_1 = arith.constant 0 : i32
    return %c0_i32, %c0_i32_0 : i32, i32
  }
  func.func @transform_3(%arg0: i32) -> (i32, i32) {
    %c0_i32 = arith.constant 0 : i32
    %c0_i32_0 = arith.constant 0 : i32
    return %arg0, %c0_i32 : i32, i32
  }
}

</mosaic_0001>

<sc_bundles>
// kernel: kernel.5.cloned.1.call-start
scs
__scs_entry_jumppad:
0x0: {  	(pc) =	sbr.rel $0x88, $3  }
0x1: {  	(tag) =	ssettag $0x0;
	lr =	simm.s32 $0x1  }
0x2: {  	[smem:$0x3F9D] =	sst lr;
	_ =	strace $0xD0000000  }
0x3: {  	_ = 	snop  }
0x4: {  	_ = 	snop  }
0x5: {  	_ = 	snop  }
0x6: {  	_ = 	snop  }
0x7: {  	_ = 	snop  }
__scs_overlays_trampoline_lowered:
0x8: {  	[smem:$0x3FAC] =	sst s0  }
0x9: {  	[smem:$0x3FAD] =	sst s1  }
0xa: {  	[smem:$0x3FAE] =	sst s2  }
0xb: {  	[smem:$0x3FAF] =	sst s3  }
0xc: {  	[smem:$0x3FB0] =	sst s4  }
0xd: {  	[smem:$0x3FB1] =	sst s5  }
0xe: {  	[smem:$0x3FB2] =	sst s6  }
0xf: {  	[smem:$0x3FB3] =	sst s7  }
0x10: {  	[smem:$0x3FB4] =	sst s8  }
0x11: {  	[smem:$0x3FB5] =	sst s9;
	s0 =	simm.s32 @!p0 $0x0  }
0x12: {  	s1 =	sld [smem:$0x3F9B];
	s0 =	simm.s32 @p0 $0x1  }
0x13: {  	[smem:$0x3FB6] =	sst s0;
	s0 =	simm.s32 @!p1 $0x0  }
0x14: {  	s2 =	sld [smem:$0x3F9A];
	s0 =	simm.s32 @p1 $0x1  }
0x15: {  	[smem:$0x3FB7] =	sst s0;
	s0 =	simm.s32 @!p2 $0x0  }
0x16: {  	s3 =	sld [smem:$0x3FDB];
	s0 =	simm.s32 @p2 $0x1  }
0x17: {  	s4 =	simm.s32 $0x1BF5;
	[smem:$0x3FB9] =	sst s0  }
0x18: {  	s0 =	sld [smem:$0x3F9C];
	_ =	swait.ge [sflag:s4], $0x0  }
0x19: {  	s7 =	sld [smem:$0x3F9D]  }
0x1a: {  	s8 =	sadd.s32 $0xFFFFE003, lr  }
0x1b: {  	s9 =	sadd.s32 $0xFFFFFEF7, lr;
	s5 =	simm.s32 $0xFFFFFFFF;
	p2 =	slt.u32 s8, $0xFFFFF086  }
0x1c: {  	p1 =	slt.u32 s9, $0xF7A;
	s5 =	simm.s32 @!p2 $0x0  }
0x1d: {  	s5 =	simm.s32 @p1 $0x1;
	p0 =	seq.s32 s7, s2  }
0x1e: {  	s7 =	smul.u32 @!p0 $0xF7A, s2;
	p2 =	seq.s32 @!p0 s5, $0x0  }
0x1f: {  	s9 =	smul.u32 $0xF7A, s1;
	s8 =	simm.s32 @!p0 $0x1BF5;
	p2 =	por !p2, p0  }
0x20: {  	[sflag:s8] =	ssyncset.s32 @!p0 $0xFFFFF086;
	s6 =	sadd.s32 @!p0 s3, s7;
	s7 =	simm.s32 @!p0 $0x108  }
0x21: {  	s3 =	sadd.s32 s3, s9;
	s6 =	sadd.s32 @!p0 $0x88, s6;
	s7 =	simm.s32 @p2 $0x1082  }
0x22: {  	[simem:s7], [sflag:s8] =	dma.local @!p0 [hbm:s6], $0xF7A  }
0x23: {  	s9 =	sor.u32 $0xD0000000, s2;
	s6 =	simm.s32 $0x108;
	_ =	swait.ge @!p0 [sflag:s8], $0x0  }
0x24: {  	s3 =	sadd.s32 $0x88, s3;
	s6 =	simm.s32 @!p1 $0x1082;
	[sflag:s4] =	ssyncset.s32 $0xFFFFF086  }
0x25: {  	[simem:s6], [sflag:s4] =	dma.local [hbm:s3], $0xF7A  }
0x26: {  	[smem:$0x3F9D] =	sst s1;
	(tag) =	ssettag s2;
	_ =	strace s9  }
0x27: {  	s1 =	sld [smem:$0x3FAD]  }
0x28: {  	s2 =	sld [smem:$0x3FAE]  }
0x29: {  	s4 =	sld [smem:$0x3FB0]  }
0x2a: {  	p0 =	seq.s32 s5, $0x0;
	s5 =	sld [smem:$0x3FB1]  }
0x2b: {  	s6 =	sld [smem:$0x3FB2]  }
0x2c: {  	s7 =	sld [smem:$0x3FB3]  }
0x2d: {  	s3 =	simm.s32 $0x108;
	s8 =	sld [smem:$0x3FB4]  }
0x2e: {  	s3 =	simm.s32 @!p0 $0x1082;
	s9 =	sld [smem:$0x3FB5]  }
0x2f: {  	lr =	sadd.s32 s0, s3;
	s0 =	sld [smem:$0x3FAC]  }
0x30: {  	s3 =	sld [smem:$0x3FAF]  }
0x31: {  	[smem:$0x3FB8] =	sst s10  }
0x32: {  	s10 =	sld [smem:$0x3FB6];
	_ =	sdelay $0x3  }
0x33: {  	p0 =	seq.s32 s10, $0x1;
	s10 =	sld [smem:$0x3FB8];
	_ =	sdelay $0x3  }
0x34: {  	[smem:$0x3FB8] =	sst s10  }
0x35: {  	s10 =	sld [smem:$0x3FB7];
	_ =	sdelay $0x3  }
0x36: {  	p1 =	seq.s32 s10, $0x1;
	s10 =	sld [smem:$0x3FB8];
	_ =	sdelay $0x3  }
0x37: {  	[smem:$0x3FB8] =	sst s10  }
0x38: {  	s10 =	sld [smem:$0x3FB9]  }
0x39: {  	_ = 	snop;
	(pc) =	sbr.ind lr, $3  }
0x3a: {  	_ = 	snop  }
0x3b: {  	_ = 	snop  }
0x3c: {  	p2 =	seq.s32 s10, $0x1;
	s10 =	sld [smem:$0x3FB8]  }
0x3d: {  	_ =	shalt  }
0x3e: {  	_ =	shalt  }
0x3f: {  	_ =	shalt  }
0x40: {  	_ =	shalt  }
0x41: {  	_ =	shalt  }
0x42: {  	_ =	shalt  }
0x43: {  	_ =	shalt  }
0x44: {  	_ =	shalt  }
0x45: {  	_ =	shalt  }
0x46: {  	_ =	shalt  }
0x47: {  	_ =	shalt  }
0x48: {  	_ =	shalt  }
0x49: {  	_ =	shalt  }
0x4a: {  	_ =	shalt  }
0x4b: {  	_ =	shalt  }
0x4c: {  	_ =	shalt  }
0x4d: {  	_ =	shalt  }
0x4e: {  	_ =	shalt  }
0x4f: {  	_ =	shalt  }
0x50: {  	_ =	shalt  }
0x51: {  	_ =	shalt  }
0x52: {  	_ =	shalt  }
0x53: {  	_ =	shalt  }
0x54: {  	_ =	shalt  }
0x55: {  	_ =	shalt  }
0x56: {  	_ =	shalt  }
0x57: {  	_ =	shalt  }
0x58: {  	_ =	shalt  }
0x59: {  	_ =	shalt  }
0x5a: {  	_ =	shalt  }
0x5b: {  	_ =	shalt  }
0x5c: {  	_ =	shalt  }
0x5d: {  	_ =	shalt  }
0x5e: {  	_ =	shalt  }
0x5f: {  	_ =	shalt  }
0x60: {  	_ =	shalt  }
0x61: {  	_ =	shalt  }
0x62: {  	_ =	shalt  }
0x63: {  	_ =	shalt  }
0x64: {  	_ =	shalt  }
0x65: {  	_ =	shalt  }
0x66: {  	_ =	shalt  }
0x67: {  	_ =	shalt  }
0x68: {  	_ =	shalt  }
0x69: {  	_ =	shalt  }
0x6a: {  	_ =	shalt  }
0x6b: {  	_ =	shalt  }
0x6c: {  	_ =	shalt  }
0x6d: {  	_ =	shalt  }
0x6e: {  	_ =	shalt  }
0x6f: {  	_ =	shalt  }
0x70: {  	_ =	shalt  }
0x71: {  	_ =	shalt  }
0x72: {  	_ =	shalt  }
0x73: {  	_ =	shalt  }
0x74: {  	_ =	shalt  }
0x75: {  	_ =	shalt  }
0x76: {  	_ =	shalt  }
0x77: {  	_ =	shalt  }
0x78: {  	_ =	shalt  }
0x79: {  	_ =	shalt  }
0x7a: {  	_ =	shalt  }
0x7b: {  	_ =	shalt  }
0x7c: {  	_ =	shalt  }
0x7d: {  	_ =	shalt  }
0x7e: {  	_ =	shalt  }
0x7f: {  	_ =	shalt  }
0x80: {  	_ =	shalt  }
0x81: {  	_ =	shalt  }
0x82: {  	_ =	shalt  }
0x83: {  	_ =	shalt  }
0x84: {  	_ =	shalt  }
0x85: {  	_ =	shalt  }
0x86: {  	_ =	shalt  }
0x87: {  	_ =	shalt  }
.Lfunc_end0:
.L_simem_size_0:
called_computation_lowered:
.L_overlay_start_0:
0x88: {  	s2 =	sld [smem:$0x3FD9]  }
0x89: {  	s3 =	sld [smem:$0x3FFE];
	_ =	sdelay $0x1  }
0x8a: {  	s1 =	srdreg.scid  }
0x8b: {  	s0 =	sand.u32 $0x1, s1  }
0x8c: {  	s17 =	sshll.u32 s0, $0xA;
	s2 =	sadd.s32 s3, s2  }
0x8d: {  	s2 =	sadd.s32 s2, s17  }
0x8e: {  	[smem:$0x3FC4] =	sst s2  }
0x8f: {  	_ = 	snop  }
0x90: {  	s2 =	sld [smem:$0x3FD0];
	(tm) =	ssettm $0x1  }
0x91: {  	s18 =	sld [smem:$0x3FFB];
	_ =	sdelay $0x3  }
0x92: {  	_ =	strace s18  }
0x93: {  	s3 =	sld [smem:$0x3FFC];
	_ =	sdelay $0x3  }
0x94: {  	_ =	strace s3  }
0x95: {  	s3 =	sld [smem:$0x3FFD];
	_ =	sdelay $0x3  }
0x96: {  	_ =	strace s3  }
0x97: {  	_ =	strace $0x8FFFFFFF  }
0x98: {  	s19 =	sld [smem:$0x3FDB];
	_ =	sdelay $0x1  }
0x99: {  	s4 =	simm.s32 $_scs_section_size  }
0x9a: {  	s5 =	simm.s32 $_size__tile_overlayer_lowered;
	s6 =	simm.s32 $_tile_overlayer_lowered  }
0x9b: {  	s22 =	simm.s32 $0x1BFF;
	s21 =	sshll.u32 s6, $0x1;
	s3 =	sadd.s32 s4, s19  }
0x9c: {  	s7 =	simm.s32 $0x0;
	s20 =	sshll.u32 s5, $0x1;
	s5 =	sadd.s32 s21, s3  }
0x9d: {  	[timem:s7], [sflag:s22] =	dma.local [hbm:s5], s20  }
0x9e: {  	_ =	swait.ge [sflag:s22], s20  }
0x9f: {  	s4 =	ssub.s32 $0x0, s20;
	[sflag:s22] =	ssyncset.done $0x0  }
0xa0: {  	[sflag:s22] =	ssyncadd.s32 s4;
	_ =	sdelay $0x1  }
0xa1: {  	s23 =	simm.s32 $0x1B8B  }
0xa2: {  	_ =	swait.ge [sflag:s23], $0x1  }
0xa3: {  	[sflag:s23] =	ssyncset.done $0x0  }
0xa4: {  	s25 =	simm.s32 $0x1B8E;
	s24 =	sld [smem:$0x3FFE];
	[sflag:s23] =	ssyncadd.s32 $0xFFFFFFFF  }
0xa5: {  	s26 =	simm.s32 $execute0_lowered;
	[smem:$0x3FD2] =	sst s25  }
0xa6: {  	s5 =	sshll.u32 s26, $0x1;
	_ =	strace $0x80000046;
	[dreg:$0x1] =	wrdreg $0xFFFFFFFF  }
0xa7: {  	s28 =	simm.s32 $_size_execute0_lowered;
	s3 =	sadd.s32 s3, s5;
	[dreg:$0x0] =	wrdreg $0x0  }
0xa8: {  	s5 =	sshll.u32 s28, $0x1;
	[dreg:$0x2] =	wrdreg s3  }
0xa9: {  	[dreg:$0x3] =	wrdreg s5  }
0xaa: {  	[dreg:$0x4] =	wrdreg $0xC0  }
0xab: {  	_ =	task [dreg:s7], $0x5FFFF  }
0xac: {  	[dreg:$0x1] =	wrdreg $0xFFFFFFFF  }
0xad: {  	[dreg:$0x0] =	wrdreg $0x60  }
0xae: {  	[dreg:$0x2] =	wrdreg s24  }
0xaf: {  	[dreg:$0x3] =	wrdreg s2  }
0xb0: {  	[dreg:$0x4] =	wrdreg $0x9  }
0xb1: {  	_ =	task.clear_ibuf [dreg:s7], $0x5FFFF;
	_ =	strace $0x90000046  }
0xb2: {  	s29 =	simm.s32 $0x9;
	_ =	strace $0x80000048  }
0xb3: {  	_ =	swait.ge [sflag:s29], $0x1  }
0xb4: {  	[sflag:s29] =	ssyncadd.s32 $0xFFFFFFFF  }
0xb5: {  	_ =	strace $0x90000048  }
0xb6: {  	_ =	sfence  }
0xb7: {  	s30 =	sld [smem:$0x0];
	_ =	sdelay $0x2  }
0xb8: {  	s31 =	sshll.u32 s1, $0xD;
	s1 =	sshrl.u32 s1, $0x2  }
0xb9: {  	s3 =	sand.u32 $0x4000, s31;
	s1 =	sadd.s32 s1, s30  }
0xba: {  	s0 =	sor.u32 s3, s0;
	s1 =	sshll.u32 s1, $0x11  }
0xbb: {  	s0 =	sor.u32 s1, s0  }
0xbc: {  	s0 =	sadd.s32 $0x8F2B, s0  }
0xbd: {  	[sflag:s0] =	ssyncadd.remote.s32 $0x1  }
0xbe: {  	_ =	sfence.sel $0xFFFF  }
0xbf: {  	[dreg:$0x0] =	wrdreg $0xFFFFFFFF;
	(pc) =	sbr.abs _section_cstart, $3  }
0xc0: {  	[dreg:$0x1] =	wrdreg $0xFFFFFFFF  }
0xc1: {  	_ =	task.clear_ibuf [dreg:s7], $0x2FFFF;
	_ =	strace $0x9FFFFFFF  }
0xc2: {  	(tm) =	ssettm $0x7FFFFFFF  }
0xc3: {  	_ =	shalt  }
tec
execute0_lowered:
.L_overlay_start_1:
0x0: {  	(tag) =	ssettag $0x1  }
0x1: {  	s7 =	rddreg [dreg:$0x0]  }
0x2: {  	s0 =	rddreg [dreg:$0x1];
	s1 =	srdreg.scid  }
0x3: {  	s2 =	stileid.u32;
	s3 =	simm.s32 $0x0;
	s8 =	simm.s32 $0x2  }
0x4: {  	s9 =	simm.s32 $0x2000;
	s10 =	simm.s32 $0x80;
	s11 =	simm.s32 $0x2400  }
0x5: {  	s21 =	simm.s32 $0x4100;
	s22 =	simm.s32 $0x3180;
	s23 =	simm.s32 $0x4180  }
0x6: {  	s24 =	simm.s32 $0x3200;
	s25 =	simm.s32 $0x4200;
	s26 =	simm.s32 $0x3280  }
0x7: {  	s28 =	simm.s32 $0x4280;
	s29 =	simm.s32 $0x3300;
	s30 =	simm.s32 $0x4300  }
0x8: {  	s31 =	simm.s32 $0x3380;
	s12 =	simm.s32 $0x4400;
	s13 =	simm.s32 $0x0  }
0x9: {  	s1 =	sand.u32 $0x1, s1;
	s2 =	sshll.u32 s2, $0x1;
	[smem:$0x7FF] =	sst s3  }
0xa: {  	s4 =	sadd.s32 $0x120000, s7;
	s2 =	sor.u32 s1, s2;
	s1 =	ssub.s32 $0x2, s1  }
0xb: {  	_ =	strace $0x80000047;
	s5 =	sshll.u32 s2, $0x9;
	s6 =	sshrl.u32 s1, $0x1  }
0xc: {  	s20 =	sshll.u32 s2, $0x7;
	s2 =	sshll.u32 s2, $0x4;
	s5 =	sadd.s32 s5, s7  }
0xd: {  	v1 =	vlaneseq.u32;
	s19 =	ssub.s32 s1, s6;
	s6 =	sadd.s32 s0, s2;
	s0 =	simm.s32 $0x4380  }
0xe: {  	v0 =	vor.u32 s20, v1;
	v1 =	vmul.u32 $0x20, v1;
	s1 =	simm.s32 $0x1;
	s5 =	sadd.s32 $0x200, s5;
	s7 =	smax.u32 s19, $0x1  }
.LBB2_1:
0xf: {  	s2 =	sand.u32 $0x70, s3  }
0x10: {  	[tilespmem:s3], [sflag:$0x2] =	stream.linear.gather [hbm4b:s5+s3], $0x1000, $0x38;
	[tilespmem:$0x4480] =	vst v63  }
0x11: {  	v2 =	vmov s2;
	_ =	swait.ge [sflag:s8], $0x1000  }
0x12: {  	v2 =	vshll.u32 v2, $0x5;
	[sflag:s8] =	ssyncset.done $0x0  }
0x13: {  	s14 =	simm.s32 $0x0;
	v2 =	vor.u32 v1, v2;
	[sflag:s8] =	ssyncadd.s32 $0xFFFFF000  }
0x14: {  	v2 =	vadd.s32 s14, v2;
	s18 =	rddreg [dreg:$0x0]  }
0x15: {  	[tilespmem:s9], [sflag:$0x2] =	stream.linear.gather [hbm4b:s18+s3], $0x400, $0x38;
	[tilespmem:$0x4480] =	vst v63  }
0x16: {  	_ =	swait.ge [sflag:s8], $0x400  }
0x17: {  	[sflag:s8] =	ssyncset.done $0x0  }
0x18: {  	[sflag:s8] =	ssyncadd.s32 $0xFFFFFC00  }
0x19: {  	v2 =	vld.idx.msk [tilespmem:v2+s3+$0x0], $0xffff;
	_ =	sdelay $0x4  }
0x1a: {  	s19 =	simm.s32 $0x10  }
0x1b: {  	s15 =	simm.s32 $0x1000;
	s14 =	sand.u32 $0x70, s19  }
0x1c: {  	v3 =	vmov s14;
	[tilespmem:s15+$0x0] =	vst v2  }
0x1d: {  	v3 =	vshll.u32 v3, $0x5;
	v2 =	vld.idx.msk [tilespmem:v2+s9+$0x0], $0xffff  }
0x1e: {  	s20 =	simm.s32 $0x0;
	v3 =	vor.u32 v1, v3  }
0x1f: {  	v4 =	vor.u32 s2, v0;
	v3 =	vadd.s32 s20, v3  }
0x20: {  	v4 =	vmul.u32 $0x900, v4;
	_ =	sdelay $0x1  }
0x21: {  	v2 =	vadd.s32 v4, v2  }
0x22: {  	[tilespmem:s11+$0x0] =	vst v2  }
0x23: {  	v2 =	vld.idx.msk [tilespmem:v3+s3+$0x0], $0xffff;
	_ =	sdelay $0x5  }
0x24: {  	s17 =	simm.s32 $0x2;
	s2 =	simm.s32 $0x20;
	s15 =	simm.s32 $0x1010  }
0x25: {  	s16 =	simm.s32 $0x2400;
	s19 =	sand.u32 $0x70, s2;
	s18 =	simm.s32 $0x3;
	[tilespmem:s15+$0x0] =	vst v2  }
.LBB2_2:
0x26: {  	p0 =	sne.s32 s18, $0xFF;
	v3 =	vmov s19;
	v2 =	vld.idx.msk [tilespmem:v2+s9+$0x0], $0xffff  }
0x27: {  	v3 =	vshll.u32 v3, $0x5  }
0x28: {  	s20 =	sshrl.u32 s17, $0x3;
	s17 =	smov.u32 s18;
	v3 =	vor.u32 v1, v3  }
0x29: {  	v4 =	vor.u32 s14, v0;
	s14 =	smov.u32 s19;
	v3 =	vadd.s32 s20, v3  }
0x2a: {  	v4 =	vmul.u32 $0x900, v4;
	_ =	sdelay $0x1  }
0x2b: {  	s16 =	sadd.s32 $0x10, s16;
	v2 =	vadd.s32 v4, v2  }
0x2c: {  	[tilespmem:s16+$0x0] =	vst v2  }
0x2d: {  	v2 =	vld.idx.msk [tilespmem:v3+s3+$0x0], $0xffff;
	_ =	sdelay $0x2  }
.Ltmp0:
0x2e: {  	(pc) =	sbr.rel @p0 .LBB2_2-.Ltmp0, $3  }
0x2f: {  	_ =	sdelay $0x1  }
0x30: {  	s2 =	sadd.s32 $0x10, s2;
	s15 =	sadd.s32 $0x10, s15  }
0x31: {  	s18 =	sadd.s32 $0x1, s18;
	s19 =	sand.u32 $0x70, s2;
	[tilespmem:s15+$0x0] =	vst v2  }
0x32: {  	_ =	sdelay $0x2  }
0x33: {  	v3 =	vmov s19  }
0x34: {  	v2 =	vld.idx.msk [tilespmem:v2+s9+$0x0], $0xffff;
	v3 =	vshll.u32 v3, $0x5  }
0x35: {  	s2 =	sshrl.u32 s17, $0x3;
	v3 =	vor.u32 v1, v3  }
0x36: {  	v4 =	vor.u32 s14, v0;
	v3 =	vadd.s32 s2, v3  }
0x37: {  	v4 =	vmul.u32 $0x900, v4;
	_ =	sdelay $0x1  }
0x38: {  	s16 =	sadd.s32 $0x10, s16;
	v2 =	vadd.s32 v4, v2  }
0x39: {  	[tilespmem:s16+$0x0] =	vst v2  }
0x3a: {  	v2 =	vld.idx.msk [tilespmem:v3+s3+$0x0], $0xffff;
	_ =	sdelay $0x5  }
0x3b: {  	s17 =	sadd.s32 $0x10, s15  }
0x3c: {  	[tilespmem:s17+$0x0] =	vst v2  }
0x3d: {  	v2 =	vld.idx.msk [tilespmem:v2+s9+$0x0], $0xffff;
	_ =	sdelay $0x1  }
0x3e: {  	v3 =	vor.u32 s19, v0  }
0x3f: {  	v3 =	vmul.u32 $0x900, v3;
	_ =	sdelay $0x1  }
0x40: {  	s2 =	sadd.s32 $0x10, s16;
	v2 =	vadd.s32 v3, v2  }
0x41: {  	s18 =	simm.s32 $0x3400;
	[tilespmem:s2+$0x0] =	vst v2  }
0x42: {  	[tilespmem:s18], [sflag:$0x1] =	stream.indirect.gather [hbm4b:s4+s10], $0x1, s11, s10, $0xb8;
	[tilespmem:$0x4480] =	vst v63  }
0x43: {  	s20 =	simm.s32 $0x3480;
	s19 =	simm.s32 $0x2480  }
0x44: {  	[tilespmem:s20], [sflag:$0x1] =	stream.indirect.gather [hbm4b:s4+s10], $0x1, s19, s10, $0xb8;
	[tilespmem:$0x4480] =	vst v63  }
0x45: {  	s15 =	simm.s32 $0x2500;
	s16 =	simm.s32 $0x3500  }
0x46: {  	[tilespmem:s16], [sflag:$0x1] =	stream.indirect.gather [hbm4b:s4+s10], $0x1, s15, s10, $0xb8;
	[tilespmem:$0x4480] =	vst v63  }
0x47: {  	s17 =	simm.s32 $0x2580;
	s18 =	simm.s32 $0x3580  }
0x48: {  	[tilespmem:s18], [sflag:$0x1] =	stream.indirect.gather [hbm4b:s4+s10], $0x1, s17, s10, $0xb8;
	[tilespmem:$0x4480] =	vst v63  }
0x49: {  	s19 =	simm.s32 $0x2600;
	s20 =	simm.s32 $0x3600  }
0x4a: {  	[tilespmem:s20], [sflag:$0x1] =	stream.indirect.gather [hbm4b:s4+s10], $0x1, s19, s10, $0xb8;
	[tilespmem:$0x4480] =	vst v63  }
0x4b: {  	s15 =	simm.s32 $0x2680;
	s16 =	simm.s32 $0x3680  }
0x4c: {  	[tilespmem:s16], [sflag:$0x1] =	stream.indirect.gather [hbm4b:s4+s10], $0x1, s15, s10, $0xb8;
	[tilespmem:$0x4480] =	vst v63  }
0x4d: {  	s17 =	simm.s32 $0x2700;
	s18 =	simm.s32 $0x3700  }
0x4e: {  	[tilespmem:s18], [sflag:$0x1] =	stream.indirect.gather [hbm4b:s4+s10], $0x1, s17, s10, $0xb8;
	[tilespmem:$0x4480] =	vst v63  }
0x4f: {  	s19 =	simm.s32 $0x2780;
	s20 =	simm.s32 $0x3780  }
0x50: {  	[tilespmem:s20], [sflag:$0x1] =	stream.indirect.gather [hbm4b:s4+s10], $0x1, s19, s10, $0xb8;
	[tilespmem:$0x4480] =	vst v63  }
0x51: {  	s15 =	simm.s32 $0x2800;
	s16 =	simm.s32 $0x3800  }
0x52: {  	[tilespmem:s16], [sflag:$0x1] =	stream.indirect.gather [hbm4b:s4+s10], $0x1, s15, s10, $0xb8;
	[tilespmem:$0x4480] =	vst v63  }
0x53: {  	s17 =	simm.s32 $0x2880;
	s18 =	simm.s32 $0x3880  }
0x54: {  	[tilespmem:s18], [sflag:$0x1] =	stream.indirect.gather [hbm4b:s4+s10], $0x1, s17, s10, $0xb8;
	[tilespmem:$0x4480] =	vst v63  }
0x55: {  	s19 =	simm.s32 $0x2900;
	s20 =	simm.s32 $0x3900  }
0x56: {  	[tilespmem:s20], [sflag:$0x1] =	stream.indirect.gather [hbm4b:s4+s10], $0x1, s19, s10, $0xb8;
	[tilespmem:$0x4480] =	vst v63  }
0x57: {  	s15 =	simm.s32 $0x2980;
	s16 =	simm.s32 $0x3980  }
0x58: {  	[tilespmem:s16], [sflag:$0x1] =	stream.indirect.gather [hbm4b:s4+s10], $0x1, s15, s10, $0xb8;
	[tilespmem:$0x4480] =	vst v63  }
0x59: {  	s17 =	simm.s32 $0x2A00;
	s18 =	simm.s32 $0x3A00  }
0x5a: {  	[tilespmem:s18], [sflag:$0x1] =	stream.indirect.gather [hbm4b:s4+s10], $0x1, s17, s10, $0xb8;
	[tilespmem:$0x4480] =	vst v63  }
0x5b: {  	s19 =	simm.s32 $0x2A80;
	s20 =	simm.s32 $0x3A80  }
0x5c: {  	[tilespmem:s20], [sflag:$0x1] =	stream.indirect.gather [hbm4b:s4+s10], $0x1, s19, s10, $0xb8;
	[tilespmem:$0x4480] =	vst v63  }
0x5d: {  	s15 =	simm.s32 $0x2B00;
	s16 =	simm.s32 $0x3B00  }
0x5e: {  	[tilespmem:s16], [sflag:$0x1] =	stream.indirect.gather [hbm4b:s4+s10], $0x1, s15, s10, $0xb8;
	[tilespmem:$0x4480] =	vst v63  }
0x5f: {  	s17 =	simm.s32 $0x2B80;
	s18 =	simm.s32 $0x3B80  }
0x60: {  	[tilespmem:s18], [sflag:$0x1] =	stream.indirect.gather [hbm4b:s4+s10], $0x1, s17, s10, $0xb8;
	[tilespmem:$0x4480] =	vst v63  }
0x61: {  	s19 =	simm.s32 $0x2C00;
	s20 =	simm.s32 $0x3C00  }
0x62: {  	[tilespmem:s20], [sflag:$0x1] =	stream.indirect.gather [hbm4b:s4+s10], $0x1, s19, s10, $0xb8;
	[tilespmem:$0x4480] =	vst v63  }
0x63: {  	s15 =	simm.s32 $0x2C80;
	s16 =	simm.s32 $0x3C80  }
0x64: {  	[tilespmem:s16], [sflag:$0x1] =	stream.indirect.gather [hbm4b:s4+s10], $0x1, s15, s10, $0xb8;
	[tilespmem:$0x4480] =	vst v63  }
0x65: {  	s17 =	simm.s32 $0x2D00;
	s18 =	simm.s32 $0x3D00  }
0x66: {  	[tilespmem:s18], [sflag:$0x1] =	stream.indirect.gather [hbm4b:s4+s10], $0x1, s17, s10, $0xb8;
	[tilespmem:$0x4480] =	vst v63  }
0x67: {  	s19 =	simm.s32 $0x2D80;
	s20 =	simm.s32 $0x3D80  }
0x68: {  	[tilespmem:s20], [sflag:$0x1] =	stream.indirect.gather [hbm4b:s4+s10], $0x1, s19, s10, $0xb8;
	[tilespmem:$0x4480] =	vst v63  }
0x69: {  	s15 =	simm.s32 $0x2E00;
	s16 =	simm.s32 $0x3E00  }
0x6a: {  	[tilespmem:s16], [sflag:$0x1] =	stream.indirect.gather [hbm4b:s4+s10], $0x1, s15, s10, $0xb8;
	[tilespmem:$0x4480] =	vst v63  }
0x6b: {  	s17 =	simm.s32 $0x2E80;
	s18 =	simm.s32 $0x3E80  }
0x6c: {  	[tilespmem:s18], [sflag:$0x1] =	stream.indirect.gather [hbm4b:s4+s10], $0x1, s17, s10, $0xb8;
	[tilespmem:$0x4480] =	vst v63  }
0x6d: {  	s19 =	simm.s32 $0x2F00;
	s20 =	simm.s32 $0x3F00  }
0x6e: {  	[tilespmem:s20], [sflag:$0x1] =	stream.indirect.gather [hbm4b:s4+s10], $0x1, s19, s10, $0xb8;
	[tilespmem:$0x4480] =	vst v63  }
0x6f: {  	s14 =	simm.s32 $0x2F80;
	s15 =	simm.s32 $0x3F80  }
0x70: {  	[tilespmem:s15], [sflag:$0x1] =	stream.indirect.gather [hbm4b:s4+s10], $0x1, s14, s10, $0xb8;
	[tilespmem:$0x4480] =	vst v63  }
0x71: {  	s16 =	simm.s32 $0x3000;
	s17 =	simm.s32 $0x4000  }
0x72: {  	[tilespmem:s17], [sflag:$0x1] =	stream.indirect.gather [hbm4b:s4+s10], $0x1, s16, s10, $0xb8;
	[tilespmem:$0x4480] =	vst v63  }
0x73: {  	s18 =	simm.s32 $0x3080;
	s19 =	simm.s32 $0x4080  }
0x74: {  	[tilespmem:s19], [sflag:$0x1] =	stream.indirect.gather [hbm4b:s4+s10], $0x1, s18, s10, $0xb8;
	[tilespmem:$0x4480] =	vst v63  }
0x75: {  	s20 =	simm.s32 $0x3100  }
0x76: {  	[tilespmem:s21], [sflag:$0x1] =	stream.indirect.gather [hbm4b:s4+s10], $0x1, s20, s10, $0xb8;
	[tilespmem:$0x4480] =	vst v63  }
0x77: {  	_ = 	snop  }
0x78: {  	[tilespmem:s23], [sflag:$0x1] =	stream.indirect.gather [hbm4b:s4+s10], $0x1, s22, s10, $0xb8;
	[tilespmem:$0x4480] =	vst v63  }
0x79: {  	_ = 	snop  }
0x7a: {  	[tilespmem:s25], [sflag:$0x1] =	stream.indirect.gather [hbm4b:s4+s10], $0x1, s24, s10, $0xb8;
	[tilespmem:$0x4480] =	vst v63  }
0x7b: {  	_ = 	snop  }
0x7c: {  	[tilespmem:s28], [sflag:$0x1] =	stream.indirect.gather [hbm4b:s4+s10], $0x1, s26, s10, $0xb8;
	[tilespmem:$0x4480] =	vst v63  }
0x7d: {  	_ = 	snop  }
0x7e: {  	[tilespmem:s30], [sflag:$0x1] =	stream.indirect.gather [hbm4b:s4+s10], $0x1, s29, s10, $0xb8;
	[tilespmem:$0x4480] =	vst v63  }
0x7f: {  	_ = 	snop  }
0x80: {  	[tilespmem:s0], [sflag:$0x1] =	stream.indirect.gather [hbm4b:s4+s10], $0x1, s31, s10, $0xb8;
	[tilespmem:$0x4480] =	vst v63  }
0x81: {  	_ =	swait.ge [sflag:s1], $0x80  }
0x82: {  	[sflag:s1] =	ssyncset.done $0x0  }
0x83: {  	[sflag:s1] =	ssyncadd.s32 $0xFFFFFF80  }
0x84: {  	_ =	swait.ge [sflag:s1], $0x80  }
0x85: {  	[sflag:s1] =	ssyncset.done $0x0  }
0x86: {  	[sflag:s1] =	ssyncadd.s32 $0xFFFFFF80  }
0x87: {  	_ =	swait.ge [sflag:s1], $0x80  }
0x88: {  	[sflag:s1] =	ssyncset.done $0x0  }
0x89: {  	[sflag:s1] =	ssyncadd.s32 $0xFFFFFF80  }
0x8a: {  	_ =	swait.ge [sflag:s1], $0x80  }
0x8b: {  	[sflag:s1] =	ssyncset.done $0x0  }
0x8c: {  	[sflag:s1] =	ssyncadd.s32 $0xFFFFFF80  }
0x8d: {  	_ =	swait.ge [sflag:s1], $0x80  }
0x8e: {  	[sflag:s1] =	ssyncset.done $0x0  }
0x8f: {  	[sflag:s1] =	ssyncadd.s32 $0xFFFFFF80  }
0x90: {  	_ =	swait.ge [sflag:s1], $0x80  }
0x91: {  	[sflag:s1] =	ssyncset.done $0x0  }
0x92: {  	[sflag:s1] =	ssyncadd.s32 $0xFFFFFF80  }
0x93: {  	_ =	swait.ge [sflag:s1], $0x80  }
0x94: {  	[sflag:s1] =	ssyncset.done $0x0  }
0x95: {  	[sflag:s1] =	ssyncadd.s32 $0xFFFFFF80  }
0x96: {  	_ =	swait.ge [sflag:s1], $0x80  }
0x97: {  	[sflag:s1] =	ssyncset.done $0x0  }
0x98: {  	[sflag:s1] =	ssyncadd.s32 $0xFFFFFF80  }
0x99: {  	_ =	swait.ge [sflag:s1], $0x80  }
0x9a: {  	[sflag:s1] =	ssyncset.done $0x0  }
0x9b: {  	[sflag:s1] =	ssyncadd.s32 $0xFFFFFF80  }
0x9c: {  	_ =	swait.ge [sflag:s1], $0x80  }
0x9d: {  	[sflag:s1] =	ssyncset.done $0x0  }
0x9e: {  	[sflag:s1] =	ssyncadd.s32 $0xFFFFFF80  }
0x9f: {  	_ =	swait.ge [sflag:s1], $0x80  }
0xa0: {  	[sflag:s1] =	ssyncset.done $0x0  }
0xa1: {  	[sflag:s1] =	ssyncadd.s32 $0xFFFFFF80  }
0xa2: {  	_ =	swait.ge [sflag:s1], $0x80  }
0xa3: {  	[sflag:s1] =	ssyncset.done $0x0  }
0xa4: {  	[sflag:s1] =	ssyncadd.s32 $0xFFFFFF80  }
0xa5: {  	_ =	swait.ge [sflag:s1], $0x80  }
0xa6: {  	[sflag:s1] =	ssyncset.done $0x0  }
0xa7: {  	[sflag:s1] =	ssyncadd.s32 $0xFFFFFF80  }
0xa8: {  	_ =	swait.ge [sflag:s1], $0x80  }
0xa9: {  	[sflag:s1] =	ssyncset.done $0x0  }
0xaa: {  	[sflag:s1] =	ssyncadd.s32 $0xFFFFFF80  }
0xab: {  	_ =	swait.ge [sflag:s1], $0x80  }
0xac: {  	[sflag:s1] =	ssyncset.done $0x0  }
0xad: {  	[sflag:s1] =	ssyncadd.s32 $0xFFFFFF80  }
0xae: {  	_ =	swait.ge [sflag:s1], $0x80  }
0xaf: {  	[sflag:s1] =	ssyncset.done $0x0  }
0xb0: {  	[sflag:s1] =	ssyncadd.s32 $0xFFFFFF80  }
0xb1: {  	_ =	swait.ge [sflag:s1], $0x80  }
0xb2: {  	[sflag:s1] =	ssyncset.done $0x0  }
0xb3: {  	[sflag:s1] =	ssyncadd.s32 $0xFFFFFF80  }
0xb4: {  	_ =	swait.ge [sflag:s1], $0x80  }
0xb5: {  	[sflag:s1] =	ssyncset.done $0x0  }
0xb6: {  	[sflag:s1] =	ssyncadd.s32 $0xFFFFFF80  }
0xb7: {  	_ =	swait.ge [sflag:s1], $0x80  }
0xb8: {  	[sflag:s1] =	ssyncset.done $0x0  }
0xb9: {  	[sflag:s1] =	ssyncadd.s32 $0xFFFFFF80  }
0xba: {  	_ =	swait.ge [sflag:s1], $0x80  }
0xbb: {  	[sflag:s1] =	ssyncset.done $0x0  }
0xbc: {  	[sflag:s1] =	ssyncadd.s32 $0xFFFFFF80  }
0xbd: {  	_ =	swait.ge [sflag:s1], $0x80  }
0xbe: {  	[sflag:s1] =	ssyncset.done $0x0  }
0xbf: {  	[sflag:s1] =	ssyncadd.s32 $0xFFFFFF80  }
0xc0: {  	_ =	swait.ge [sflag:s1], $0x80  }
0xc1: {  	[sflag:s1] =	ssyncset.done $0x0  }
0xc2: {  	[sflag:s1] =	ssyncadd.s32 $0xFFFFFF80  }
0xc3: {  	_ =	swait.ge [sflag:s1], $0x80  }
0xc4: {  	[sflag:s1] =	ssyncset.done $0x0  }
0xc5: {  	[sflag:s1] =	ssyncadd.s32 $0xFFFFFF80  }
0xc6: {  	_ =	swait.ge [sflag:s1], $0x80  }
0xc7: {  	[sflag:s1] =	ssyncset.done $0x0  }
0xc8: {  	[sflag:s1] =	ssyncadd.s32 $0xFFFFFF80  }
0xc9: {  	_ =	swait.ge [sflag:s1], $0x80  }
0xca: {  	[sflag:s1] =	ssyncset.done $0x0  }
0xcb: {  	[sflag:s1] =	ssyncadd.s32 $0xFFFFFF80  }
0xcc: {  	_ =	swait.ge [sflag:s1], $0x80  }
0xcd: {  	[sflag:s1] =	ssyncset.done $0x0  }
0xce: {  	[sflag:s1] =	ssyncadd.s32 $0xFFFFFF80  }
0xcf: {  	_ =	swait.ge [sflag:s1], $0x80  }
0xd0: {  	[sflag:s1] =	ssyncset.done $0x0  }
0xd1: {  	[sflag:s1] =	ssyncadd.s32 $0xFFFFFF80  }
0xd2: {  	_ =	swait.ge [sflag:s1], $0x80  }
0xd3: {  	[sflag:s1] =	ssyncset.done $0x0  }
0xd4: {  	[sflag:s1] =	ssyncadd.s32 $0xFFFFFF80  }
0xd5: {  	_ =	swait.ge [sflag:s1], $0x80  }
0xd6: {  	[sflag:s1] =	ssyncset.done $0x0  }
0xd7: {  	[sflag:s1] =	ssyncadd.s32 $0xFFFFFF80  }
0xd8: {  	_ =	swait.ge [sflag:s1], $0x80  }
0xd9: {  	[sflag:s1] =	ssyncset.done $0x0  }
0xda: {  	[sflag:s1] =	ssyncadd.s32 $0xFFFFFF80  }
0xdb: {  	_ =	swait.ge [sflag:s1], $0x80  }
0xdc: {  	[sflag:s1] =	ssyncset.done $0x0  }
0xdd: {  	[sflag:s1] =	ssyncadd.s32 $0xFFFFFF80  }
0xde: {  	_ =	swait.ge [sflag:s1], $0x80  }
0xdf: {  	[sflag:s1] =	ssyncset.done $0x0  }
0xe0: {  	s14 =	simm.s32 $0x0;
	[sflag:s1] =	ssyncadd.s32 $0xFFFFFF80  }
0xe1: {  	v6 =	vld [tilespmem:s14+$0x3400]  }
0xe2: {  	v2 =	vld [tilespmem:s14+$0x1F80]  }
0xe3: {  	v4 =	vld [tilespmem:s14+$0x1F00]  }
0xe4: {  	v7 =	vld [tilespmem:s14+$0x3480]  }
0xe5: {  	v3 =	vld [tilespmem:s14+$0x1E00]  }
0xe6: {  	v8 =	vld [tilespmem:s14+$0x3500];
	vm0 =	vlt.f32 v6, $-Inf;
	vm1 =	vgt.f32 v6, $-Inf  }
0xe7: {  	v5 =	vld [tilespmem:s14+$0x1D00];
	vm0 =	vmor vm1, vm0  }
0xe8: {  	v10 =	vld [tilespmem:s14+$0x3580];
	v9 =	vnsel vm0, $0xFF800000, v6  }
0xe9: {  	v11 =	vld [tilespmem:s14+$0x1B00];
	vm1 =	vgt.f32 v7, v9  }
0xea: {  	v7 =	vsel vm1, v7, v9;
	v9 =	vld [tilespmem:s14+$0x3600]  }
0xeb: {  	v12 =	vld [tilespmem:s14+$0x1A00];
	vm2 =	vgt.f32 v8, v7  }
0xec: {  	v7 =	vsel vm2, v8, v7;
	v8 =	vld [tilespmem:s14+$0x3680]  }
0xed: {  	v13 =	vld [tilespmem:s14+$0x1900];
	vm3 =	vgt.f32 v10, v7  }
0xee: {  	v7 =	vsel vm3, v10, v7;
	v10 =	vld [tilespmem:s14+$0x3700]  }
0xef: {  	v14 =	vld [tilespmem:s14+$0x1800];
	vm4 =	vgt.f32 v9, v7  }
0xf0: {  	v7 =	vsel vm4, v9, v7;
	v9 =	vld [tilespmem:s14+$0x3780]  }
0xf1: {  	v15 =	vld [tilespmem:s14+$0x1700];
	vm5 =	vgt.f32 v8, v7  }
0xf2: {  	v7 =	vsel vm5, v8, v7;
	v8 =	vld [tilespmem:s14+$0x3800]  }
0xf3: {  	v16 =	vld [tilespmem:s14+$0x1600];
	vm6 =	vgt.f32 v10, v7  }
0xf4: {  	v7 =	vsel vm6, v10, v7;
	v10 =	vld [tilespmem:s14+$0x3880]  }
0xf5: {  	v17 =	vld [tilespmem:s14+$0x1500];
	vm7 =	vgt.f32 v9, v7  }
0xf6: {  	v7 =	vsel vm7, v9, v7;
	v9 =	vld [tilespmem:s14+$0x3900]  }
0xf7: {  	v18 =	vld [tilespmem:s14+$0x1400];
	vm8 =	vgt.f32 v8, v7  }
0xf8: {  	v7 =	vsel vm8, v8, v7;
	v8 =	vld [tilespmem:s14+$0x3980]  }
0xf9: {  	v19 =	vld [tilespmem:s14+$0x1300];
	vm9 =	vgt.f32 v10, v7  }
0xfa: {  	v7 =	vsel vm9, v10, v7;
	v10 =	vld [tilespmem:s14+$0x3A00]  }
0xfb: {  	v20 =	vld [tilespmem:s14+$0x1200];
	vm10 =	vgt.f32 v9, v7  }
0xfc: {  	v7 =	vsel vm10, v9, v7;
	v9 =	vld [tilespmem:s14+$0x3A80]  }
0xfd: {  	v21 =	vld [tilespmem:s14+$0x1100];
	vm11 =	vgt.f32 v8, v7  }
0xfe: {  	v7 =	vsel vm11, v8, v7;
	v8 =	vld [tilespmem:s14+$0x3B00]  }
0xff: {  	v22 =	vld [tilespmem:s14+$0x1000];
	vm12 =	vgt.f32 v10, v7  }
0x100: {  	v7 =	vsel vm12, v10, v7;
	v10 =	vld [tilespmem:s14+$0x3B80]  }
0x101: {  	v23 =	vld [tilespmem:s14+$0x1080];
	vm13 =	vgt.f32 v9, v7  }
0x102: {  	v7 =	vsel vm13, v9, v7;
	v9 =	vld [tilespmem:s14+$0x3C00]  }
0x103: {  	v24 =	vld [tilespmem:s14+$0x1180];
	vm14 =	vgt.f32 v8, v7  }
0x104: {  	v7 =	vsel vm14, v8, v7;
	v8 =	vld [tilespmem:s14+$0x3C80]  }
0x105: {  	v25 =	vld [tilespmem:s14+$0x1280];
	vm15 =	vgt.f32 v10, v7  }
0x106: {  	v7 =	vsel vm15, v10, v7;
	v10 =	vld [tilespmem:s14+$0x3D00]  }
0x107: {  	v56 =	vld [tilespmem:s14+$0x1380];
	v22 =	vnsel vm0, $0x0, v22;
	vm0 =	vgt.f32 v9, v7  }
0x108: {  	v22 =	vsel vm1, v23, v22;
	v7 =	vsel vm0, v9, v7;
	v9 =	vld [tilespmem:s14+$0x3D80]  }
0x109: {  	v57 =	vld [tilespmem:s14+$0x1480];
	v21 =	vsel vm2, v21, v22;
	vm1 =	vgt.f32 v8, v7  }
0x10a: {  	v21 =	vsel vm3, v24, v21;
	v7 =	vsel vm1, v8, v7;
	v8 =	vld [tilespmem:s14+$0x3E00]  }
0x10b: {  	v58 =	vld [tilespmem:s14+$0x1580];
	v20 =	vsel vm4, v20, v21;
	vm2 =	vgt.f32 v10, v7  }
0x10c: {  	v20 =	vsel vm5, v25, v20;
	v7 =	vsel vm2, v10, v7;
	v10 =	vld [tilespmem:s14+$0x3E80]  }
0x10d: {  	v59 =	vld [tilespmem:s14+$0x1680];
	v19 =	vsel vm6, v19, v20;
	vm3 =	vgt.f32 v9, v7  }
0x10e: {  	v19 =	vsel vm7, v56, v19;
	v7 =	vsel vm3, v9, v7;
	v9 =	vld [tilespmem:s14+$0x3F00]  }
0x10f: {  	v60 =	vld [tilespmem:s14+$0x1780];
	v18 =	vsel vm8, v18, v19;
	vm4 =	vgt.f32 v8, v7  }
0x110: {  	v18 =	vsel vm9, v57, v18;
	v7 =	vsel vm4, v8, v7;
	v8 =	vld [tilespmem:s14+$0x3F80]  }
0x111: {  	v61 =	vld [tilespmem:s14+$0x1880];
	v17 =	vsel vm10, v17, v18;
	vm5 =	vgt.f32 v10, v7  }
0x112: {  	v17 =	vsel vm11, v58, v17;
	v7 =	vsel vm5, v10, v7;
	v10 =	vld [tilespmem:s14+$0x4000]  }
0x113: {  	v62 =	vld [tilespmem:s14+$0x1980];
	v16 =	vsel vm12, v16, v17;
	vm12 =	vgt.f32 v9, v7  }
0x114: {  	v16 =	vsel vm13, v59, v16;
	v7 =	vsel vm12, v9, v7;
	v9 =	vld [tilespmem:s14+$0x4080]  }
0x115: {  	v63 =	vld [tilespmem:s14+$0x4200];
	v15 =	vsel vm14, v15, v16;
	vm13 =	vgt.f32 v8, v7  }
0x116: {  	v15 =	vsel vm15, v60, v15;
	v7 =	vsel vm13, v8, v7;
	v8 =	vld [tilespmem:s14+$0x4100]  }
0x117: {  	v14 =	vsel vm0, v14, v15;
	v15 =	vld [tilespmem:s14+$0x1A80];
	vm14 =	vgt.f32 v10, v7  }
0x118: {  	v14 =	vsel vm1, v61, v14;
	v7 =	vsel vm14, v10, v7;
	v10 =	vld [tilespmem:s14+$0x4180]  }
0x119: {  	v13 =	vsel vm2, v13, v14;
	v14 =	vld [tilespmem:s14+$0x1B80];
	vm15 =	vgt.f32 v9, v7  }
0x11a: {  	v6 =	vld [tilespmem:s14+$0x1C00];
	v13 =	vsel vm3, v62, v13;
	v7 =	vsel vm15, v9, v7  }
0x11b: {  	v9 =	vsel vm4, v12, v13;
	v12 =	vld [tilespmem:s14+$0x1C80];
	vm0 =	vgt.f32 v8, v7  }
0x11c: {  	v9 =	vsel vm5, v15, v9;
	v7 =	vsel vm0, v8, v7;
	v8 =	vld [tilespmem:s14+$0x4280]  }
0x11d: {  	v11 =	vsel vm12, v11, v9;
	v9 =	vld [tilespmem:s14+$0x1D80];
	vm1 =	vgt.f32 v10, v7  }
0x11e: {  	v11 =	vsel vm13, v14, v11;
	v13 =	vsel vm1, v10, v7;
	v7 =	vld [tilespmem:s14+$0x4300]  }
0x11f: {  	v6 =	vsel vm14, v6, v11;
	v10 =	vld [tilespmem:s14+$0x1E80];
	vm2 =	vgt.f32 v63, v13  }
0x120: {  	s15 =	simm.s32 $0x80;
	s16 =	simm.s32 $0x10;
	v11 =	vld [tilespmem:s14+$0x4380];
	v12 =	vsel vm15, v12, v6;
	v6 =	vsel vm2, v63, v13  }
.LBB2_4:
0x121: {  	p0 =	sne.s32 s15, $0x1C0;
	v13 =	vld [tilespmem:s16+$0x3400];
	v5 =	vsel vm0, v5, v12;
	vm0 =	vgt.f32 v8, v6  }
0x122: {  	v12 =	vld [tilespmem:s16+$0x1F80];
	v5 =	vsel vm1, v9, v5;
	v6 =	vsel vm0, v8, v6  }
0x123: {  	v8 =	vld [tilespmem:s16+$0x1F00];
	v3 =	vsel vm2, v3, v5;
	vm1 =	vgt.f32 v7, v6  }
0x124: {  	v9 =	vld [tilespmem:s16+$0x3480];
	v5 =	vsel vm0, v10, v3;
	v6 =	vsel vm1, v7, v6  }
0x125: {  	v3 =	vld [tilespmem:s16+$0x1E00];
	v4 =	vsel vm1, v4, v5;
	vm0 =	vgt.f32 v11, v6  }
0x126: {  	vm1 =	vlt.f32 v13, $-Inf;
	vm2 =	vgt.f32 v13, $-Inf;
	v10 =	vld [tilespmem:s16+$0x3500];
	v6 =	vsel vm0, v2, v4  }
0x127: {  	vm0 =	vmor vm2, vm1;
	v5 =	vld [tilespmem:s16+$0x1D00];
	[tilespmem:s14+$0x4400] =	vst v6;
	v2 =	vmov v12;
	s14 =	smov.u32 s16  }
0x128: {  	v7 =	vnsel vm0, $0xFF800000, v13;
	v11 =	vld [tilespmem:s14+$0x3580];
	v4 =	vmov v8  }
0x129: {  	vm1 =	vgt.f32 v9, v7;
	v6 =	vld [tilespmem:s14+$0x1C00]  }
0x12a: {  	v8 =	vsel vm1, v9, v7;
	v12 =	vld [tilespmem:s14+$0x3600]  }
0x12b: {  	vm2 =	vgt.f32 v10, v8;
	v7 =	vld [tilespmem:s14+$0x1B00]  }
0x12c: {  	v9 =	vsel vm2, v10, v8;
	v13 =	vld [tilespmem:s14+$0x3680]  }
0x12d: {  	vm3 =	vgt.f32 v11, v9;
	v8 =	vld [tilespmem:s14+$0x1A00]  }
0x12e: {  	v10 =	vsel vm3, v11, v9;
	v11 =	vld [tilespmem:s14+$0x3700]  }
0x12f: {  	vm4 =	vgt.f32 v12, v10;
	v9 =	vld [tilespmem:s14+$0x1900]  }
0x130: {  	v12 =	vsel vm4, v12, v10;
	v14 =	vld [tilespmem:s14+$0x3780]  }
0x131: {  	vm5 =	vgt.f32 v13, v12;
	v10 =	vld [tilespmem:s14+$0x1800]  }
0x132: {  	v12 =	vsel vm5, v13, v12;
	v13 =	vld [tilespmem:s14+$0x3800]  }
0x133: {  	vm6 =	vgt.f32 v11, v12;
	v15 =	vld [tilespmem:s14+$0x1700]  }
0x134: {  	v11 =	vsel vm6, v11, v12;
	v12 =	vld [tilespmem:s14+$0x3880]  }
0x135: {  	vm7 =	vgt.f32 v14, v11;
	v16 =	vld [tilespmem:s14+$0x1600]  }
0x136: {  	v11 =	vsel vm7, v14, v11;
	v14 =	vld [tilespmem:s14+$0x3900]  }
0x137: {  	vm8 =	vgt.f32 v13, v11;
	v17 =	vld [tilespmem:s14+$0x1500]  }
0x138: {  	v11 =	vsel vm8, v13, v11;
	v13 =	vld [tilespmem:s14+$0x3980]  }
0x139: {  	v18 =	vld [tilespmem:s14+$0x1400];
	vm9 =	vgt.f32 v12, v11  }
0x13a: {  	v11 =	vsel vm9, v12, v11;
	v12 =	vld [tilespmem:s14+$0x3A00]  }
0x13b: {  	v19 =	vld [tilespmem:s14+$0x1300];
	vm10 =	vgt.f32 v14, v11  }
0x13c: {  	v11 =	vsel vm10, v14, v11;
	v14 =	vld [tilespmem:s14+$0x3A80]  }
0x13d: {  	v20 =	vld [tilespmem:s14+$0x1200];
	vm11 =	vgt.f32 v13, v11  }
0x13e: {  	v11 =	vsel vm11, v13, v11;
	v13 =	vld [tilespmem:s14+$0x3B00]  }
0x13f: {  	v21 =	vld [tilespmem:s14+$0x1100];
	vm12 =	vgt.f32 v12, v11  }
0x140: {  	v11 =	vsel vm12, v12, v11;
	v12 =	vld [tilespmem:s14+$0x3B80]  }
0x141: {  	v22 =	vld [tilespmem:s14+$0x1000];
	vm13 =	vgt.f32 v14, v11  }
0x142: {  	v11 =	vsel vm13, v14, v11;
	v14 =	vld [tilespmem:s14+$0x3C00]  }
0x143: {  	v23 =	vld [tilespmem:s14+$0x1080];
	vm14 =	vgt.f32 v13, v11  }
0x144: {  	v11 =	vsel vm14, v13, v11;
	v13 =	vld [tilespmem:s14+$0x3C80]  }
0x145: {  	v24 =	vld [tilespmem:s14+$0x1180];
	vm15 =	vgt.f32 v12, v11  }
0x146: {  	v11 =	vsel vm15, v12, v11;
	v12 =	vld [tilespmem:s14+$0x3D00]  }
0x147: {  	v22 =	vnsel vm0, $0x0, v22;
	v25 =	vld [tilespmem:s14+$0x1280];
	vm0 =	vgt.f32 v14, v11  }
0x148: {  	v22 =	vsel vm1, v23, v22;
	v11 =	vsel vm0, v14, v11;
	v14 =	vld [tilespmem:s14+$0x3D80]  }
0x149: {  	v21 =	vsel vm2, v21, v22;
	v22 =	vld [tilespmem:s14+$0x1380];
	vm1 =	vgt.f32 v13, v11  }
0x14a: {  	v21 =	vsel vm3, v24, v21;
	v11 =	vsel vm1, v13, v11;
	v13 =	vld [tilespmem:s14+$0x3E00]  }
0x14b: {  	v20 =	vsel vm4, v20, v21;
	v21 =	vld [tilespmem:s14+$0x1480];
	vm2 =	vgt.f32 v12, v11  }
0x14c: {  	v20 =	vsel vm5, v25, v20;
	v11 =	vsel vm2, v12, v11;
	v12 =	vld [tilespmem:s14+$0x3E80]  }
0x14d: {  	v19 =	vsel vm6, v19, v20;
	v20 =	vld [tilespmem:s14+$0x1580];
	vm3 =	vgt.f32 v14, v11  }
0x14e: {  	v19 =	vsel vm7, v22, v19;
	v11 =	vsel vm3, v14, v11;
	v14 =	vld [tilespmem:s14+$0x3F00]  }
0x14f: {  	v18 =	vsel vm8, v18, v19;
	v19 =	vld [tilespmem:s14+$0x1680];
	vm4 =	vgt.f32 v13, v11  }
0x150: {  	v18 =	vsel vm9, v21, v18;
	v11 =	vsel vm4, v13, v11;
	v13 =	vld [tilespmem:s14+$0x3F80]  }
0x151: {  	v17 =	vsel vm10, v17, v18;
	v18 =	vld [tilespmem:s14+$0x1780];
	vm5 =	vgt.f32 v12, v11  }
0x152: {  	v17 =	vsel vm11, v20, v17;
	v11 =	vsel vm5, v12, v11;
	v12 =	vld [tilespmem:s14+$0x4000]  }
0x153: {  	v16 =	vsel vm12, v16, v17;
	v17 =	vld [tilespmem:s14+$0x1880];
	vm6 =	vgt.f32 v14, v11  }
0x154: {  	v16 =	vsel vm13, v19, v16;
	v11 =	vsel vm6, v14, v11;
	v14 =	vld [tilespmem:s14+$0x4080]  }
0x155: {  	v15 =	vsel vm14, v15, v16;
	v16 =	vld [tilespmem:s14+$0x1980];
	vm7 =	vgt.f32 v13, v11  }
0x156: {  	v15 =	vsel vm15, v18, v15;
	v11 =	vsel vm7, v13, v11;
	v13 =	vld [tilespmem:s14+$0x4100]  }
0x157: {  	v10 =	vsel vm0, v10, v15;
	v15 =	vld [tilespmem:s14+$0x1A80];
	vm8 =	vgt.f32 v12, v11  }
0x158: {  	v10 =	vsel vm1, v17, v10;
	v11 =	vsel vm8, v12, v11;
	v12 =	vld [tilespmem:s14+$0x4180]  }
0x159: {  	v9 =	vsel vm2, v9, v10;
	v10 =	vld [tilespmem:s14+$0x1B80];
	vm9 =	vgt.f32 v14, v11  }
0x15a: {  	v9 =	vsel vm3, v16, v9;
	v11 =	vsel vm9, v14, v11;
	v14 =	vld [tilespmem:s14+$0x4200]  }
0x15b: {  	v8 =	vsel vm4, v8, v9;
	v16 =	vld [tilespmem:s14+$0x1C80];
	vm0 =	vgt.f32 v13, v11  }
.Ltmp1:
0x15c: {  	v9 =	vsel vm5, v15, v8;
	v11 =	vsel vm0, v13, v11;
	v8 =	vld [tilespmem:s14+$0x4280];
	(pc) =	sbr.rel @p0 .LBB2_4-.Ltmp1, $4  }
0x15d: {  	v7 =	vsel vm6, v7, v9;
	v9 =	vld [tilespmem:s14+$0x1D80];
	vm1 =	vgt.f32 v12, v11  }
0x15e: {  	v10 =	vsel vm7, v10, v7;
	v11 =	vsel vm1, v12, v11;
	v7 =	vld [tilespmem:s14+$0x4300]  }
0x15f: {  	v6 =	vsel vm8, v6, v10;
	vm2 =	vgt.f32 v14, v11;
	v10 =	vld [tilespmem:s14+$0x1E80]  }
0x160: {  	s16 =	sshra.s32 s15, $0x2;
	s15 =	sadd.s32 $0x40, s15;
	v12 =	vsel vm9, v16, v6;
	v6 =	vsel vm2, v14, v11;
	v11 =	vld [tilespmem:s14+$0x4380]  }
0x161: {  	v13 =	vld [tilespmem:s16+$0x3400];
	v12 =	vsel vm0, v5, v12;
	vm7 =	vgt.f32 v8, v6  }
0x162: {  	v5 =	vld [tilespmem:s16+$0x1F80];
	v9 =	vsel vm1, v9, v12;
	v8 =	vsel vm7, v8, v6  }
0x163: {  	v54 =	vld [tilespmem:s16+$0x3480];
	v3 =	vsel vm2, v3, v9;
	vm8 =	vgt.f32 v7, v8  }
0x164: {  	v55 =	vld [tilespmem:s16+$0x3500];
	v10 =	vsel vm7, v10, v3;
	v7 =	vsel vm8, v7, v8  }
0x165: {  	v6 =	vld [tilespmem:s16+$0x1F00];
	v4 =	vsel vm8, v4, v10;
	vm9 =	vgt.f32 v11, v7  }
0x166: {  	v3 =	vld [tilespmem:s16+$0x1E00];
	vm10 =	vlt.f32 v13, $-Inf;
	vm11 =	vgt.f32 v13, $-Inf;
	v4 =	vsel vm9, v2, v4  }
0x167: {  	v2 =	vld [tilespmem:s16+$0x1D00];
	vm0 =	vmor vm11, vm10;
	[tilespmem:s14+$0x4400] =	vst v4  }
0x168: {  	v56 =	vnsel vm0, $0xFF800000, v13;
	v57 =	vld [tilespmem:s16+$0x3580]  }
0x169: {  	v4 =	vld [tilespmem:s16+$0x1C00];
	vm1 =	vgt.f32 v54, v56  }
0x16a: {  	v58 =	vld [tilespmem:s16+$0x3600];
	v8 =	vsel vm1, v54, v56  }
0x16b: {  	v59 =	vld [tilespmem:s16+$0x1B00];
	vm2 =	vgt.f32 v55, v8  }
0x16c: {  	v60 =	vld [tilespmem:s16+$0x3680];
	v7 =	vsel vm2, v55, v8  }
0x16d: {  	v61 =	vld [tilespmem:s16+$0x1A00];
	vm3 =	vgt.f32 v57, v7  }
0x16e: {  	v62 =	vld [tilespmem:s16+$0x3700];
	v7 =	vsel vm3, v57, v7  }
0x16f: {  	v63 =	vld [tilespmem:s16+$0x1900];
	vm4 =	vgt.f32 v58, v7  }
0x170: {  	v26 =	vld [tilespmem:s16+$0x3780];
	v7 =	vsel vm4, v58, v7  }
0x171: {  	v14 =	vld [tilespmem:s16+$0x1800];
	vm5 =	vgt.f32 v60, v7  }
0x172: {  	v27 =	vld [tilespmem:s16+$0x3800];
	v7 =	vsel vm5, v60, v7  }
0x173: {  	v15 =	vld [tilespmem:s16+$0x1700];
	vm6 =	vgt.f32 v62, v7  }
0x174: {  	v28 =	vld [tilespmem:s16+$0x3880];
	v7 =	vsel vm6, v62, v7  }
0x175: {  	v16 =	vld [tilespmem:s16+$0x1600];
	vm7 =	vgt.f32 v26, v7  }
0x176: {  	v29 =	vld [tilespmem:s16+$0x3900];
	v7 =	vsel vm7, v26, v7  }
0x177: {  	v17 =	vld [tilespmem:s16+$0x1500];
	vm8 =	vgt.f32 v27, v7  }
0x178: {  	v30 =	vld [tilespmem:s16+$0x3980];
	v7 =	vsel vm8, v27, v7  }
0x179: {  	v18 =	vld [tilespmem:s16+$0x1400];
	vm9 =	vgt.f32 v28, v7  }
0x17a: {  	v31 =	vld [tilespmem:s16+$0x3A00];
	v7 =	vsel vm9, v28, v7  }
0x17b: {  	v19 =	vld [tilespmem:s16+$0x1300];
	vm10 =	vgt.f32 v29, v7  }
0x17c: {  	v32 =	vld [tilespmem:s16+$0x3A80];
	v7 =	vsel vm10, v29, v7  }
0x17d: {  	v20 =	vld [tilespmem:s16+$0x1200];
	vm11 =	vgt.f32 v30, v7  }
0x17e: {  	v33 =	vld [tilespmem:s16+$0x3B00];
	v7 =	vsel vm11, v30, v7  }
0x17f: {  	v21 =	vld [tilespmem:s16+$0x1100];
	vm12 =	vgt.f32 v31, v7  }
0x180: {  	v34 =	vld [tilespmem:s16+$0x3B80];
	v7 =	vsel vm12, v31, v7  }
0x181: {  	v22 =	vld [tilespmem:s16+$0x1000];
	vm13 =	vgt.f32 v32, v7  }
0x182: {  	v35 =	vld [tilespmem:s16+$0x3C00];
	v7 =	vsel vm13, v32, v7  }
0x183: {  	v23 =	vld [tilespmem:s16+$0x1080];
	vm14 =	vgt.f32 v33, v7  }
0x184: {  	v36 =	vld [tilespmem:s16+$0x3C80];
	v7 =	vsel vm14, v33, v7  }
0x185: {  	v24 =	vld [tilespmem:s16+$0x1180];
	vm15 =	vgt.f32 v34, v7  }
0x186: {  	v37 =	vld [tilespmem:s16+$0x3D00];
	v7 =	vsel vm15, v34, v7  }
0x187: {  	v25 =	vld [tilespmem:s16+$0x1280];
	v22 =	vnsel vm0, $0x0, v22;
	vm0 =	vgt.f32 v35, v7  }
0x188: {  	v38 =	vld [tilespmem:s16+$0x3D80];
	v22 =	vsel vm1, v23, v22;
	v7 =	vsel vm0, v35, v7  }
0x189: {  	v39 =	vld [tilespmem:s16+$0x1380];
	v21 =	vsel vm2, v21, v22;
	vm1 =	vgt.f32 v36, v7  }
0x18a: {  	v40 =	vld [tilespmem:s16+$0x3E00];
	v21 =	vsel vm3, v24, v21;
	v7 =	vsel vm1, v36, v7  }
0x18b: {  	v41 =	vld [tilespmem:s16+$0x1480];
	v20 =	vsel vm4, v20, v21;
	vm2 =	vgt.f32 v37, v7  }
0x18c: {  	v42 =	vld [tilespmem:s16+$0x3E80];
	v20 =	vsel vm5, v25, v20;
	v7 =	vsel vm2, v37, v7  }
0x18d: {  	v43 =	vld [tilespmem:s16+$0x1580];
	v19 =	vsel vm6, v19, v20;
	vm3 =	vgt.f32 v38, v7  }
0x18e: {  	v44 =	vld [tilespmem:s16+$0x3F00];
	v19 =	vsel vm7, v39, v19;
	v7 =	vsel vm3, v38, v7  }
0x18f: {  	v45 =	vld [tilespmem:s16+$0x1680];
	v18 =	vsel vm8, v18, v19;
	vm4 =	vgt.f32 v40, v7  }
0x190: {  	v46 =	vld [tilespmem:s16+$0x3F80];
	v18 =	vsel vm9, v41, v18;
	v7 =	vsel vm4, v40, v7  }
0x191: {  	v47 =	vld [tilespmem:s16+$0x1780];
	v17 =	vsel vm10, v17, v18;
	vm5 =	vgt.f32 v42, v7  }
0x192: {  	v48 =	vld [tilespmem:s16+$0x4000];
	v17 =	vsel vm11, v43, v17;
	v7 =	vsel vm5, v42, v7  }
0x193: {  	v49 =	vld [tilespmem:s16+$0x1880];
	v16 =	vsel vm12, v16, v17;
	vm12 =	vgt.f32 v44, v7  }
0x194: {  	v50 =	vld [tilespmem:s16+$0x4080];
	v16 =	vsel vm13, v45, v16;
	v7 =	vsel vm12, v44, v7  }
0x195: {  	v51 =	vld [tilespmem:s16+$0x1980];
	v15 =	vsel vm14, v15, v16;
	vm14 =	vgt.f32 v46, v7  }
0x196: {  	v52 =	vld [tilespmem:s16+$0x4100];
	v15 =	vsel vm15, v47, v15;
	v7 =	vsel vm14, v46, v7  }
0x197: {  	v53 =	vld [tilespmem:s16+$0x1A80];
	v14 =	vsel vm0, v14, v15;
	vm8 =	vgt.f32 v48, v7  }
0x198: {  	v54 =	vld [tilespmem:s16+$0x4180];
	v14 =	vsel vm1, v49, v14;
	v7 =	vsel vm8, v48, v7  }
0x199: {  	v55 =	vld [tilespmem:s16+$0x1B80];
	v13 =	vsel vm2, v63, v14;
	vm9 =	vgt.f32 v50, v7  }
0x19a: {  	v56 =	vld [tilespmem:s16+$0x4200];
	v13 =	vsel vm3, v51, v13;
	v7 =	vsel vm9, v50, v7  }
0x19b: {  	v57 =	vld [tilespmem:s16+$0x1C80];
	v12 =	vsel vm4, v61, v13;
	vm10 =	vgt.f32 v52, v7  }
0x19c: {  	v58 =	vld [tilespmem:s16+$0x4280];
	v12 =	vsel vm5, v53, v12;
	v7 =	vsel vm10, v52, v7  }
0x19d: {  	v11 =	vsel vm12, v59, v12;
	v59 =	vld [tilespmem:s16+$0x1D80];
	vm11 =	vgt.f32 v54, v7  }
0x19e: {  	v60 =	vld [tilespmem:s16+$0x4300];
	v11 =	vsel vm14, v55, v11;
	v7 =	vsel vm11, v54, v7  }
0x19f: {  	v61 =	vld [tilespmem:s16+$0x1E80];
	v4 =	vsel vm8, v4, v11;
	vm12 =	vgt.f32 v56, v7  }
0x1a0: {  	v62 =	vld [tilespmem:s16+$0x4380];
	v4 =	vsel vm9, v57, v4;
	v7 =	vsel vm12, v56, v7  }
0x1a1: {  	v2 =	vsel vm10, v2, v4;
	vm13 =	vgt.f32 v58, v7  }
0x1a2: {  	v2 =	vsel vm11, v59, v2;
	v63 =	vsel vm13, v58, v7  }
0x1a3: {  	v2 =	vsel vm12, v3, v2;
	vm14 =	vgt.f32 v60, v63  }
0x1a4: {  	v2 =	vsel vm13, v61, v2;
	v3 =	vsel vm14, v60, v63  }
0x1a5: {  	s13 =	sadd.s32 $0x1, s13;
	v2 =	vsel vm14, v6, v2;
	vm15 =	vgt.f32 v62, v3  }
0x1a6: {  	p0 =	sne.s32 s13, s7;
	v2 =	vsel vm15, v5, v2  }
.Ltmp2:
0x1a7: {  	[tilespmem:s16+$0x4400] =	vst v2;
	(pc) =	sbr.rel @p0 .LBB2_1-.Ltmp2, $4  }
0x1a8: {  	[hbm4b:s6+s3] =	stream.linear.scatter [tilespmem:s12], [sflag:$0x2], $0x80, $0x38;
	[tilespmem:$0x4480] =	vst v63  }
0x1a9: {  	_ =	swait.ge [sflag:s8], $0x80  }
0x1aa: {  	[sflag:s8] =	ssyncset.done $0x0  }
0x1ab: {  	[sflag:s8] =	ssyncadd.s32 $0xFFFFFF80  }
0x1ac: {  	_ =	sfence.sel $0x180000  }
0x1ad: {  	[bflag:$0x0] =	sbarrier.arrive $0xFFFF  }
0x1ae: {  	_ =	strace $0x90000047  }
0x1af: {  	s0 =	stileid.u32;
	[bflag:$0x2] =	sbarrier.arrive $0xFFFF  }
0x1b0: {  	p0 =	sne.s32 s0, $0x0;
	s0 =	rddreg [dreg:$0x2]  }
0x1b1: {  	s0 =	sadd.s32 @!p0 $0x100000, s0  }
0x1b2: {  	[sflag:s0] =	ssyncadd.tile.s32 @!p0 $0x1;
	_ =	shalt  }
.Lfunc_end2:
_tile_overlayer_lowered:
.L_overlay_start_2:
0x1b3: {  	(tag) =	ssettag $0x2  }
0x1b4: {  	s0 =	rddreg [dreg:$0x0];
	s2 =	stileid.u32  }
0x1b5: {  	s1 =	rddreg [dreg:$0x1];
	p0 =	sne.s32 s2, $0x0  }
0x1b6: {  	s3 =	rddreg [dreg:$0x2];
	[bflag:$0x3] =	sbarrier.arrive $0xFFFF;
	s2 =	simm.s32 @!p0 $0x1C02  }
0x1b7: {  	[timem:s3], [sflag:s2] =	dma.local @!p0 [hbm:s0], s1  }
0x1b8: {  	s0 =	simm.s32 @!p0 $0x2  }
0x1b9: {  	_ =	swait.ge @!p0 [sflag:s0], s1  }
0x1ba: {  	s1 =	ssub.s32 @!p0 $0x0, s1;
	[sflag:s0] =	ssyncset.done @!p0 $0x0  }
0x1bb: {  	[sflag:s0] =	ssyncadd.s32 @!p0 s1  }
0x1bc: {  	[bflag:$0x3] =	sbarrier.arrive $0xFFFF  }
0x1bd: {  	_ =	shalt  }

</sc_bundles>
